<compile_context>
chip_gen: v7x
topology: tpu7x:2x2x1
jax: 0.10.2.dev20260603
libtpu: 0.0.44.dev20260713+nightly
codegen_flags: <defaults>
</compile_context>

<pallas_src>
import functools

import jax
import jax.numpy as jnp
from jax import lax
from jax.experimental import pallas as pl
from jax.experimental.pallas import tpu as pltpu
from jax.experimental.pallas import tpu_sc as plsc

FEAT = 21
D = 128
N = 100000

_INFO = plsc.get_sparse_core_info()
NC, NS = _INFO.num_cores, _INFO.num_subcores
NW = NC * NS

CHUNK = 128
N_CHUNKS = 25
B_PER_W = N_CHUNKS * CHUNK
NPAIR = 3
GAHEAD = 5
N_PAIRS = (N_CHUNKS + 1) // 2


@functools.partial(
    pl.kernel,
    out_type=jax.ShapeDtypeStruct((N, D), jnp.float32),
    mesh=plsc.VectorSubcoreMesh(core_axis_name="c", subcore_axis_name="s"),
    scratch_types=[
        pltpu.VMEM((B_PER_W,), jnp.int32),
        pltpu.VMEM((NPAIR, 2 * CHUNK, D), jnp.float32),
        pltpu.VMEM_SHARED((FEAT, D), jnp.float32),
        pltpu.SemaphoreType.DMA((2 * NPAIR,)),
        pltpu.SemaphoreType.DMA((NPAIR,)),
        pltpu.SemaphoreType.DMA,
    ],
)
def _sc_lookup(x_hbm, table_hbm, out_hbm, idx_v, rows_v, table_v, gsem,
               ssem, isem):
    wid = lax.axis_index("s") * NC + lax.axis_index("c")
    start = pl.multiple_of(jnp.minimum(wid * B_PER_W, N - B_PER_W), 8)
    ih = pltpu.async_copy(x_hbm.at[pl.ds(start, B_PER_W)], idx_v, isem)
    @pl.when(lax.axis_index("s") == 0)
    def _stage_table():
        pltpu.sync_copy(table_hbm, table_v)

    plsc.subcore_barrier()
    ih.wait()

    gh = [None] * N_CHUNKS
    sh = [None] * N_PAIRS

    def start_gather(c):
        p = c // 2
        if c % 2 == 0 and p >= NPAIR:
            sh[p - NPAIR].wait()
        gh[c] = pltpu.async_copy(
            table_v.at[idx_v.at[pl.ds(c * CHUNK, CHUNK)]],
            rows_v.at[p % NPAIR].at[pl.ds((c % 2) * CHUNK, CHUNK)],
            gsem.at[(p % NPAIR) * 2 + (c % 2)])

    def start_store(c_last):
        p = c_last // 2
        width = CHUNK if c_last % 2 == 0 else 2 * CHUNK
        row0 = c_last - (c_last % 2)
        sh[p] = pltpu.async_copy(
            rows_v.at[p % NPAIR].at[pl.ds(0, width)],
            out_hbm.at[pl.ds(pl.multiple_of(start + row0 * CHUNK, 8), width)],
            ssem.at[p % NPAIR])

    for c in range(min(GAHEAD, N_CHUNKS)):
        start_gather(c)
    for c in range(N_CHUNKS):
        gh[c].wait()
        if c % 2 == 1 or c == N_CHUNKS - 1:
            start_store(c)
        if c + GAHEAD < N_CHUNKS:
            start_gather(c + GAHEAD)
    for p in range(max(0, N_PAIRS - NPAIR), N_PAIRS):
        sh[p].wait()


def kernel(x, table):
    return _sc_lookup(x.astype(jnp.int32), table)

# --- scband reference (transcript-rebuilt; emitter-appended) ---
"""Pipeline reference for scband-node-encoder-88399016887079 (READ-ONLY COPY).

The authoritative reference and input builder live on the scoring server;
editing this copy changes nothing except your own understanding.
"""

import jax, jax.numpy as jnp
import numpy as np

FULL_NODE_FEATURE_DIMS = 21
EMB_DIM = 128
N_NODES = 100000

def setup_inputs(seed: int = 0) -> dict:
    key = jax.random.key(seed)
    k1, k2 = jax.random.split(key)
    x = jax.random.randint(k1, (N_NODES,), 0, FULL_NODE_FEATURE_DIMS, dtype=jnp.int64 if jax.config.jax_enable_x64 else jnp.int32)
    # Xavier uniform init for embedding table [21, emb_dim]
    fan_in, fan_out = FULL_NODE_FEATURE_DIMS, EMB_DIM
    limit = float(np.sqrt(6.0 / (fan_in + fan_out)))
    table = jax.random.uniform(k2, (FULL_NODE_FEATURE_DIMS, EMB_DIM), dtype=jnp.float32, minval=-limit, maxval=limit)
    return {"x": x, "table": table}

def reference(x, table):
    # nn.Embedding lookup: table[x]
    return jnp.take(table, x, axis=0)

if __name__ == "__main__":
    import jax
    _d = setup_inputs()
    print(jax.jit(kernel)(*tuple(_d.values())))

</pallas_src>

<mosaic_0001>
#map = affine_map<(d0, d1) -> (0)>
#map1 = affine_map<(d0, d1) -> (0, 0)>
module attributes {stable_mosaic.version = 14 : i64} {
  func.func @_sc_lookup(%arg0: i32, %arg1: i32, %arg2: memref<100000xi32, #tpu.memory_space<hbm>>, %arg3: memref<21x128xf32, #tpu.memory_space<hbm>>, %arg4: memref<100000x128xf32, #tpu.memory_space<hbm>>, %arg5: memref<3200xi32, #tpu.memory_space<vmem>>, %arg6: memref<3x256x128xf32, #tpu.memory_space<vmem>>, %arg7: memref<21x128xf32, #tpu.memory_space<vmem_shared>>, %arg8: memref<6x!tpu.dma_semaphore, #tpu.memory_space<semaphore_mem>>, %arg9: memref<3x!tpu.dma_semaphore, #tpu.memory_space<semaphore_mem>>, %arg10: memref<!tpu.dma_semaphore, #tpu.memory_space<semaphore_mem>>) attributes {dimension_semantics = [#tpu.dimension_semantics<core_parallel>, #tpu.dimension_semantics<subcore_parallel>], iteration_bounds = array<i64: 2, 16>, scalar_prefetch = 0 : i64, scratch_operands = 6 : i64, tpu.core_type = #tpu.core_type<sc_vector_subcore>, window_params = [{transform_indices = #map}, {transform_indices = #map1}, {transform_indices = #map1}]} {
    %mul3A = arith.constant 2 : i32
    %mul3A_0 = arith.muli %arg1, %mul3A : i32
    %add3A = arith.addi %mul3A_0, %arg0 : i32
    %mul3A_1 = arith.constant 3200 : i32
    %mul3A_2 = arith.muli %add3A, %mul3A_1 : i32
    %min3A = arith.constant 96800 : i32
    %min3A_3 = arith.minsi %mul3A_2, %min3A : i32
    %multiple_of3A = tpu.assume_multiple %min3A_3, 8 : i32
    %dma_start3A = tpu.memref_slice %arg2[%multiple_of3A] : memref<100000xi32, #tpu.memory_space<hbm>> -> memref<3200xi32, #tpu.memory_space<hbm>>
    %dma_start3A_4 = tpu.memref_slice %arg2[%multiple_of3A] : memref<100000xi32, #tpu.memory_space<hbm>> -> memref<3200xi32, #tpu.memory_space<hbm>>
    tpu.enqueue_dma source(%dma_start3A_4 : memref<3200xi32, #tpu.memory_space<hbm>>) target(%arg5 : memref<3200xi32, #tpu.memory_space<vmem>>) target_semaphore(%arg10 : memref<!tpu.dma_semaphore, #tpu.memory_space<semaphore_mem>>)
    %eq3A = arith.constant 0 : i32
    %eq3A_5 = arith.cmpi eq, %arg1, %eq3A : i32
    %convert_element_type3A = arith.extui %eq3A_5 : i1 to i32
    %cond3A = arith.constant 0 : i32
    %cond3A_6 = arith.cmpi ne, %convert_element_type3A, %cond3A : i32
    scf.if %cond3A_6 {
      "tpu.region"() ({
        %run_scoped3A = tpu.sem_alloc : memref<!tpu.dma_semaphore, #tpu.memory_space<semaphore_mem>>
        tpu.enqueue_dma source(%arg3 : memref<21x128xf32, #tpu.memory_space<hbm>>) target(%arg7 : memref<21x128xf32, #tpu.memory_space<vmem_shared>>) target_semaphore(%run_scoped3A : memref<!tpu.dma_semaphore, #tpu.memory_space<semaphore_mem>>)
        tpu.wait_dma2 semaphore(%run_scoped3A : memref<!tpu.dma_semaphore, #tpu.memory_space<semaphore_mem>>) src(%arg3 : memref<21x128xf32, #tpu.memory_space<hbm>>) dst(%arg7 : memref<21x128xf32, #tpu.memory_space<vmem_shared>>)
        tpu.yield
      }) : () -> ()
    } else {
    }
    %barrier3A = arith.constant 0 : index
    tpu.barrier barrier_id(%barrier3A)
    %dma_wait3A = tpu.memref_slice %arg2[%multiple_of3A] : memref<100000xi32, #tpu.memory_space<hbm>> -> memref<3200xi32, #tpu.memory_space<hbm>>
    %dma_wait3A_7 = tpu.memref_slice %arg2[%multiple_of3A] : memref<100000xi32, #tpu.memory_space<hbm>> -> memref<3200xi32, #tpu.memory_space<hbm>>
    tpu.wait_dma2 semaphore(%arg10 : memref<!tpu.dma_semaphore, #tpu.memory_space<semaphore_mem>>) src(%dma_wait3A_7 : memref<3200xi32, #tpu.memory_space<hbm>>) dst(%arg5 : memref<3200xi32, #tpu.memory_space<vmem>>)
    %dma_start3A_8 = arith.constant 0 : i32
    %dma_start3A_9 = arith.constant 0 : i32
    %dma_start3A_10 = arith.constant 0 : i32
    %dma_start3A_11 = arith.constant 0 : i32
    %dma_start3A_12 = tpu.memref_slice %arg6[%dma_start3A_8, %dma_start3A_10, %dma_start3A_11] : memref<3x256x128xf32, #tpu.memory_space<vmem>> -> memref<1x256x128xf32, #tpu.memory_space<vmem>>
    %dma_start3A_13 = tpu.memref_squeeze %dma_start3A_12 : memref<1x256x128xf32, #tpu.memory_space<vmem>> -> memref<256x128xf32, #tpu.memory_space<vmem>>
    %dma_start3A_14 = arith.constant 0 : i32
    %dma_start3A_15 = arith.constant 0 : i32
    %dma_start3A_16 = tpu.memref_slice %dma_start3A_13[%dma_start3A_14, %dma_start3A_15] : memref<256x128xf32, #tpu.memory_space<vmem>> -> memref<128x128xf32, #tpu.memory_space<vmem>>
    %dma_start3A_17 = arith.constant 0 : i32
    %dma_start3A_18 = tpu.memref_slice %arg5[%dma_start3A_17] : memref<3200xi32, #tpu.memory_space<vmem>> -> memref<128xi32, #tpu.memory_space<vmem>>
    %dma_start3A_19 = arith.constant 0 : i32
    %dma_start3A_20 = arith.constant 0 : i32
    %dma_start3A_21 = tpu.memref_slice %arg7[%dma_start3A_19, %dma_start3A_20] : memref<21x128xf32, #tpu.memory_space<vmem_shared>> -> memref<21x128xf32, #tpu.memory_space<vmem_shared>>
    %dma_start3A_22 = tpu.memref_slice %arg8[%dma_start3A_9] : memref<6x!tpu.dma_semaphore, #tpu.memory_space<semaphore_mem>> -> memref<1x!tpu.dma_semaphore, #tpu.memory_space<semaphore_mem>>
    %dma_start3A_23 = tpu.memref_squeeze %dma_start3A_22 : memref<1x!tpu.dma_semaphore, #tpu.memory_space<semaphore_mem>> -> memref<!tpu.dma_semaphore, #tpu.memory_space<semaphore_mem>>
    tpu.enqueue_indirect_dma source(%dma_start3A_21 : memref<21x128xf32, #tpu.memory_space<vmem_shared>>) target(%dma_start3A_16 : memref<128x128xf32, #tpu.memory_space<vmem>>) offsets(%dma_start3A_18 : memref<128xi32, #tpu.memory_space<vmem>>) semaphore(%dma_start3A_23 : memref<!tpu.dma_semaphore, #tpu.memory_space<semaphore_mem>>)
    %dma_start3A_24 = arith.constant 0 : i32
    %dma_start3A_25 = arith.constant 1 : i32
    %dma_start3A_26 = arith.constant 0 : i32
    %dma_start3A_27 = arith.constant 0 : i32
    %dma_start3A_28 = tpu.memref_slice %arg6[%dma_start3A_24, %dma_start3A_26, %dma_start3A_27] : memref<3x256x128xf32, #tpu.memory_space<vmem>> -> memref<1x256x128xf32, #tpu.memory_space<vmem>>
    %dma_start3A_29 = tpu.memref_squeeze %dma_start3A_28 : memref<1x256x128xf32, #tpu.memory_space<vmem>> -> memref<256x128xf32, #tpu.memory_space<vmem>>
    %dma_start3A_30 = arith.constant 128 : i32
    %dma_start3A_31 = arith.constant 0 : i32
    %dma_start3A_32 = tpu.memref_slice %dma_start3A_29[%dma_start3A_30, %dma_start3A_31] : memref<256x128xf32, #tpu.memory_space<vmem>> -> memref<128x128xf32, #tpu.memory_space<vmem>>
    %dma_start3A_33 = arith.constant 128 : i32
    %dma_start3A_34 = tpu.memref_slice %arg5[%dma_start3A_33] : memref<3200xi32, #tpu.memory_space<vmem>> -> memref<128xi32, #tpu.memory_space<vmem>>
    %dma_start3A_35 = arith.constant 0 : i32
    %dma_start3A_36 = arith.constant 0 : i32
    %dma_start3A_37 = tpu.memref_slice %arg7[%dma_start3A_35, %dma_start3A_36] : memref<21x128xf32, #tpu.memory_space<vmem_shared>> -> memref<21x128xf32, #tpu.memory_space<vmem_shared>>
    %dma_start3A_38 = tpu.memref_slice %arg8[%dma_start3A_25] : memref<6x!tpu.dma_semaphore, #tpu.memory_space<semaphore_mem>> -> memref<1x!tpu.dma_semaphore, #tpu.memory_space<semaphore_mem>>
    %dma_start3A_39 = tpu.memref_squeeze %dma_start3A_38 : memref<1x!tpu.dma_semaphore, #tpu.memory_space<semaphore_mem>> -> memref<!tpu.dma_semaphore, #tpu.memory_space<semaphore_mem>>
    tpu.enqueue_indirect_dma source(%dma_start3A_37 : memref<21x128xf32, #tpu.memory_space<vmem_shared>>) target(%dma_start3A_32 : memref<128x128xf32, #tpu.memory_space<vmem>>) offsets(%dma_start3A_34 : memref<128xi32, #tpu.memory_space<vmem>>) semaphore(%dma_start3A_39 : memref<!tpu.dma_semaphore, #tpu.memory_space<semaphore_mem>>)
    %dma_start3A_40 = arith.constant 1 : i32
    %dma_start3A_41 = arith.constant 2 : i32
    %dma_start3A_42 = arith.constant 0 : i32
    %dma_start3A_43 = arith.constant 0 : i32
    %dma_start3A_44 = tpu.memref_slice %arg6[%dma_start3A_40, %dma_start3A_42, %dma_start3A_43] : memref<3x256x128xf32, #tpu.memory_space<vmem>> -> memref<1x256x128xf32, #tpu.memory_space<vmem>>
    %dma_start3A_45 = tpu.memref_squeeze %dma_start3A_44 : memref<1x256x128xf32, #tpu.memory_space<vmem>> -> memref<256x128xf32, #tpu.memory_space<vmem>>
    %dma_start3A_46 = arith.constant 0 : i32
    %dma_start3A_47 = arith.constant 0 : i32
    %dma_start3A_48 = tpu.memref_slice %dma_start3A_45[%dma_start3A_46, %dma_start3A_47] : memref<256x128xf32, #tpu.memory_space<vmem>> -> memref<128x128xf32, #tpu.memory_space<vmem>>
    %dma_start3A_49 = arith.constant 256 : i32
    %dma_start3A_50 = tpu.memref_slice %arg5[%dma_start3A_49] : memref<3200xi32, #tpu.memory_space<vmem>> -> memref<128xi32, #tpu.memory_space<vmem>>
    %dma_start3A_51 = arith.constant 0 : i32
    %dma_start3A_52 = arith.constant 0 : i32
    %dma_start3A_53 = tpu.memref_slice %arg7[%dma_start3A_51, %dma_start3A_52] : memref<21x128xf32, #tpu.memory_space<vmem_shared>> -> memref<21x128xf32, #tpu.memory_space<vmem_shared>>
    %dma_start3A_54 = tpu.memref_slice %arg8[%dma_start3A_41] : memref<6x!tpu.dma_semaphore, #tpu.memory_space<semaphore_mem>> -> memref<1x!tpu.dma_semaphore, #tpu.memory_space<semaphore_mem>>
    %dma_start3A_55 = tpu.memref_squeeze %dma_start3A_54 : memref<1x!tpu.dma_semaphore, #tpu.memory_space<semaphore_mem>> -> memref<!tpu.dma_semaphore, #tpu.memory_space<semaphore_mem>>
    tpu.enqueue_indirect_dma source(%dma_start3A_53 : memref<21x128xf32, #tpu.memory_space<vmem_shared>>) target(%dma_start3A_48 : memref<128x128xf32, #tpu.memory_space<vmem>>) offsets(%dma_start3A_50 : memref<128xi32, #tpu.memory_space<vmem>>) semaphore(%dma_start3A_55 : memref<!tpu.dma_semaphore, #tpu.memory_space<semaphore_mem>>)
    %dma_start3A_56 = arith.constant 1 : i32
    %dma_start3A_57 = arith.constant 3 : i32
    %dma_start3A_58 = arith.constant 0 : i32
    %dma_start3A_59 = arith.constant 0 : i32
    %dma_start3A_60 = tpu.memref_slice %arg6[%dma_start3A_56, %dma_start3A_58, %dma_start3A_59] : memref<3x256x128xf32, #tpu.memory_space<vmem>> -> memref<1x256x128xf32, #tpu.memory_space<vmem>>
    %dma_start3A_61 = tpu.memref_squeeze %dma_start3A_60 : memref<1x256x128xf32, #tpu.memory_space<vmem>> -> memref<256x128xf32, #tpu.memory_space<vmem>>
    %dma_start3A_62 = arith.constant 128 : i32
    %dma_start3A_63 = arith.constant 0 : i32
    %dma_start3A_64 = tpu.memref_slice %dma_start3A_61[%dma_start3A_62, %dma_start3A_63] : memref<256x128xf32, #tpu.memory_space<vmem>> -> memref<128x128xf32, #tpu.memory_space<vmem>>
    %dma_start3A_65 = arith.constant 384 : i32
    %dma_start3A_66 = tpu.memref_slice %arg5[%dma_start3A_65] : memref<3200xi32, #tpu.memory_space<vmem>> -> memref<128xi32, #tpu.memory_space<vmem>>
    %dma_start3A_67 = arith.constant 0 : i32
    %dma_start3A_68 = arith.constant 0 : i32
    %dma_start3A_69 = tpu.memref_slice %arg7[%dma_start3A_67, %dma_start3A_68] : memref<21x128xf32, #tpu.memory_space<vmem_shared>> -> memref<21x128xf32, #tpu.memory_space<vmem_shared>>
    %dma_start3A_70 = tpu.memref_slice %arg8[%dma_start3A_57] : memref<6x!tpu.dma_semaphore, #tpu.memory_space<semaphore_mem>> -> memref<1x!tpu.dma_semaphore, #tpu.memory_space<semaphore_mem>>
    %dma_start3A_71 = tpu.memref_squeeze %dma_start3A_70 : memref<1x!tpu.dma_semaphore, #tpu.memory_space<semaphore_mem>> -> memref<!tpu.dma_semaphore, #tpu.memory_space<semaphore_mem>>
    tpu.enqueue_indirect_dma source(%dma_start3A_69 : memref<21x128xf32, #tpu.memory_space<vmem_shared>>) target(%dma_start3A_64 : memref<128x128xf32, #tpu.memory_space<vmem>>) offsets(%dma_start3A_66 : memref<128xi32, #tpu.memory_space<vmem>>) semaphore(%dma_start3A_71 : memref<!tpu.dma_semaphore, #tpu.memory_space<semaphore_mem>>)
    %dma_start3A_72 = arith.constant 2 : i32
    %dma_start3A_73 = arith.constant 4 : i32
    %dma_start3A_74 = arith.constant 0 : i32
    %dma_start3A_75 = arith.constant 0 : i32
    %dma_start3A_76 = tpu.memref_slice %arg6[%dma_start3A_72, %dma_start3A_74, %dma_start3A_75] : memref<3x256x128xf32, #tpu.memory_space<vmem>> -> memref<1x256x128xf32, #tpu.memory_space<vmem>>
    %dma_start3A_77 = tpu.memref_squeeze %dma_start3A_76 : memref<1x256x128xf32, #tpu.memory_space<vmem>> -> memref<256x128xf32, #tpu.memory_space<vmem>>
    %dma_start3A_78 = arith.constant 0 : i32
    %dma_start3A_79 = arith.constant 0 : i32
    %dma_start3A_80 = tpu.memref_slice %dma_start3A_77[%dma_start3A_78, %dma_start3A_79] : memref<256x128xf32, #tpu.memory_space<vmem>> -> memref<128x128xf32, #tpu.memory_space<vmem>>
    %dma_start3A_81 = arith.constant 512 : i32
    %dma_start3A_82 = tpu.memref_slice %arg5[%dma_start3A_81] : memref<3200xi32, #tpu.memory_space<vmem>> -> memref<128xi32, #tpu.memory_space<vmem>>
    %dma_start3A_83 = arith.constant 0 : i32
    %dma_start3A_84 = arith.constant 0 : i32
    %dma_start3A_85 = tpu.memref_slice %arg7[%dma_start3A_83, %dma_start3A_84] : memref<21x128xf32, #tpu.memory_space<vmem_shared>> -> memref<21x128xf32, #tpu.memory_space<vmem_shared>>
    %dma_start3A_86 = tpu.memref_slice %arg8[%dma_start3A_73] : memref<6x!tpu.dma_semaphore, #tpu.memory_space<semaphore_mem>> -> memref<1x!tpu.dma_semaphore, #tpu.memory_space<semaphore_mem>>
    %dma_start3A_87 = tpu.memref_squeeze %dma_start3A_86 : memref<1x!tpu.dma_semaphore, #tpu.memory_space<semaphore_mem>> -> memref<!tpu.dma_semaphore, #tpu.memory_space<semaphore_mem>>
    tpu.enqueue_indirect_dma source(%dma_start3A_85 : memref<21x128xf32, #tpu.memory_space<vmem_shared>>) target(%dma_start3A_80 : memref<128x128xf32, #tpu.memory_space<vmem>>) offsets(%dma_start3A_82 : memref<128xi32, #tpu.memory_space<vmem>>) semaphore(%dma_start3A_87 : memref<!tpu.dma_semaphore, #tpu.memory_space<semaphore_mem>>)
    %dma_wait3A_88 = arith.constant 0 : i32
    %dma_wait3A_89 = arith.constant 0 : i32
    %dma_wait3A_90 = arith.constant 0 : i32
    %dma_wait3A_91 = arith.constant 0 : i32
    %dma_wait3A_92 = tpu.memref_slice %arg6[%dma_wait3A_88, %dma_wait3A_90, %dma_wait3A_91] : memref<3x256x128xf32, #tpu.memory_space<vmem>> -> memref<1x256x128xf32, #tpu.memory_space<vmem>>
    %dma_wait3A_93 = tpu.memref_squeeze %dma_wait3A_92 : memref<1x256x128xf32, #tpu.memory_space<vmem>> -> memref<256x128xf32, #tpu.memory_space<vmem>>
    %dma_wait3A_94 = arith.constant 0 : i32
    %dma_wait3A_95 = arith.constant 0 : i32
    %dma_wait3A_96 = tpu.memref_slice %dma_wait3A_93[%dma_wait3A_94, %dma_wait3A_95] : memref<256x128xf32, #tpu.memory_space<vmem>> -> memref<128x128xf32, #tpu.memory_space<vmem>>
    %dma_wait3A_97 = arith.constant 0 : i32
    %dma_wait3A_98 = tpu.memref_slice %arg5[%dma_wait3A_97] : memref<3200xi32, #tpu.memory_space<vmem>> -> memref<128xi32, #tpu.memory_space<vmem>>
    %dma_wait3A_99 = arith.constant 0 : i32
    %dma_wait3A_100 = arith.constant 0 : i32
    %dma_wait3A_101 = tpu.memref_slice %arg7[%dma_wait3A_99, %dma_wait3A_100] : memref<21x128xf32, #tpu.memory_space<vmem_shared>> -> memref<21x128xf32, #tpu.memory_space<vmem_shared>>
    %dma_wait3A_102 = tpu.memref_slice %arg8[%dma_wait3A_89] : memref<6x!tpu.dma_semaphore, #tpu.memory_space<semaphore_mem>> -> memref<1x!tpu.dma_semaphore, #tpu.memory_space<semaphore_mem>>
    %dma_wait3A_103 = tpu.memref_squeeze %dma_wait3A_102 : memref<1x!tpu.dma_semaphore, #tpu.memory_space<semaphore_mem>> -> memref<!tpu.dma_semaphore, #tpu.memory_space<semaphore_mem>>
    tpu.wait_indirect_dma semaphore(%dma_wait3A_103 : memref<!tpu.dma_semaphore, #tpu.memory_space<semaphore_mem>>) src(%dma_wait3A_101 : memref<21x128xf32, #tpu.memory_space<vmem_shared>>) dst(%dma_wait3A_96 : memref<128x128xf32, #tpu.memory_space<vmem>>)
    %dma_start3A_104 = arith.constant 2 : i32
    %dma_start3A_105 = arith.constant 5 : i32
    %dma_start3A_106 = arith.constant 0 : i32
    %dma_start3A_107 = arith.constant 0 : i32
    %dma_start3A_108 = tpu.memref_slice %arg6[%dma_start3A_104, %dma_start3A_106, %dma_start3A_107] : memref<3x256x128xf32, #tpu.memory_space<vmem>> -> memref<1x256x128xf32, #tpu.memory_space<vmem>>
    %dma_start3A_109 = tpu.memref_squeeze %dma_start3A_108 : memref<1x256x128xf32, #tpu.memory_space<vmem>> -> memref<256x128xf32, #tpu.memory_space<vmem>>
    %dma_start3A_110 = arith.constant 128 : i32
    %dma_start3A_111 = arith.constant 0 : i32
    %dma_start3A_112 = tpu.memref_slice %dma_start3A_109[%dma_start3A_110, %dma_start3A_111] : memref<256x128xf32, #tpu.memory_space<vmem>> -> memref<128x128xf32, #tpu.memory_space<vmem>>
    %dma_start3A_113 = arith.constant 640 : i32
    %dma_start3A_114 = tpu.memref_slice %arg5[%dma_start3A_113] : memref<3200xi32, #tpu.memory_space<vmem>> -> memref<128xi32, #tpu.memory_space<vmem>>
    %dma_start3A_115 = arith.constant 0 : i32
    %dma_start3A_116 = arith.constant 0 : i32
    %dma_start3A_117 = tpu.memref_slice %arg7[%dma_start3A_115, %dma_start3A_116] : memref<21x128xf32, #tpu.memory_space<vmem_shared>> -> memref<21x128xf32, #tpu.memory_space<vmem_shared>>
    %dma_start3A_118 = tpu.memref_slice %arg8[%dma_start3A_105] : memref<6x!tpu.dma_semaphore, #tpu.memory_space<semaphore_mem>> -> memref<1x!tpu.dma_semaphore, #tpu.memory_space<semaphore_mem>>
    %dma_start3A_119 = tpu.memref_squeeze %dma_start3A_118 : memref<1x!tpu.dma_semaphore, #tpu.memory_space<semaphore_mem>> -> memref<!tpu.dma_semaphore, #tpu.memory_space<semaphore_mem>>
    tpu.enqueue_indirect_dma source(%dma_start3A_117 : memref<21x128xf32, #tpu.memory_space<vmem_shared>>) target(%dma_start3A_112 : memref<128x128xf32, #tpu.memory_space<vmem>>) offsets(%dma_start3A_114 : memref<128xi32, #tpu.memory_space<vmem>>) semaphore(%dma_start3A_119 : memref<!tpu.dma_semaphore, #tpu.memory_space<semaphore_mem>>)
    %dma_wait3A_120 = arith.constant 0 : i32
    %dma_wait3A_121 = arith.constant 1 : i32
    %dma_wait3A_122 = arith.constant 0 : i32
    %dma_wait3A_123 = arith.constant 0 : i32
    %dma_wait3A_124 = tpu.memref_slice %arg6[%dma_wait3A_120, %dma_wait3A_122, %dma_wait3A_123] : memref<3x256x128xf32, #tpu.memory_space<vmem>> -> memref<1x256x128xf32, #tpu.memory_space<vmem>>
    %dma_wait3A_125 = tpu.memref_squeeze %dma_wait3A_124 : memref<1x256x128xf32, #tpu.memory_space<vmem>> -> memref<256x128xf32, #tpu.memory_space<vmem>>
    %dma_wait3A_126 = arith.constant 128 : i32
    %dma_wait3A_127 = arith.constant 0 : i32
    %dma_wait3A_128 = tpu.memref_slice %dma_wait3A_125[%dma_wait3A_126, %dma_wait3A_127] : memref<256x128xf32, #tpu.memory_space<vmem>> -> memref<128x128xf32, #tpu.memory_space<vmem>>
    %dma_wait3A_129 = arith.constant 128 : i32
    %dma_wait3A_130 = tpu.memref_slice %arg5[%dma_wait3A_129] : memref<3200xi32, #tpu.memory_space<vmem>> -> memref<128xi32, #tpu.memory_space<vmem>>
    %dma_wait3A_131 = arith.constant 0 : i32
    %dma_wait3A_132 = arith.constant 0 : i32
    %dma_wait3A_133 = tpu.memref_slice %arg7[%dma_wait3A_131, %dma_wait3A_132] : memref<21x128xf32, #tpu.memory_space<vmem_shared>> -> memref<21x128xf32, #tpu.memory_space<vmem_shared>>
    %dma_wait3A_134 = tpu.memref_slice %arg8[%dma_wait3A_121] : memref<6x!tpu.dma_semaphore, #tpu.memory_space<semaphore_mem>> -> memref<1x!tpu.dma_semaphore, #tpu.memory_space<semaphore_mem>>
    %dma_wait3A_135 = tpu.memref_squeeze %dma_wait3A_134 : memref<1x!tpu.dma_semaphore, #tpu.memory_space<semaphore_mem>> -> memref<!tpu.dma_semaphore, #tpu.memory_space<semaphore_mem>>
    tpu.wait_indirect_dma semaphore(%dma_wait3A_135 : memref<!tpu.dma_semaphore, #tpu.memory_space<semaphore_mem>>) src(%dma_wait3A_133 : memref<21x128xf32, #tpu.memory_space<vmem_shared>>) dst(%dma_wait3A_128 : memref<128x128xf32, #tpu.memory_space<vmem>>)
    %add3A_136 = arith.constant 0 : i32
    %add3A_137 = arith.addi %multiple_of3A, %add3A_136 : i32
    %multiple_of3A_138 = tpu.assume_multiple %add3A_137, 8 : i32
    %dma_start3A_139 = arith.constant 0 : i32
    %dma_start3A_140 = arith.constant 0 : i32
    %dma_start3A_141 = arith.constant 0 : i32
    %dma_start3A_142 = arith.constant 0 : i32
    %dma_start3A_143 = tpu.memref_slice %arg6[%dma_start3A_139, %dma_start3A_141, %dma_start3A_142] : memref<3x256x128xf32, #tpu.memory_space<vmem>> -> memref<1x256x128xf32, #tpu.memory_space<vmem>>
    %dma_start3A_144 = tpu.memref_squeeze %dma_start3A_143 : memref<1x256x128xf32, #tpu.memory_space<vmem>> -> memref<256x128xf32, #tpu.memory_space<vmem>>
    %dma_start3A_145 = arith.constant 0 : i32
    %dma_start3A_146 = arith.constant 0 : i32
    %dma_start3A_147 = tpu.memref_slice %dma_start3A_144[%dma_start3A_145, %dma_start3A_146] : memref<256x128xf32, #tpu.memory_space<vmem>> -> memref<256x128xf32, #tpu.memory_space<vmem>>
    %dma_start3A_148 = arith.constant 0 : i32
    %dma_start3A_149 = tpu.memref_slice %arg4[%multiple_of3A_138, %dma_start3A_148] : memref<100000x128xf32, #tpu.memory_space<hbm>> -> memref<256x128xf32, #tpu.memory_space<hbm>>
    %dma_start3A_150 = tpu.memref_slice %arg9[%dma_start3A_140] : memref<3x!tpu.dma_semaphore, #tpu.memory_space<semaphore_mem>> -> memref<1x!tpu.dma_semaphore, #tpu.memory_space<semaphore_mem>>
    %dma_start3A_151 = tpu.memref_squeeze %dma_start3A_150 : memref<1x!tpu.dma_semaphore, #tpu.memory_space<semaphore_mem>> -> memref<!tpu.dma_semaphore, #tpu.memory_space<semaphore_mem>>
    %dma_start3A_152 = arith.constant 0 : i32
    %dma_start3A_153 = tpu.memref_slice %arg4[%multiple_of3A_138, %dma_start3A_152] : memref<100000x128xf32, #tpu.memory_space<hbm>> -> memref<256x128xf32, #tpu.memory_space<hbm>>
    %dma_start3A_154 = arith.constant 0 : i32
    %dma_start3A_155 = arith.constant 0 : i32
    %dma_start3A_156 = tpu.memref_slice %arg6[%dma_start3A_139, %dma_start3A_154, %dma_start3A_155] : memref<3x256x128xf32, #tpu.memory_space<vmem>> -> memref<1x256x128xf32, #tpu.memory_space<vmem>>
    %dma_start3A_157 = tpu.memref_squeeze %dma_start3A_156 : memref<1x256x128xf32, #tpu.memory_space<vmem>> -> memref<256x128xf32, #tpu.memory_space<vmem>>
    %dma_start3A_158 = arith.constant 0 : i32
    %dma_start3A_159 = arith.constant 0 : i32
    %dma_start3A_160 = tpu.memref_slice %dma_start3A_157[%dma_start3A_158, %dma_start3A_159] : memref<256x128xf32, #tpu.memory_space<vmem>> -> memref<256x128xf32, #tpu.memory_space<vmem>>
    tpu.enqueue_dma source(%dma_start3A_160 : memref<256x128xf32, #tpu.memory_space<vmem>>) target(%dma_start3A_153 : memref<256x128xf32, #tpu.memory_space<hbm>>) target_semaphore(%dma_start3A_151 : memref<!tpu.dma_semaphore, #tpu.memory_space<semaphore_mem>>)
    %dma_wait3A_161 = arith.constant 0 : i32
    %dma_wait3A_162 = arith.constant 0 : i32
    %dma_wait3A_163 = arith.constant 0 : i32
    %dma_wait3A_164 = arith.constant 0 : i32
    %dma_wait3A_165 = tpu.memref_slice %arg6[%dma_wait3A_161, %dma_wait3A_163, %dma_wait3A_164] : memref<3x256x128xf32, #tpu.memory_space<vmem>> -> memref<1x256x128xf32, #tpu.memory_space<vmem>>
    %dma_wait3A_166 = tpu.memref_squeeze %dma_wait3A_165 : memref<1x256x128xf32, #tpu.memory_space<vmem>> -> memref<256x128xf32, #tpu.memory_space<vmem>>
    %dma_wait3A_167 = arith.constant 0 : i32
    %dma_wait3A_168 = arith.constant 0 : i32
    %dma_wait3A_169 = tpu.memref_slice %dma_wait3A_166[%dma_wait3A_167, %dma_wait3A_168] : memref<256x128xf32, #tpu.memory_space<vmem>> -> memref<256x128xf32, #tpu.memory_space<vmem>>
    %dma_wait3A_170 = arith.constant 0 : i32
    %dma_wait3A_171 = tpu.memref_slice %arg4[%multiple_of3A_138, %dma_wait3A_170] : memref<100000x128xf32, #tpu.memory_space<hbm>> -> memref<256x128xf32, #tpu.memory_space<hbm>>
    %dma_wait3A_172 = tpu.memref_slice %arg9[%dma_wait3A_162] : memref<3x!tpu.dma_semaphore, #tpu.memory_space<semaphore_mem>> -> memref<1x!tpu.dma_semaphore, #tpu.memory_space<semaphore_mem>>
    %dma_wait3A_173 = tpu.memref_squeeze %dma_wait3A_172 : memref<1x!tpu.dma_semaphore, #tpu.memory_space<semaphore_mem>> -> memref<!tpu.dma_semaphore, #tpu.memory_space<semaphore_mem>>
    %dma_wait3A_174 = arith.constant 0 : i32
    %dma_wait3A_175 = tpu.memref_slice %arg4[%multiple_of3A_138, %dma_wait3A_174] : memref<100000x128xf32, #tpu.memory_space<hbm>> -> memref<256x128xf32, #tpu.memory_space<hbm>>
    %dma_wait3A_176 = arith.constant 0 : i32
    %dma_wait3A_177 = arith.constant 0 : i32
    %dma_wait3A_178 = tpu.memref_slice %arg6[%dma_wait3A_161, %dma_wait3A_176, %dma_wait3A_177] : memref<3x256x128xf32, #tpu.memory_space<vmem>> -> memref<1x256x128xf32, #tpu.memory_space<vmem>>
    %dma_wait3A_179 = tpu.memref_squeeze %dma_wait3A_178 : memref<1x256x128xf32, #tpu.memory_space<vmem>> -> memref<256x128xf32, #tpu.memory_space<vmem>>
    %dma_wait3A_180 = arith.constant 0 : i32
    %dma_wait3A_181 = arith.constant 0 : i32
    %dma_wait3A_182 = tpu.memref_slice %dma_wait3A_179[%dma_wait3A_180, %dma_wait3A_181] : memref<256x128xf32, #tpu.memory_space<vmem>> -> memref<256x128xf32, #tpu.memory_space<vmem>>
    tpu.wait_dma2 semaphore(%dma_wait3A_173 : memref<!tpu.dma_semaphore, #tpu.memory_space<semaphore_mem>>) src(%dma_wait3A_182 : memref<256x128xf32, #tpu.memory_space<vmem>>) dst(%dma_wait3A_175 : memref<256x128xf32, #tpu.memory_space<hbm>>)
    %dma_start3A_183 = arith.constant 0 : i32
    %dma_start3A_184 = arith.constant 0 : i32
    %dma_start3A_185 = arith.constant 0 : i32
    %dma_start3A_186 = arith.constant 0 : i32
    %dma_start3A_187 = tpu.memref_slice %arg6[%dma_start3A_183, %dma_start3A_185, %dma_start3A_186] : memref<3x256x128xf32, #tpu.memory_space<vmem>> -> memref<1x256x128xf32, #tpu.memory_space<vmem>>
    %dma_start3A_188 = tpu.memref_squeeze %dma_start3A_187 : memref<1x256x128xf32, #tpu.memory_space<vmem>> -> memref<256x128xf32, #tpu.memory_space<vmem>>
    %dma_start3A_189 = arith.constant 0 : i32
    %dma_start3A_190 = arith.constant 0 : i32
    %dma_start3A_191 = tpu.memref_slice %dma_start3A_188[%dma_start3A_189, %dma_start3A_190] : memref<256x128xf32, #tpu.memory_space<vmem>> -> memref<128x128xf32, #tpu.memory_space<vmem>>
    %dma_start3A_192 = arith.constant 768 : i32
    %dma_start3A_193 = tpu.memref_slice %arg5[%dma_start3A_192] : memref<3200xi32, #tpu.memory_space<vmem>> -> memref<128xi32, #tpu.memory_space<vmem>>
    %dma_start3A_194 = arith.constant 0 : i32
    %dma_start3A_195 = arith.constant 0 : i32
    %dma_start3A_196 = tpu.memref_slice %arg7[%dma_start3A_194, %dma_start3A_195] : memref<21x128xf32, #tpu.memory_space<vmem_shared>> -> memref<21x128xf32, #tpu.memory_space<vmem_shared>>
    %dma_start3A_197 = tpu.memref_slice %arg8[%dma_start3A_184] : memref<6x!tpu.dma_semaphore, #tpu.memory_space<semaphore_mem>> -> memref<1x!tpu.dma_semaphore, #tpu.memory_space<semaphore_mem>>
    %dma_start3A_198 = tpu.memref_squeeze %dma_start3A_197 : memref<1x!tpu.dma_semaphore, #tpu.memory_space<semaphore_mem>> -> memref<!tpu.dma_semaphore, #tpu.memory_space<semaphore_mem>>
    tpu.enqueue_indirect_dma source(%dma_start3A_196 : memref<21x128xf32, #tpu.memory_space<vmem_shared>>) target(%dma_start3A_191 : memref<128x128xf32, #tpu.memory_space<vmem>>) offsets(%dma_start3A_193 : memref<128xi32, #tpu.memory_space<vmem>>) semaphore(%dma_start3A_198 : memref<!tpu.dma_semaphore, #tpu.memory_space<semaphore_mem>>)
    %dma_wait3A_199 = arith.constant 1 : i32
    %dma_wait3A_200 = arith.constant 2 : i32
    %dma_wait3A_201 = arith.constant 0 : i32
    %dma_wait3A_202 = arith.constant 0 : i32
    %dma_wait3A_203 = tpu.memref_slice %arg6[%dma_wait3A_199, %dma_wait3A_201, %dma_wait3A_202] : memref<3x256x128xf32, #tpu.memory_space<vmem>> -> memref<1x256x128xf32, #tpu.memory_space<vmem>>
    %dma_wait3A_204 = tpu.memref_squeeze %dma_wait3A_203 : memref<1x256x128xf32, #tpu.memory_space<vmem>> -> memref<256x128xf32, #tpu.memory_space<vmem>>
    %dma_wait3A_205 = arith.constant 0 : i32
    %dma_wait3A_206 = arith.constant 0 : i32
    %dma_wait3A_207 = tpu.memref_slice %dma_wait3A_204[%dma_wait3A_205, %dma_wait3A_206] : memref<256x128xf32, #tpu.memory_space<vmem>> -> memref<128x128xf32, #tpu.memory_space<vmem>>
    %dma_wait3A_208 = arith.constant 256 : i32
    %dma_wait3A_209 = tpu.memref_slice %arg5[%dma_wait3A_208] : memref<3200xi32, #tpu.memory_space<vmem>> -> memref<128xi32, #tpu.memory_space<vmem>>
    %dma_wait3A_210 = arith.constant 0 : i32
    %dma_wait3A_211 = arith.constant 0 : i32
    %dma_wait3A_212 = tpu.memref_slice %arg7[%dma_wait3A_210, %dma_wait3A_211] : memref<21x128xf32, #tpu.memory_space<vmem_shared>> -> memref<21x128xf32, #tpu.memory_space<vmem_shared>>
    %dma_wait3A_213 = tpu.memref_slice %arg8[%dma_wait3A_200] : memref<6x!tpu.dma_semaphore, #tpu.memory_space<semaphore_mem>> -> memref<1x!tpu.dma_semaphore, #tpu.memory_space<semaphore_mem>>
    %dma_wait3A_214 = tpu.memref_squeeze %dma_wait3A_213 : memref<1x!tpu.dma_semaphore, #tpu.memory_space<semaphore_mem>> -> memref<!tpu.dma_semaphore, #tpu.memory_space<semaphore_mem>>
    tpu.wait_indirect_dma semaphore(%dma_wait3A_214 : memref<!tpu.dma_semaphore, #tpu.memory_space<semaphore_mem>>) src(%dma_wait3A_212 : memref<21x128xf32, #tpu.memory_space<vmem_shared>>) dst(%dma_wait3A_207 : memref<128x128xf32, #tpu.memory_space<vmem>>)
    %dma_start3A_215 = arith.constant 0 : i32
    %dma_start3A_216 = arith.constant 1 : i32
    %dma_start3A_217 = arith.constant 0 : i32
    %dma_start3A_218 = arith.constant 0 : i32
    %dma_start3A_219 = tpu.memref_slice %arg6[%dma_start3A_215, %dma_start3A_217, %dma_start3A_218] : memref<3x256x128xf32, #tpu.memory_space<vmem>> -> memref<1x256x128xf32, #tpu.memory_space<vmem>>
    %dma_start3A_220 = tpu.memref_squeeze %dma_start3A_219 : memref<1x256x128xf32, #tpu.memory_space<vmem>> -> memref<256x128xf32, #tpu.memory_space<vmem>>
    %dma_start3A_221 = arith.constant 128 : i32
    %dma_start3A_222 = arith.constant 0 : i32
    %dma_start3A_223 = tpu.memref_slice %dma_start3A_220[%dma_start3A_221, %dma_start3A_222] : memref<256x128xf32, #tpu.memory_space<vmem>> -> memref<128x128xf32, #tpu.memory_space<vmem>>
    %dma_start3A_224 = arith.constant 896 : i32
    %dma_start3A_225 = tpu.memref_slice %arg5[%dma_start3A_224] : memref<3200xi32, #tpu.memory_space<vmem>> -> memref<128xi32, #tpu.memory_space<vmem>>
    %dma_start3A_226 = arith.constant 0 : i32
    %dma_start3A_227 = arith.constant 0 : i32
    %dma_start3A_228 = tpu.memref_slice %arg7[%dma_start3A_226, %dma_start3A_227] : memref<21x128xf32, #tpu.memory_space<vmem_shared>> -> memref<21x128xf32, #tpu.memory_space<vmem_shared>>
    %dma_start3A_229 = tpu.memref_slice %arg8[%dma_start3A_216] : memref<6x!tpu.dma_semaphore, #tpu.memory_space<semaphore_mem>> -> memref<1x!tpu.dma_semaphore, #tpu.memory_space<semaphore_mem>>
    %dma_start3A_230 = tpu.memref_squeeze %dma_start3A_229 : memref<1x!tpu.dma_semaphore, #tpu.memory_space<semaphore_mem>> -> memref<!tpu.dma_semaphore, #tpu.memory_space<semaphore_mem>>
    tpu.enqueue_indirect_dma source(%dma_start3A_228 : memref<21x128xf32, #tpu.memory_space<vmem_shared>>) target(%dma_start3A_223 : memref<128x128xf32, #tpu.memory_space<vmem>>) offsets(%dma_start3A_225 : memref<128xi32, #tpu.memory_space<vmem>>) semaphore(%dma_start3A_230 : memref<!tpu.dma_semaphore, #tpu.memory_space<semaphore_mem>>)
    %dma_wait3A_231 = arith.constant 1 : i32
    %dma_wait3A_232 = arith.constant 3 : i32
    %dma_wait3A_233 = arith.constant 0 : i32
    %dma_wait3A_234 = arith.constant 0 : i32
    %dma_wait3A_235 = tpu.memref_slice %arg6[%dma_wait3A_231, %dma_wait3A_233, %dma_wait3A_234] : memref<3x256x128xf32, #tpu.memory_space<vmem>> -> memref<1x256x128xf32, #tpu.memory_space<vmem>>
    %dma_wait3A_236 = tpu.memref_squeeze %dma_wait3A_235 : memref<1x256x128xf32, #tpu.memory_space<vmem>> -> memref<256x128xf32, #tpu.memory_space<vmem>>
    %dma_wait3A_237 = arith.constant 128 : i32
    %dma_wait3A_238 = arith.constant 0 : i32
    %dma_wait3A_239 = tpu.memref_slice %dma_wait3A_236[%dma_wait3A_237, %dma_wait3A_238] : memref<256x128xf32, #tpu.memory_space<vmem>> -> memref<128x128xf32, #tpu.memory_space<vmem>>
    %dma_wait3A_240 = arith.constant 384 : i32
    %dma_wait3A_241 = tpu.memref_slice %arg5[%dma_wait3A_240] : memref<3200xi32, #tpu.memory_space<vmem>> -> memref<128xi32, #tpu.memory_space<vmem>>
    %dma_wait3A_242 = arith.constant 0 : i32
    %dma_wait3A_243 = arith.constant 0 : i32
    %dma_wait3A_244 = tpu.memref_slice %arg7[%dma_wait3A_242, %dma_wait3A_243] : memref<21x128xf32, #tpu.memory_space<vmem_shared>> -> memref<21x128xf32, #tpu.memory_space<vmem_shared>>
    %dma_wait3A_245 = tpu.memref_slice %arg8[%dma_wait3A_232] : memref<6x!tpu.dma_semaphore, #tpu.memory_space<semaphore_mem>> -> memref<1x!tpu.dma_semaphore, #tpu.memory_space<semaphore_mem>>
    %dma_wait3A_246 = tpu.memref_squeeze %dma_wait3A_245 : memref<1x!tpu.dma_semaphore, #tpu.memory_space<semaphore_mem>> -> memref<!tpu.dma_semaphore, #tpu.memory_space<semaphore_mem>>
    tpu.wait_indirect_dma semaphore(%dma_wait3A_246 : memref<!tpu.dma_semaphore, #tpu.memory_space<semaphore_mem>>) src(%dma_wait3A_244 : memref<21x128xf32, #tpu.memory_space<vmem_shared>>) dst(%dma_wait3A_239 : memref<128x128xf32, #tpu.memory_space<vmem>>)
    %add3A_247 = arith.constant 256 : i32
    %add3A_248 = arith.addi %multiple_of3A, %add3A_247 : i32
    %multiple_of3A_249 = tpu.assume_multiple %add3A_248, 8 : i32
    %dma_start3A_250 = arith.constant 1 : i32
    %dma_start3A_251 = arith.constant 1 : i32
    %dma_start3A_252 = arith.constant 0 : i32
    %dma_start3A_253 = arith.constant 0 : i32
    %dma_start3A_254 = tpu.memref_slice %arg6[%dma_start3A_250, %dma_start3A_252, %dma_start3A_253] : memref<3x256x128xf32, #tpu.memory_space<vmem>> -> memref<1x256x128xf32, #tpu.memory_space<vmem>>
    %dma_start3A_255 = tpu.memref_squeeze %dma_start3A_254 : memref<1x256x128xf32, #tpu.memory_space<vmem>> -> memref<256x128xf32, #tpu.memory_space<vmem>>
    %dma_start3A_256 = arith.constant 0 : i32
    %dma_start3A_257 = arith.constant 0 : i32
    %dma_start3A_258 = tpu.memref_slice %dma_start3A_255[%dma_start3A_256, %dma_start3A_257] : memref<256x128xf32, #tpu.memory_space<vmem>> -> memref<256x128xf32, #tpu.memory_space<vmem>>
    %dma_start3A_259 = arith.constant 0 : i32
    %dma_start3A_260 = tpu.memref_slice %arg4[%multiple_of3A_249, %dma_start3A_259] : memref<100000x128xf32, #tpu.memory_space<hbm>> -> memref<256x128xf32, #tpu.memory_space<hbm>>
    %dma_start3A_261 = tpu.memref_slice %arg9[%dma_start3A_251] : memref<3x!tpu.dma_semaphore, #tpu.memory_space<semaphore_mem>> -> memref<1x!tpu.dma_semaphore, #tpu.memory_space<semaphore_mem>>
    %dma_start3A_262 = tpu.memref_squeeze %dma_start3A_261 : memref<1x!tpu.dma_semaphore, #tpu.memory_space<semaphore_mem>> -> memref<!tpu.dma_semaphore, #tpu.memory_space<semaphore_mem>>
    %dma_start3A_263 = arith.constant 0 : i32
    %dma_start3A_264 = tpu.memref_slice %arg4[%multiple_of3A_249, %dma_start3A_263] : memref<100000x128xf32, #tpu.memory_space<hbm>> -> memref<256x128xf32, #tpu.memory_space<hbm>>
    %dma_start3A_265 = arith.constant 0 : i32
    %dma_start3A_266 = arith.constant 0 : i32
    %dma_start3A_267 = tpu.memref_slice %arg6[%dma_start3A_250, %dma_start3A_265, %dma_start3A_266] : memref<3x256x128xf32, #tpu.memory_space<vmem>> -> memref<1x256x128xf32, #tpu.memory_space<vmem>>
    %dma_start3A_268 = tpu.memref_squeeze %dma_start3A_267 : memref<1x256x128xf32, #tpu.memory_space<vmem>> -> memref<256x128xf32, #tpu.memory_space<vmem>>
    %dma_start3A_269 = arith.constant 0 : i32
    %dma_start3A_270 = arith.constant 0 : i32
    %dma_start3A_271 = tpu.memref_slice %dma_start3A_268[%dma_start3A_269, %dma_start3A_270] : memref<256x128xf32, #tpu.memory_space<vmem>> -> memref<256x128xf32, #tpu.memory_space<vmem>>
    tpu.enqueue_dma source(%dma_start3A_271 : memref<256x128xf32, #tpu.memory_space<vmem>>) target(%dma_start3A_264 : memref<256x128xf32, #tpu.memory_space<hbm>>) target_semaphore(%dma_start3A_262 : memref<!tpu.dma_semaphore, #tpu.memory_space<semaphore_mem>>)
    %dma_wait3A_272 = arith.constant 1 : i32
    %dma_wait3A_273 = arith.constant 1 : i32
    %dma_wait3A_274 = arith.constant 0 : i32
    %dma_wait3A_275 = arith.constant 0 : i32
    %dma_wait3A_276 = tpu.memref_slice %arg6[%dma_wait3A_272, %dma_wait3A_274, %dma_wait3A_275] : memref<3x256x128xf32, #tpu.memory_space<vmem>> -> memref<1x256x128xf32, #tpu.memory_space<vmem>>
    %dma_wait3A_277 = tpu.memref_squeeze %dma_wait3A_276 : memref<1x256x128xf32, #tpu.memory_space<vmem>> -> memref<256x128xf32, #tpu.memory_space<vmem>>
    %dma_wait3A_278 = arith.constant 0 : i32
    %dma_wait3A_279 = arith.constant 0 : i32
    %dma_wait3A_280 = tpu.memref_slice %dma_wait3A_277[%dma_wait3A_278, %dma_wait3A_279] : memref<256x128xf32, #tpu.memory_space<vmem>> -> memref<256x128xf32, #tpu.memory_space<vmem>>
    %dma_wait3A_281 = arith.constant 0 : i32
    %dma_wait3A_282 = tpu.memref_slice %arg4[%multiple_of3A_249, %dma_wait3A_281] : memref<100000x128xf32, #tpu.memory_space<hbm>> -> memref<256x128xf32, #tpu.memory_space<hbm>>
    %dma_wait3A_283 = tpu.memref_slice %arg9[%dma_wait3A_273] : memref<3x!tpu.dma_semaphore, #tpu.memory_space<semaphore_mem>> -> memref<1x!tpu.dma_semaphore, #tpu.memory_space<semaphore_mem>>
    %dma_wait3A_284 = tpu.memref_squeeze %dma_wait3A_283 : memref<1x!tpu.dma_semaphore, #tpu.memory_space<semaphore_mem>> -> memref<!tpu.dma_semaphore, #tpu.memory_space<semaphore_mem>>
    %dma_wait3A_285 = arith.constant 0 : i32
    %dma_wait3A_286 = tpu.memref_slice %arg4[%multiple_of3A_249, %dma_wait3A_285] : memref<100000x128xf32, #tpu.memory_space<hbm>> -> memref<256x128xf32, #tpu.memory_space<hbm>>
    %dma_wait3A_287 = arith.constant 0 : i32
    %dma_wait3A_288 = arith.constant 0 : i32
    %dma_wait3A_289 = tpu.memref_slice %arg6[%dma_wait3A_272, %dma_wait3A_287, %dma_wait3A_288] : memref<3x256x128xf32, #tpu.memory_space<vmem>> -> memref<1x256x128xf32, #tpu.memory_space<vmem>>
    %dma_wait3A_290 = tpu.memref_squeeze %dma_wait3A_289 : memref<1x256x128xf32, #tpu.memory_space<vmem>> -> memref<256x128xf32, #tpu.memory_space<vmem>>
    %dma_wait3A_291 = arith.constant 0 : i32
    %dma_wait3A_292 = arith.constant 0 : i32
    %dma_wait3A_293 = tpu.memref_slice %dma_wait3A_290[%dma_wait3A_291, %dma_wait3A_292] : memref<256x128xf32, #tpu.memory_space<vmem>> -> memref<256x128xf32, #tpu.memory_space<vmem>>
    tpu.wait_dma2 semaphore(%dma_wait3A_284 : memref<!tpu.dma_semaphore, #tpu.memory_space<semaphore_mem>>) src(%dma_wait3A_293 : memref<256x128xf32, #tpu.memory_space<vmem>>) dst(%dma_wait3A_286 : memref<256x128xf32, #tpu.memory_space<hbm>>)
    %dma_start3A_294 = arith.constant 1 : i32
    %dma_start3A_295 = arith.constant 2 : i32
    %dma_start3A_296 = arith.constant 0 : i32
    %dma_start3A_297 = arith.constant 0 : i32
    %dma_start3A_298 = tpu.memref_slice %arg6[%dma_start3A_294, %dma_start3A_296, %dma_start3A_297] : memref<3x256x128xf32, #tpu.memory_space<vmem>> -> memref<1x256x128xf32, #tpu.memory_space<vmem>>
    %dma_start3A_299 = tpu.memref_squeeze %dma_start3A_298 : memref<1x256x128xf32, #tpu.memory_space<vmem>> -> memref<256x128xf32, #tpu.memory_space<vmem>>
    %dma_start3A_300 = arith.constant 0 : i32
    %dma_start3A_301 = arith.constant 0 : i32
    %dma_start3A_302 = tpu.memref_slice %dma_start3A_299[%dma_start3A_300, %dma_start3A_301] : memref<256x128xf32, #tpu.memory_space<vmem>> -> memref<128x128xf32, #tpu.memory_space<vmem>>
    %dma_start3A_303 = arith.constant 1024 : i32
    %dma_start3A_304 = tpu.memref_slice %arg5[%dma_start3A_303] : memref<3200xi32, #tpu.memory_space<vmem>> -> memref<128xi32, #tpu.memory_space<vmem>>
    %dma_start3A_305 = arith.constant 0 : i32
    %dma_start3A_306 = arith.constant 0 : i32
    %dma_start3A_307 = tpu.memref_slice %arg7[%dma_start3A_305, %dma_start3A_306] : memref<21x128xf32, #tpu.memory_space<vmem_shared>> -> memref<21x128xf32, #tpu.memory_space<vmem_shared>>
    %dma_start3A_308 = tpu.memref_slice %arg8[%dma_start3A_295] : memref<6x!tpu.dma_semaphore, #tpu.memory_space<semaphore_mem>> -> memref<1x!tpu.dma_semaphore, #tpu.memory_space<semaphore_mem>>
    %dma_start3A_309 = tpu.memref_squeeze %dma_start3A_308 : memref<1x!tpu.dma_semaphore, #tpu.memory_space<semaphore_mem>> -> memref<!tpu.dma_semaphore, #tpu.memory_space<semaphore_mem>>
    tpu.enqueue_indirect_dma source(%dma_start3A_307 : memref<21x128xf32, #tpu.memory_space<vmem_shared>>) target(%dma_start3A_302 : memref<128x128xf32, #tpu.memory_space<vmem>>) offsets(%dma_start3A_304 : memref<128xi32, #tpu.memory_space<vmem>>) semaphore(%dma_start3A_309 : memref<!tpu.dma_semaphore, #tpu.memory_space<semaphore_mem>>)
    %dma_wait3A_310 = arith.constant 2 : i32
    %dma_wait3A_311 = arith.constant 4 : i32
    %dma_wait3A_312 = arith.constant 0 : i32
    %dma_wait3A_313 = arith.constant 0 : i32
    %dma_wait3A_314 = tpu.memref_slice %arg6[%dma_wait3A_310, %dma_wait3A_312, %dma_wait3A_313] : memref<3x256x128xf32, #tpu.memory_space<vmem>> -> memref<1x256x128xf32, #tpu.memory_space<vmem>>
    %dma_wait3A_315 = tpu.memref_squeeze %dma_wait3A_314 : memref<1x256x128xf32, #tpu.memory_space<vmem>> -> memref<256x128xf32, #tpu.memory_space<vmem>>
    %dma_wait3A_316 = arith.constant 0 : i32
    %dma_wait3A_317 = arith.constant 0 : i32
    %dma_wait3A_318 = tpu.memref_slice %dma_wait3A_315[%dma_wait3A_316, %dma_wait3A_317] : memref<256x128xf32, #tpu.memory_space<vmem>> -> memref<128x128xf32, #tpu.memory_space<vmem>>
    %dma_wait3A_319 = arith.constant 512 : i32
    %dma_wait3A_320 = tpu.memref_slice %arg5[%dma_wait3A_319] : memref<3200xi32, #tpu.memory_space<vmem>> -> memref<128xi32, #tpu.memory_space<vmem>>
    %dma_wait3A_321 = arith.constant 0 : i32
    %dma_wait3A_322 = arith.constant 0 : i32
    %dma_wait3A_323 = tpu.memref_slice %arg7[%dma_wait3A_321, %dma_wait3A_322] : memref<21x128xf32, #tpu.memory_space<vmem_shared>> -> memref<21x128xf32, #tpu.memory_space<vmem_shared>>
    %dma_wait3A_324 = tpu.memref_slice %arg8[%dma_wait3A_311] : memref<6x!tpu.dma_semaphore, #tpu.memory_space<semaphore_mem>> -> memref<1x!tpu.dma_semaphore, #tpu.memory_space<semaphore_mem>>
    %dma_wait3A_325 = tpu.memref_squeeze %dma_wait3A_324 : memref<1x!tpu.dma_semaphore, #tpu.memory_space<semaphore_mem>> -> memref<!tpu.dma_semaphore, #tpu.memory_space<semaphore_mem>>
    tpu.wait_indirect_dma semaphore(%dma_wait3A_325 : memref<!tpu.dma_semaphore, #tpu.memory_space<semaphore_mem>>) src(%dma_wait3A_323 : memref<21x128xf32, #tpu.memory_space<vmem_shared>>) dst(%dma_wait3A_318 : memref<128x128xf32, #tpu.memory_space<vmem>>)
    %dma_start3A_326 = arith.constant 1 : i32
    %dma_start3A_327 = arith.constant 3 : i32
    %dma_start3A_328 = arith.constant 0 : i32
    %dma_start3A_329 = arith.constant 0 : i32
    %dma_start3A_330 = tpu.memref_slice %arg6[%dma_start3A_326, %dma_start3A_328, %dma_start3A_329] : memref<3x256x128xf32, #tpu.memory_space<vmem>> -> memref<1x256x128xf32, #tpu.memory_space<vmem>>
    %dma_start3A_331 = tpu.memref_squeeze %dma_start3A_330 : memref<1x256x128xf32, #tpu.memory_space<vmem>> -> memref<256x128xf32, #tpu.memory_space<vmem>>
    %dma_start3A_332 = arith.constant 128 : i32
    %dma_start3A_333 = arith.constant 0 : i32
    %dma_start3A_334 = tpu.memref_slice %dma_start3A_331[%dma_start3A_332, %dma_start3A_333] : memref<256x128xf32, #tpu.memory_space<vmem>> -> memref<128x128xf32, #tpu.memory_space<vmem>>
    %dma_start3A_335 = arith.constant 1152 : i32
    %dma_start3A_336 = tpu.memref_slice %arg5[%dma_start3A_335] : memref<3200xi32, #tpu.memory_space<vmem>> -> memref<128xi32, #tpu.memory_space<vmem>>
    %dma_start3A_337 = arith.constant 0 : i32
    %dma_start3A_338 = arith.constant 0 : i32
    %dma_start3A_339 = tpu.memref_slice %arg7[%dma_start3A_337, %dma_start3A_338] : memref<21x128xf32, #tpu.memory_space<vmem_shared>> -> memref<21x128xf32, #tpu.memory_space<vmem_shared>>
    %dma_start3A_340 = tpu.memref_slice %arg8[%dma_start3A_327] : memref<6x!tpu.dma_semaphore, #tpu.memory_space<semaphore_mem>> -> memref<1x!tpu.dma_semaphore, #tpu.memory_space<semaphore_mem>>
    %dma_start3A_341 = tpu.memref_squeeze %dma_start3A_340 : memref<1x!tpu.dma_semaphore, #tpu.memory_space<semaphore_mem>> -> memref<!tpu.dma_semaphore, #tpu.memory_space<semaphore_mem>>
    tpu.enqueue_indirect_dma source(%dma_start3A_339 : memref<21x128xf32, #tpu.memory_space<vmem_shared>>) target(%dma_start3A_334 : memref<128x128xf32, #tpu.memory_space<vmem>>) offsets(%dma_start3A_336 : memref<128xi32, #tpu.memory_space<vmem>>) semaphore(%dma_start3A_341 : memref<!tpu.dma_semaphore, #tpu.memory_space<semaphore_mem>>)
    %dma_wait3A_342 = arith.constant 2 : i32
    %dma_wait3A_343 = arith.constant 5 : i32
    %dma_wait3A_344 = arith.constant 0 : i32
    %dma_wait3A_345 = arith.constant 0 : i32
    %dma_wait3A_346 = tpu.memref_slice %arg6[%dma_wait3A_342, %dma_wait3A_344, %dma_wait3A_345] : memref<3x256x128xf32, #tpu.memory_space<vmem>> -> memref<1x256x128xf32, #tpu.memory_space<vmem>>
    %dma_wait3A_347 = tpu.memref_squeeze %dma_wait3A_346 : memref<1x256x128xf32, #tpu.memory_space<vmem>> -> memref<256x128xf32, #tpu.memory_space<vmem>>
    %dma_wait3A_348 = arith.constant 128 : i32
    %dma_wait3A_349 = arith.constant 0 : i32
    %dma_wait3A_350 = tpu.memref_slice %dma_wait3A_347[%dma_wait3A_348, %dma_wait3A_349] : memref<256x128xf32, #tpu.memory_space<vmem>> -> memref<128x128xf32, #tpu.memory_space<vmem>>
    %dma_wait3A_351 = arith.constant 640 : i32
    %dma_wait3A_352 = tpu.memref_slice %arg5[%dma_wait3A_351] : memref<3200xi32, #tpu.memory_space<vmem>> -> memref<128xi32, #tpu.memory_space<vmem>>
    %dma_wait3A_353 = arith.constant 0 : i32
    %dma_wait3A_354 = arith.constant 0 : i32
    %dma_wait3A_355 = tpu.memref_slice %arg7[%dma_wait3A_353, %dma_wait3A_354] : memref<21x128xf32, #tpu.memory_space<vmem_shared>> -> memref<21x128xf32, #tpu.memory_space<vmem_shared>>
    %dma_wait3A_356 = tpu.memref_slice %arg8[%dma_wait3A_343] : memref<6x!tpu.dma_semaphore, #tpu.memory_space<semaphore_mem>> -> memref<1x!tpu.dma_semaphore, #tpu.memory_space<semaphore_mem>>
    %dma_wait3A_357 = tpu.memref_squeeze %dma_wait3A_356 : memref<1x!tpu.dma_semaphore, #tpu.memory_space<semaphore_mem>> -> memref<!tpu.dma_semaphore, #tpu.memory_space<semaphore_mem>>
    tpu.wait_indirect_dma semaphore(%dma_wait3A_357 : memref<!tpu.dma_semaphore, #tpu.memory_space<semaphore_mem>>) src(%dma_wait3A_355 : memref<21x128xf32, #tpu.memory_space<vmem_shared>>) dst(%dma_wait3A_350 : memref<128x128xf32, #tpu.memory_space<vmem>>)
    %add3A_358 = arith.constant 512 : i32
    %add3A_359 = arith.addi %multiple_of3A, %add3A_358 : i32
    %multiple_of3A_360 = tpu.assume_multiple %add3A_359, 8 : i32
    %dma_start3A_361 = arith.constant 2 : i32
    %dma_start3A_362 = arith.constant 2 : i32
    %dma_start3A_363 = arith.constant 0 : i32
    %dma_start3A_364 = arith.constant 0 : i32
    %dma_start3A_365 = tpu.memref_slice %arg6[%dma_start3A_361, %dma_start3A_363, %dma_start3A_364] : memref<3x256x128xf32, #tpu.memory_space<vmem>> -> memref<1x256x128xf32, #tpu.memory_space<vmem>>
    %dma_start3A_366 = tpu.memref_squeeze %dma_start3A_365 : memref<1x256x128xf32, #tpu.memory_space<vmem>> -> memref<256x128xf32, #tpu.memory_space<vmem>>
    %dma_start3A_367 = arith.constant 0 : i32
    %dma_start3A_368 = arith.constant 0 : i32
    %dma_start3A_369 = tpu.memref_slice %dma_start3A_366[%dma_start3A_367, %dma_start3A_368] : memref<256x128xf32, #tpu.memory_space<vmem>> -> memref<256x128xf32, #tpu.memory_space<vmem>>
    %dma_start3A_370 = arith.constant 0 : i32
    %dma_start3A_371 = tpu.memref_slice %arg4[%multiple_of3A_360, %dma_start3A_370] : memref<100000x128xf32, #tpu.memory_space<hbm>> -> memref<256x128xf32, #tpu.memory_space<hbm>>
    %dma_start3A_372 = tpu.memref_slice %arg9[%dma_start3A_362] : memref<3x!tpu.dma_semaphore, #tpu.memory_space<semaphore_mem>> -> memref<1x!tpu.dma_semaphore, #tpu.memory_space<semaphore_mem>>
    %dma_start3A_373 = tpu.memref_squeeze %dma_start3A_372 : memref<1x!tpu.dma_semaphore, #tpu.memory_space<semaphore_mem>> -> memref<!tpu.dma_semaphore, #tpu.memory_space<semaphore_mem>>
    %dma_start3A_374 = arith.constant 0 : i32
    %dma_start3A_375 = tpu.memref_slice %arg4[%multiple_of3A_360, %dma_start3A_374] : memref<100000x128xf32, #tpu.memory_space<hbm>> -> memref<256x128xf32, #tpu.memory_space<hbm>>
    %dma_start3A_376 = arith.constant 0 : i32
    %dma_start3A_377 = arith.constant 0 : i32
    %dma_start3A_378 = tpu.memref_slice %arg6[%dma_start3A_361, %dma_start3A_376, %dma_start3A_377] : memref<3x256x128xf32, #tpu.memory_space<vmem>> -> memref<1x256x128xf32, #tpu.memory_space<vmem>>
    %dma_start3A_379 = tpu.memref_squeeze %dma_start3A_378 : memref<1x256x128xf32, #tpu.memory_space<vmem>> -> memref<256x128xf32, #tpu.memory_space<vmem>>
    %dma_start3A_380 = arith.constant 0 : i32
    %dma_start3A_381 = arith.constant 0 : i32
    %dma_start3A_382 = tpu.memref_slice %dma_start3A_379[%dma_start3A_380, %dma_start3A_381] : memref<256x128xf32, #tpu.memory_space<vmem>> -> memref<256x128xf32, #tpu.memory_space<vmem>>
    tpu.enqueue_dma source(%dma_start3A_382 : memref<256x128xf32, #tpu.memory_space<vmem>>) target(%dma_start3A_375 : memref<256x128xf32, #tpu.memory_space<hbm>>) target_semaphore(%dma_start3A_373 : memref<!tpu.dma_semaphore, #tpu.memory_space<semaphore_mem>>)
    %dma_wait3A_383 = arith.constant 2 : i32
    %dma_wait3A_384 = arith.constant 2 : i32
    %dma_wait3A_385 = arith.constant 0 : i32
    %dma_wait3A_386 = arith.constant 0 : i32
    %dma_wait3A_387 = tpu.memref_slice %arg6[%dma_wait3A_383, %dma_wait3A_385, %dma_wait3A_386] : memref<3x256x128xf32, #tpu.memory_space<vmem>> -> memref<1x256x128xf32, #tpu.memory_space<vmem>>
    %dma_wait3A_388 = tpu.memref_squeeze %dma_wait3A_387 : memref<1x256x128xf32, #tpu.memory_space<vmem>> -> memref<256x128xf32, #tpu.memory_space<vmem>>
    %dma_wait3A_389 = arith.constant 0 : i32
    %dma_wait3A_390 = arith.constant 0 : i32
    %dma_wait3A_391 = tpu.memref_slice %dma_wait3A_388[%dma_wait3A_389, %dma_wait3A_390] : memref<256x128xf32, #tpu.memory_space<vmem>> -> memref<256x128xf32, #tpu.memory_space<vmem>>
    %dma_wait3A_392 = arith.constant 0 : i32
    %dma_wait3A_393 = tpu.memref_slice %arg4[%multiple_of3A_360, %dma_wait3A_392] : memref<100000x128xf32, #tpu.memory_space<hbm>> -> memref<256x128xf32, #tpu.memory_space<hbm>>
    %dma_wait3A_394 = tpu.memref_slice %arg9[%dma_wait3A_384] : memref<3x!tpu.dma_semaphore, #tpu.memory_space<semaphore_mem>> -> memref<1x!tpu.dma_semaphore, #tpu.memory_space<semaphore_mem>>
    %dma_wait3A_395 = tpu.memref_squeeze %dma_wait3A_394 : memref<1x!tpu.dma_semaphore, #tpu.memory_space<semaphore_mem>> -> memref<!tpu.dma_semaphore, #tpu.memory_space<semaphore_mem>>
    %dma_wait3A_396 = arith.constant 0 : i32
    %dma_wait3A_397 = tpu.memref_slice %arg4[%multiple_of3A_360, %dma_wait3A_396] : memref<100000x128xf32, #tpu.memory_space<hbm>> -> memref<256x128xf32, #tpu.memory_space<hbm>>
    %dma_wait3A_398 = arith.constant 0 : i32
    %dma_wait3A_399 = arith.constant 0 : i32
    %dma_wait3A_400 = tpu.memref_slice %arg6[%dma_wait3A_383, %dma_wait3A_398, %dma_wait3A_399] : memref<3x256x128xf32, #tpu.memory_space<vmem>> -> memref<1x256x128xf32, #tpu.memory_space<vmem>>
    %dma_wait3A_401 = tpu.memref_squeeze %dma_wait3A_400 : memref<1x256x128xf32, #tpu.memory_space<vmem>> -> memref<256x128xf32, #tpu.memory_space<vmem>>
    %dma_wait3A_402 = arith.constant 0 : i32
    %dma_wait3A_403 = arith.constant 0 : i32
    %dma_wait3A_404 = tpu.memref_slice %dma_wait3A_401[%dma_wait3A_402, %dma_wait3A_403] : memref<256x128xf32, #tpu.memory_space<vmem>> -> memref<256x128xf32, #tpu.memory_space<vmem>>
    tpu.wait_dma2 semaphore(%dma_wait3A_395 : memref<!tpu.dma_semaphore, #tpu.memory_space<semaphore_mem>>) src(%dma_wait3A_404 : memref<256x128xf32, #tpu.memory_space<vmem>>) dst(%dma_wait3A_397 : memref<256x128xf32, #tpu.memory_space<hbm>>)
    %dma_start3A_405 = arith.constant 2 : i32
    %dma_start3A_406 = arith.constant 4 : i32
    %dma_start3A_407 = arith.constant 0 : i32
    %dma_start3A_408 = arith.constant 0 : i32
    %dma_start3A_409 = tpu.memref_slice %arg6[%dma_start3A_405, %dma_start3A_407, %dma_start3A_408] : memref<3x256x128xf32, #tpu.memory_space<vmem>> -> memref<1x256x128xf32, #tpu.memory_space<vmem>>
    %dma_start3A_410 = tpu.memref_squeeze %dma_start3A_409 : memref<1x256x128xf32, #tpu.memory_space<vmem>> -> memref<256x128xf32, #tpu.memory_space<vmem>>
    %dma_start3A_411 = arith.constant 0 : i32
    %dma_start3A_412 = arith.constant 0 : i32
    %dma_start3A_413 = tpu.memref_slice %dma_start3A_410[%dma_start3A_411, %dma_start3A_412] : memref<256x128xf32, #tpu.memory_space<vmem>> -> memref<128x128xf32, #tpu.memory_space<vmem>>
    %dma_start3A_414 = arith.constant 1280 : i32
    %dma_start3A_415 = tpu.memref_slice %arg5[%dma_start3A_414] : memref<3200xi32, #tpu.memory_space<vmem>> -> memref<128xi32, #tpu.memory_space<vmem>>
    %dma_start3A_416 = arith.constant 0 : i32
    %dma_start3A_417 = arith.constant 0 : i32
    %dma_start3A_418 = tpu.memref_slice %arg7[%dma_start3A_416, %dma_start3A_417] : memref<21x128xf32, #tpu.memory_space<vmem_shared>> -> memref<21x128xf32, #tpu.memory_space<vmem_shared>>
    %dma_start3A_419 = tpu.memref_slice %arg8[%dma_start3A_406] : memref<6x!tpu.dma_semaphore, #tpu.memory_space<semaphore_mem>> -> memref<1x!tpu.dma_semaphore, #tpu.memory_space<semaphore_mem>>
    %dma_start3A_420 = tpu.memref_squeeze %dma_start3A_419 : memref<1x!tpu.dma_semaphore, #tpu.memory_space<semaphore_mem>> -> memref<!tpu.dma_semaphore, #tpu.memory_space<semaphore_mem>>
    tpu.enqueue_indirect_dma source(%dma_start3A_418 : memref<21x128xf32, #tpu.memory_space<vmem_shared>>) target(%dma_start3A_413 : memref<128x128xf32, #tpu.memory_space<vmem>>) offsets(%dma_start3A_415 : memref<128xi32, #tpu.memory_space<vmem>>) semaphore(%dma_start3A_420 : memref<!tpu.dma_semaphore, #tpu.memory_space<semaphore_mem>>)
    %dma_wait3A_421 = arith.constant 0 : i32
    %dma_wait3A_422 = arith.constant 0 : i32
    %dma_wait3A_423 = arith.constant 0 : i32
    %dma_wait3A_424 = arith.constant 0 : i32
    %dma_wait3A_425 = tpu.memref_slice %arg6[%dma_wait3A_421, %dma_wait3A_423, %dma_wait3A_424] : memref<3x256x128xf32, #tpu.memory_space<vmem>> -> memref<1x256x128xf32, #tpu.memory_space<vmem>>
    %dma_wait3A_426 = tpu.memref_squeeze %dma_wait3A_425 : memref<1x256x128xf32, #tpu.memory_space<vmem>> -> memref<256x128xf32, #tpu.memory_space<vmem>>
    %dma_wait3A_427 = arith.constant 0 : i32
    %dma_wait3A_428 = arith.constant 0 : i32
    %dma_wait3A_429 = tpu.memref_slice %dma_wait3A_426[%dma_wait3A_427, %dma_wait3A_428] : memref<256x128xf32, #tpu.memory_space<vmem>> -> memref<128x128xf32, #tpu.memory_space<vmem>>
    %dma_wait3A_430 = arith.constant 768 : i32
    %dma_wait3A_431 = tpu.memref_slice %arg5[%dma_wait3A_430] : memref<3200xi32, #tpu.memory_space<vmem>> -> memref<128xi32, #tpu.memory_space<vmem>>
    %dma_wait3A_432 = arith.constant 0 : i32
    %dma_wait3A_433 = arith.constant 0 : i32
    %dma_wait3A_434 = tpu.memref_slice %arg7[%dma_wait3A_432, %dma_wait3A_433] : memref<21x128xf32, #tpu.memory_space<vmem_shared>> -> memref<21x128xf32, #tpu.memory_space<vmem_shared>>
    %dma_wait3A_435 = tpu.memref_slice %arg8[%dma_wait3A_422] : memref<6x!tpu.dma_semaphore, #tpu.memory_space<semaphore_mem>> -> memref<1x!tpu.dma_semaphore, #tpu.memory_space<semaphore_mem>>
    %dma_wait3A_436 = tpu.memref_squeeze %dma_wait3A_435 : memref<1x!tpu.dma_semaphore, #tpu.memory_space<semaphore_mem>> -> memref<!tpu.dma_semaphore, #tpu.memory_space<semaphore_mem>>
    tpu.wait_indirect_dma semaphore(%dma_wait3A_436 : memref<!tpu.dma_semaphore, #tpu.memory_space<semaphore_mem>>) src(%dma_wait3A_434 : memref<21x128xf32, #tpu.memory_space<vmem_shared>>) dst(%dma_wait3A_429 : memref<128x128xf32, #tpu.memory_space<vmem>>)
    %dma_start3A_437 = arith.constant 2 : i32
    %dma_start3A_438 = arith.constant 5 : i32
    %dma_start3A_439 = arith.constant 0 : i32
    %dma_start3A_440 = arith.constant 0 : i32
    %dma_start3A_441 = tpu.memref_slice %arg6[%dma_start3A_437, %dma_start3A_439, %dma_start3A_440] : memref<3x256x128xf32, #tpu.memory_space<vmem>> -> memref<1x256x128xf32, #tpu.memory_space<vmem>>
    %dma_start3A_442 = tpu.memref_squeeze %dma_start3A_441 : memref<1x256x128xf32, #tpu.memory_space<vmem>> -> memref<256x128xf32, #tpu.memory_space<vmem>>
    %dma_start3A_443 = arith.constant 128 : i32
    %dma_start3A_444 = arith.constant 0 : i32
    %dma_start3A_445 = tpu.memref_slice %dma_start3A_442[%dma_start3A_443, %dma_start3A_444] : memref<256x128xf32, #tpu.memory_space<vmem>> -> memref<128x128xf32, #tpu.memory_space<vmem>>
    %dma_start3A_446 = arith.constant 1408 : i32
    %dma_start3A_447 = tpu.memref_slice %arg5[%dma_start3A_446] : memref<3200xi32, #tpu.memory_space<vmem>> -> memref<128xi32, #tpu.memory_space<vmem>>
    %dma_start3A_448 = arith.constant 0 : i32
    %dma_start3A_449 = arith.constant 0 : i32
    %dma_start3A_450 = tpu.memref_slice %arg7[%dma_start3A_448, %dma_start3A_449] : memref<21x128xf32, #tpu.memory_space<vmem_shared>> -> memref<21x128xf32, #tpu.memory_space<vmem_shared>>
    %dma_start3A_451 = tpu.memref_slice %arg8[%dma_start3A_438] : memref<6x!tpu.dma_semaphore, #tpu.memory_space<semaphore_mem>> -> memref<1x!tpu.dma_semaphore, #tpu.memory_space<semaphore_mem>>
    %dma_start3A_452 = tpu.memref_squeeze %dma_start3A_451 : memref<1x!tpu.dma_semaphore, #tpu.memory_space<semaphore_mem>> -> memref<!tpu.dma_semaphore, #tpu.memory_space<semaphore_mem>>
    tpu.enqueue_indirect_dma source(%dma_start3A_450 : memref<21x128xf32, #tpu.memory_space<vmem_shared>>) target(%dma_start3A_445 : memref<128x128xf32, #tpu.memory_space<vmem>>) offsets(%dma_start3A_447 : memref<128xi32, #tpu.memory_space<vmem>>) semaphore(%dma_start3A_452 : memref<!tpu.dma_semaphore, #tpu.memory_space<semaphore_mem>>)
    %dma_wait3A_453 = arith.constant 0 : i32
    %dma_wait3A_454 = arith.constant 1 : i32
    %dma_wait3A_455 = arith.constant 0 : i32
    %dma_wait3A_456 = arith.constant 0 : i32
    %dma_wait3A_457 = tpu.memref_slice %arg6[%dma_wait3A_453, %dma_wait3A_455, %dma_wait3A_456] : memref<3x256x128xf32, #tpu.memory_space<vmem>> -> memref<1x256x128xf32, #tpu.memory_space<vmem>>
    %dma_wait3A_458 = tpu.memref_squeeze %dma_wait3A_457 : memref<1x256x128xf32, #tpu.memory_space<vmem>> -> memref<256x128xf32, #tpu.memory_space<vmem>>
    %dma_wait3A_459 = arith.constant 128 : i32
    %dma_wait3A_460 = arith.constant 0 : i32
    %dma_wait3A_461 = tpu.memref_slice %dma_wait3A_458[%dma_wait3A_459, %dma_wait3A_460] : memref<256x128xf32, #tpu.memory_space<vmem>> -> memref<128x128xf32, #tpu.memory_space<vmem>>
    %dma_wait3A_462 = arith.constant 896 : i32
    %dma_wait3A_463 = tpu.memref_slice %arg5[%dma_wait3A_462] : memref<3200xi32, #tpu.memory_space<vmem>> -> memref<128xi32, #tpu.memory_space<vmem>>
    %dma_wait3A_464 = arith.constant 0 : i32
    %dma_wait3A_465 = arith.constant 0 : i32
    %dma_wait3A_466 = tpu.memref_slice %arg7[%dma_wait3A_464, %dma_wait3A_465] : memref<21x128xf32, #tpu.memory_space<vmem_shared>> -> memref<21x128xf32, #tpu.memory_space<vmem_shared>>
    %dma_wait3A_467 = tpu.memref_slice %arg8[%dma_wait3A_454] : memref<6x!tpu.dma_semaphore, #tpu.memory_space<semaphore_mem>> -> memref<1x!tpu.dma_semaphore, #tpu.memory_space<semaphore_mem>>
    %dma_wait3A_468 = tpu.memref_squeeze %dma_wait3A_467 : memref<1x!tpu.dma_semaphore, #tpu.memory_space<semaphore_mem>> -> memref<!tpu.dma_semaphore, #tpu.memory_space<semaphore_mem>>
    tpu.wait_indirect_dma semaphore(%dma_wait3A_468 : memref<!tpu.dma_semaphore, #tpu.memory_space<semaphore_mem>>) src(%dma_wait3A_466 : memref<21x128xf32, #tpu.memory_space<vmem_shared>>) dst(%dma_wait3A_461 : memref<128x128xf32, #tpu.memory_space<vmem>>)
    %add3A_469 = arith.constant 768 : i32
    %add3A_470 = arith.addi %multiple_of3A, %add3A_469 : i32
    %multiple_of3A_471 = tpu.assume_multiple %add3A_470, 8 : i32
    %dma_start3A_472 = arith.constant 0 : i32
    %dma_start3A_473 = arith.constant 0 : i32
    %dma_start3A_474 = arith.constant 0 : i32
    %dma_start3A_475 = arith.constant 0 : i32
    %dma_start3A_476 = tpu.memref_slice %arg6[%dma_start3A_472, %dma_start3A_474, %dma_start3A_475] : memref<3x256x128xf32, #tpu.memory_space<vmem>> -> memref<1x256x128xf32, #tpu.memory_space<vmem>>
    %dma_start3A_477 = tpu.memref_squeeze %dma_start3A_476 : memref<1x256x128xf32, #tpu.memory_space<vmem>> -> memref<256x128xf32, #tpu.memory_space<vmem>>
    %dma_start3A_478 = arith.constant 0 : i32
    %dma_start3A_479 = arith.constant 0 : i32
    %dma_start3A_480 = tpu.memref_slice %dma_start3A_477[%dma_start3A_478, %dma_start3A_479] : memref<256x128xf32, #tpu.memory_space<vmem>> -> memref<256x128xf32, #tpu.memory_space<vmem>>
    %dma_start3A_481 = arith.constant 0 : i32
    %dma_start3A_482 = tpu.memref_slice %arg4[%multiple_of3A_471, %dma_start3A_481] : memref<100000x128xf32, #tpu.memory_space<hbm>> -> memref<256x128xf32, #tpu.memory_space<hbm>>
    %dma_start3A_483 = tpu.memref_slice %arg9[%dma_start3A_473] : memref<3x!tpu.dma_semaphore, #tpu.memory_space<semaphore_mem>> -> memref<1x!tpu.dma_semaphore, #tpu.memory_space<semaphore_mem>>
    %dma_start3A_484 = tpu.memref_squeeze %dma_start3A_483 : memref<1x!tpu.dma_semaphore, #tpu.memory_space<semaphore_mem>> -> memref<!tpu.dma_semaphore, #tpu.memory_space<semaphore_mem>>
    %dma_start3A_485 = arith.constant 0 : i32
    %dma_start3A_486 = tpu.memref_slice %arg4[%multiple_of3A_471, %dma_start3A_485] : memref<100000x128xf32, #tpu.memory_space<hbm>> -> memref<256x128xf32, #tpu.memory_space<hbm>>
    %dma_start3A_487 = arith.constant 0 : i32
    %dma_start3A_488 = arith.constant 0 : i32
    %dma_start3A_489 = tpu.memref_slice %arg6[%dma_start3A_472, %dma_start3A_487, %dma_start3A_488] : memref<3x256x128xf32, #tpu.memory_space<vmem>> -> memref<1x256x128xf32, #tpu.memory_space<vmem>>
    %dma_start3A_490 = tpu.memref_squeeze %dma_start3A_489 : memref<1x256x128xf32, #tpu.memory_space<vmem>> -> memref<256x128xf32, #tpu.memory_space<vmem>>
    %dma_start3A_491 = arith.constant 0 : i32
    %dma_start3A_492 = arith.constant 0 : i32
    %dma_start3A_493 = tpu.memref_slice %dma_start3A_490[%dma_start3A_491, %dma_start3A_492] : memref<256x128xf32, #tpu.memory_space<vmem>> -> memref<256x128xf32, #tpu.memory_space<vmem>>
    tpu.enqueue_dma source(%dma_start3A_493 : memref<256x128xf32, #tpu.memory_space<vmem>>) target(%dma_start3A_486 : memref<256x128xf32, #tpu.memory_space<hbm>>) target_semaphore(%dma_start3A_484 : memref<!tpu.dma_semaphore, #tpu.memory_space<semaphore_mem>>)
    %dma_wait3A_494 = arith.constant 0 : i32
    %dma_wait3A_495 = arith.constant 0 : i32
    %dma_wait3A_496 = arith.constant 0 : i32
    %dma_wait3A_497 = arith.constant 0 : i32
    %dma_wait3A_498 = tpu.memref_slice %arg6[%dma_wait3A_494, %dma_wait3A_496, %dma_wait3A_497] : memref<3x256x128xf32, #tpu.memory_space<vmem>> -> memref<1x256x128xf32, #tpu.memory_space<vmem>>
    %dma_wait3A_499 = tpu.memref_squeeze %dma_wait3A_498 : memref<1x256x128xf32, #tpu.memory_space<vmem>> -> memref<256x128xf32, #tpu.memory_space<vmem>>
    %dma_wait3A_500 = arith.constant 0 : i32
    %dma_wait3A_501 = arith.constant 0 : i32
    %dma_wait3A_502 = tpu.memref_slice %dma_wait3A_499[%dma_wait3A_500, %dma_wait3A_501] : memref<256x128xf32, #tpu.memory_space<vmem>> -> memref<256x128xf32, #tpu.memory_space<vmem>>
    %dma_wait3A_503 = arith.constant 0 : i32
    %dma_wait3A_504 = tpu.memref_slice %arg4[%multiple_of3A_471, %dma_wait3A_503] : memref<100000x128xf32, #tpu.memory_space<hbm>> -> memref<256x128xf32, #tpu.memory_space<hbm>>
    %dma_wait3A_505 = tpu.memref_slice %arg9[%dma_wait3A_495] : memref<3x!tpu.dma_semaphore, #tpu.memory_space<semaphore_mem>> -> memref<1x!tpu.dma_semaphore, #tpu.memory_space<semaphore_mem>>
    %dma_wait3A_506 = tpu.memref_squeeze %dma_wait3A_505 : memref<1x!tpu.dma_semaphore, #tpu.memory_space<semaphore_mem>> -> memref<!tpu.dma_semaphore, #tpu.memory_space<semaphore_mem>>
    %dma_wait3A_507 = arith.constant 0 : i32
    %dma_wait3A_508 = tpu.memref_slice %arg4[%multiple_of3A_471, %dma_wait3A_507] : memref<100000x128xf32, #tpu.memory_space<hbm>> -> memref<256x128xf32, #tpu.memory_space<hbm>>
    %dma_wait3A_509 = arith.constant 0 : i32
    %dma_wait3A_510 = arith.constant 0 : i32
    %dma_wait3A_511 = tpu.memref_slice %arg6[%dma_wait3A_494, %dma_wait3A_509, %dma_wait3A_510] : memref<3x256x128xf32, #tpu.memory_space<vmem>> -> memref<1x256x128xf32, #tpu.memory_space<vmem>>
    %dma_wait3A_512 = tpu.memref_squeeze %dma_wait3A_511 : memref<1x256x128xf32, #tpu.memory_space<vmem>> -> memref<256x128xf32, #tpu.memory_space<vmem>>
    %dma_wait3A_513 = arith.constant 0 : i32
    %dma_wait3A_514 = arith.constant 0 : i32
    %dma_wait3A_515 = tpu.memref_slice %dma_wait3A_512[%dma_wait3A_513, %dma_wait3A_514] : memref<256x128xf32, #tpu.memory_space<vmem>> -> memref<256x128xf32, #tpu.memory_space<vmem>>
    tpu.wait_dma2 semaphore(%dma_wait3A_506 : memref<!tpu.dma_semaphore, #tpu.memory_space<semaphore_mem>>) src(%dma_wait3A_515 : memref<256x128xf32, #tpu.memory_space<vmem>>) dst(%dma_wait3A_508 : memref<256x128xf32, #tpu.memory_space<hbm>>)
    %dma_start3A_516 = arith.constant 0 : i32
    %dma_start3A_517 = arith.constant 0 : i32
    %dma_start3A_518 = arith.constant 0 : i32
    %dma_start3A_519 = arith.constant 0 : i32
    %dma_start3A_520 = tpu.memref_slice %arg6[%dma_start3A_516, %dma_start3A_518, %dma_start3A_519] : memref<3x256x128xf32, #tpu.memory_space<vmem>> -> memref<1x256x128xf32, #tpu.memory_space<vmem>>
    %dma_start3A_521 = tpu.memref_squeeze %dma_start3A_520 : memref<1x256x128xf32, #tpu.memory_space<vmem>> -> memref<256x128xf32, #tpu.memory_space<vmem>>
    %dma_start3A_522 = arith.constant 0 : i32
    %dma_start3A_523 = arith.constant 0 : i32
    %dma_start3A_524 = tpu.memref_slice %dma_start3A_521[%dma_start3A_522, %dma_start3A_523] : memref<256x128xf32, #tpu.memory_space<vmem>> -> memref<128x128xf32, #tpu.memory_space<vmem>>
    %dma_start3A_525 = arith.constant 1536 : i32
    %dma_start3A_526 = tpu.memref_slice %arg5[%dma_start3A_525] : memref<3200xi32, #tpu.memory_space<vmem>> -> memref<128xi32, #tpu.memory_space<vmem>>
    %dma_start3A_527 = arith.constant 0 : i32
    %dma_start3A_528 = arith.constant 0 : i32
    %dma_start3A_529 = tpu.memref_slice %arg7[%dma_start3A_527, %dma_start3A_528] : memref<21x128xf32, #tpu.memory_space<vmem_shared>> -> memref<21x128xf32, #tpu.memory_space<vmem_shared>>
    %dma_start3A_530 = tpu.memref_slice %arg8[%dma_start3A_517] : memref<6x!tpu.dma_semaphore, #tpu.memory_space<semaphore_mem>> -> memref<1x!tpu.dma_semaphore, #tpu.memory_space<semaphore_mem>>
    %dma_start3A_531 = tpu.memref_squeeze %dma_start3A_530 : memref<1x!tpu.dma_semaphore, #tpu.memory_space<semaphore_mem>> -> memref<!tpu.dma_semaphore, #tpu.memory_space<semaphore_mem>>
    tpu.enqueue_indirect_dma source(%dma_start3A_529 : memref<21x128xf32, #tpu.memory_space<vmem_shared>>) target(%dma_start3A_524 : memref<128x128xf32, #tpu.memory_space<vmem>>) offsets(%dma_start3A_526 : memref<128xi32, #tpu.memory_space<vmem>>) semaphore(%dma_start3A_531 : memref<!tpu.dma_semaphore, #tpu.memory_space<semaphore_mem>>)
    %dma_wait3A_532 = arith.constant 1 : i32
    %dma_wait3A_533 = arith.constant 2 : i32
    %dma_wait3A_534 = arith.constant 0 : i32
    %dma_wait3A_535 = arith.constant 0 : i32
    %dma_wait3A_536 = tpu.memref_slice %arg6[%dma_wait3A_532, %dma_wait3A_534, %dma_wait3A_535] : memref<3x256x128xf32, #tpu.memory_space<vmem>> -> memref<1x256x128xf32, #tpu.memory_space<vmem>>
    %dma_wait3A_537 = tpu.memref_squeeze %dma_wait3A_536 : memref<1x256x128xf32, #tpu.memory_space<vmem>> -> memref<256x128xf32, #tpu.memory_space<vmem>>
    %dma_wait3A_538 = arith.constant 0 : i32
    %dma_wait3A_539 = arith.constant 0 : i32
    %dma_wait3A_540 = tpu.memref_slice %dma_wait3A_537[%dma_wait3A_538, %dma_wait3A_539] : memref<256x128xf32, #tpu.memory_space<vmem>> -> memref<128x128xf32, #tpu.memory_space<vmem>>
    %dma_wait3A_541 = arith.constant 1024 : i32
    %dma_wait3A_542 = tpu.memref_slice %arg5[%dma_wait3A_541] : memref<3200xi32, #tpu.memory_space<vmem>> -> memref<128xi32, #tpu.memory_space<vmem>>
    %dma_wait3A_543 = arith.constant 0 : i32
    %dma_wait3A_544 = arith.constant 0 : i32
    %dma_wait3A_545 = tpu.memref_slice %arg7[%dma_wait3A_543, %dma_wait3A_544] : memref<21x128xf32, #tpu.memory_space<vmem_shared>> -> memref<21x128xf32, #tpu.memory_space<vmem_shared>>
    %dma_wait3A_546 = tpu.memref_slice %arg8[%dma_wait3A_533] : memref<6x!tpu.dma_semaphore, #tpu.memory_space<semaphore_mem>> -> memref<1x!tpu.dma_semaphore, #tpu.memory_space<semaphore_mem>>
    %dma_wait3A_547 = tpu.memref_squeeze %dma_wait3A_546 : memref<1x!tpu.dma_semaphore, #tpu.memory_space<semaphore_mem>> -> memref<!tpu.dma_semaphore, #tpu.memory_space<semaphore_mem>>
    tpu.wait_indirect_dma semaphore(%dma_wait3A_547 : memref<!tpu.dma_semaphore, #tpu.memory_space<semaphore_mem>>) src(%dma_wait3A_545 : memref<21x128xf32, #tpu.memory_space<vmem_shared>>) dst(%dma_wait3A_540 : memref<128x128xf32, #tpu.memory_space<vmem>>)
    %dma_start3A_548 = arith.constant 0 : i32
    %dma_start3A_549 = arith.constant 1 : i32
    %dma_start3A_550 = arith.constant 0 : i32
    %dma_start3A_551 = arith.constant 0 : i32
    %dma_start3A_552 = tpu.memref_slice %arg6[%dma_start3A_548, %dma_start3A_550, %dma_start3A_551] : memref<3x256x128xf32, #tpu.memory_space<vmem>> -> memref<1x256x128xf32, #tpu.memory_space<vmem>>
    %dma_start3A_553 = tpu.memref_squeeze %dma_start3A_552 : memref<1x256x128xf32, #tpu.memory_space<vmem>> -> memref<256x128xf32, #tpu.memory_space<vmem>>
    %dma_start3A_554 = arith.constant 128 : i32
    %dma_start3A_555 = arith.constant 0 : i32
    %dma_start3A_556 = tpu.memref_slice %dma_start3A_553[%dma_start3A_554, %dma_start3A_555] : memref<256x128xf32, #tpu.memory_space<vmem>> -> memref<128x128xf32, #tpu.memory_space<vmem>>
    %dma_start3A_557 = arith.constant 1664 : i32
    %dma_start3A_558 = tpu.memref_slice %arg5[%dma_start3A_557] : memref<3200xi32, #tpu.memory_space<vmem>> -> memref<128xi32, #tpu.memory_space<vmem>>
    %dma_start3A_559 = arith.constant 0 : i32
    %dma_start3A_560 = arith.constant 0 : i32
    %dma_start3A_561 = tpu.memref_slice %arg7[%dma_start3A_559, %dma_start3A_560] : memref<21x128xf32, #tpu.memory_space<vmem_shared>> -> memref<21x128xf32, #tpu.memory_space<vmem_shared>>
    %dma_start3A_562 = tpu.memref_slice %arg8[%dma_start3A_549] : memref<6x!tpu.dma_semaphore, #tpu.memory_space<semaphore_mem>> -> memref<1x!tpu.dma_semaphore, #tpu.memory_space<semaphore_mem>>
    %dma_start3A_563 = tpu.memref_squeeze %dma_start3A_562 : memref<1x!tpu.dma_semaphore, #tpu.memory_space<semaphore_mem>> -> memref<!tpu.dma_semaphore, #tpu.memory_space<semaphore_mem>>
    tpu.enqueue_indirect_dma source(%dma_start3A_561 : memref<21x128xf32, #tpu.memory_space<vmem_shared>>) target(%dma_start3A_556 : memref<128x128xf32, #tpu.memory_space<vmem>>) offsets(%dma_start3A_558 : memref<128xi32, #tpu.memory_space<vmem>>) semaphore(%dma_start3A_563 : memref<!tpu.dma_semaphore, #tpu.memory_space<semaphore_mem>>)
    %dma_wait3A_564 = arith.constant 1 : i32
    %dma_wait3A_565 = arith.constant 3 : i32
    %dma_wait3A_566 = arith.constant 0 : i32
    %dma_wait3A_567 = arith.constant 0 : i32
    %dma_wait3A_568 = tpu.memref_slice %arg6[%dma_wait3A_564, %dma_wait3A_566, %dma_wait3A_567] : memref<3x256x128xf32, #tpu.memory_space<vmem>> -> memref<1x256x128xf32, #tpu.memory_space<vmem>>
    %dma_wait3A_569 = tpu.memref_squeeze %dma_wait3A_568 : memref<1x256x128xf32, #tpu.memory_space<vmem>> -> memref<256x128xf32, #tpu.memory_space<vmem>>
    %dma_wait3A_570 = arith.constant 128 : i32
    %dma_wait3A_571 = arith.constant 0 : i32
    %dma_wait3A_572 = tpu.memref_slice %dma_wait3A_569[%dma_wait3A_570, %dma_wait3A_571] : memref<256x128xf32, #tpu.memory_space<vmem>> -> memref<128x128xf32, #tpu.memory_space<vmem>>
    %dma_wait3A_573 = arith.constant 1152 : i32
    %dma_wait3A_574 = tpu.memref_slice %arg5[%dma_wait3A_573] : memref<3200xi32, #tpu.memory_space<vmem>> -> memref<128xi32, #tpu.memory_space<vmem>>
    %dma_wait3A_575 = arith.constant 0 : i32
    %dma_wait3A_576 = arith.constant 0 : i32
    %dma_wait3A_577 = tpu.memref_slice %arg7[%dma_wait3A_575, %dma_wait3A_576] : memref<21x128xf32, #tpu.memory_space<vmem_shared>> -> memref<21x128xf32, #tpu.memory_space<vmem_shared>>
    %dma_wait3A_578 = tpu.memref_slice %arg8[%dma_wait3A_565] : memref<6x!tpu.dma_semaphore, #tpu.memory_space<semaphore_mem>> -> memref<1x!tpu.dma_semaphore, #tpu.memory_space<semaphore_mem>>
    %dma_wait3A_579 = tpu.memref_squeeze %dma_wait3A_578 : memref<1x!tpu.dma_semaphore, #tpu.memory_space<semaphore_mem>> -> memref<!tpu.dma_semaphore, #tpu.memory_space<semaphore_mem>>
    tpu.wait_indirect_dma semaphore(%dma_wait3A_579 : memref<!tpu.dma_semaphore, #tpu.memory_space<semaphore_mem>>) src(%dma_wait3A_577 : memref<21x128xf32, #tpu.memory_space<vmem_shared>>) dst(%dma_wait3A_572 : memref<128x128xf32, #tpu.memory_space<vmem>>)
    %add3A_580 = arith.constant 1024 : i32
    %add3A_581 = arith.addi %multiple_of3A, %add3A_580 : i32
    %multiple_of3A_582 = tpu.assume_multiple %add3A_581, 8 : i32
    %dma_start3A_583 = arith.constant 1 : i32
    %dma_start3A_584 = arith.constant 1 : i32
    %dma_start3A_585 = arith.constant 0 : i32
    %dma_start3A_586 = arith.constant 0 : i32
    %dma_start3A_587 = tpu.memref_slice %arg6[%dma_start3A_583, %dma_start3A_585, %dma_start3A_586] : memref<3x256x128xf32, #tpu.memory_space<vmem>> -> memref<1x256x128xf32, #tpu.memory_space<vmem>>
    %dma_start3A_588 = tpu.memref_squeeze %dma_start3A_587 : memref<1x256x128xf32, #tpu.memory_space<vmem>> -> memref<256x128xf32, #tpu.memory_space<vmem>>
    %dma_start3A_589 = arith.constant 0 : i32
    %dma_start3A_590 = arith.constant 0 : i32
    %dma_start3A_591 = tpu.memref_slice %dma_start3A_588[%dma_start3A_589, %dma_start3A_590] : memref<256x128xf32, #tpu.memory_space<vmem>> -> memref<256x128xf32, #tpu.memory_space<vmem>>
    %dma_start3A_592 = arith.constant 0 : i32
    %dma_start3A_593 = tpu.memref_slice %arg4[%multiple_of3A_582, %dma_start3A_592] : memref<100000x128xf32, #tpu.memory_space<hbm>> -> memref<256x128xf32, #tpu.memory_space<hbm>>
    %dma_start3A_594 = tpu.memref_slice %arg9[%dma_start3A_584] : memref<3x!tpu.dma_semaphore, #tpu.memory_space<semaphore_mem>> -> memref<1x!tpu.dma_semaphore, #tpu.memory_space<semaphore_mem>>
    %dma_start3A_595 = tpu.memref_squeeze %dma_start3A_594 : memref<1x!tpu.dma_semaphore, #tpu.memory_space<semaphore_mem>> -> memref<!tpu.dma_semaphore, #tpu.memory_space<semaphore_mem>>
    %dma_start3A_596 = arith.constant 0 : i32
    %dma_start3A_597 = tpu.memref_slice %arg4[%multiple_of3A_582, %dma_start3A_596] : memref<100000x128xf32, #tpu.memory_space<hbm>> -> memref<256x128xf32, #tpu.memory_space<hbm>>
    %dma_start3A_598 = arith.constant 0 : i32
    %dma_start3A_599 = arith.constant 0 : i32
    %dma_start3A_600 = tpu.memref_slice %arg6[%dma_start3A_583, %dma_start3A_598, %dma_start3A_599] : memref<3x256x128xf32, #tpu.memory_space<vmem>> -> memref<1x256x128xf32, #tpu.memory_space<vmem>>
    %dma_start3A_601 = tpu.memref_squeeze %dma_start3A_600 : memref<1x256x128xf32, #tpu.memory_space<vmem>> -> memref<256x128xf32, #tpu.memory_space<vmem>>
    %dma_start3A_602 = arith.constant 0 : i32
    %dma_start3A_603 = arith.constant 0 : i32
    %dma_start3A_604 = tpu.memref_slice %dma_start3A_601[%dma_start3A_602, %dma_start3A_603] : memref<256x128xf32, #tpu.memory_space<vmem>> -> memref<256x128xf32, #tpu.memory_space<vmem>>
    tpu.enqueue_dma source(%dma_start3A_604 : memref<256x128xf32, #tpu.memory_space<vmem>>) target(%dma_start3A_597 : memref<256x128xf32, #tpu.memory_space<hbm>>) target_semaphore(%dma_start3A_595 : memref<!tpu.dma_semaphore, #tpu.memory_space<semaphore_mem>>)
    %dma_wait3A_605 = arith.constant 1 : i32
    %dma_wait3A_606 = arith.constant 1 : i32
    %dma_wait3A_607 = arith.constant 0 : i32
    %dma_wait3A_608 = arith.constant 0 : i32
    %dma_wait3A_609 = tpu.memref_slice %arg6[%dma_wait3A_605, %dma_wait3A_607, %dma_wait3A_608] : memref<3x256x128xf32, #tpu.memory_space<vmem>> -> memref<1x256x128xf32, #tpu.memory_space<vmem>>
    %dma_wait3A_610 = tpu.memref_squeeze %dma_wait3A_609 : memref<1x256x128xf32, #tpu.memory_space<vmem>> -> memref<256x128xf32, #tpu.memory_space<vmem>>
    %dma_wait3A_611 = arith.constant 0 : i32
    %dma_wait3A_612 = arith.constant 0 : i32
    %dma_wait3A_613 = tpu.memref_slice %dma_wait3A_610[%dma_wait3A_611, %dma_wait3A_612] : memref<256x128xf32, #tpu.memory_space<vmem>> -> memref<256x128xf32, #tpu.memory_space<vmem>>
    %dma_wait3A_614 = arith.constant 0 : i32
    %dma_wait3A_615 = tpu.memref_slice %arg4[%multiple_of3A_582, %dma_wait3A_614] : memref<100000x128xf32, #tpu.memory_space<hbm>> -> memref<256x128xf32, #tpu.memory_space<hbm>>
    %dma_wait3A_616 = tpu.memref_slice %arg9[%dma_wait3A_606] : memref<3x!tpu.dma_semaphore, #tpu.memory_space<semaphore_mem>> -> memref<1x!tpu.dma_semaphore, #tpu.memory_space<semaphore_mem>>
    %dma_wait3A_617 = tpu.memref_squeeze %dma_wait3A_616 : memref<1x!tpu.dma_semaphore, #tpu.memory_space<semaphore_mem>> -> memref<!tpu.dma_semaphore, #tpu.memory_space<semaphore_mem>>
    %dma_wait3A_618 = arith.constant 0 : i32
    %dma_wait3A_619 = tpu.memref_slice %arg4[%multiple_of3A_582, %dma_wait3A_618] : memref<100000x128xf32, #tpu.memory_space<hbm>> -> memref<256x128xf32, #tpu.memory_space<hbm>>
    %dma_wait3A_620 = arith.constant 0 : i32
    %dma_wait3A_621 = arith.constant 0 : i32
    %dma_wait3A_622 = tpu.memref_slice %arg6[%dma_wait3A_605, %dma_wait3A_620, %dma_wait3A_621] : memref<3x256x128xf32, #tpu.memory_space<vmem>> -> memref<1x256x128xf32, #tpu.memory_space<vmem>>
    %dma_wait3A_623 = tpu.memref_squeeze %dma_wait3A_622 : memref<1x256x128xf32, #tpu.memory_space<vmem>> -> memref<256x128xf32, #tpu.memory_space<vmem>>
    %dma_wait3A_624 = arith.constant 0 : i32
    %dma_wait3A_625 = arith.constant 0 : i32
    %dma_wait3A_626 = tpu.memref_slice %dma_wait3A_623[%dma_wait3A_624, %dma_wait3A_625] : memref<256x128xf32, #tpu.memory_space<vmem>> -> memref<256x128xf32, #tpu.memory_space<vmem>>
    tpu.wait_dma2 semaphore(%dma_wait3A_617 : memref<!tpu.dma_semaphore, #tpu.memory_space<semaphore_mem>>) src(%dma_wait3A_626 : memref<256x128xf32, #tpu.memory_space<vmem>>) dst(%dma_wait3A_619 : memref<256x128xf32, #tpu.memory_space<hbm>>)
    %dma_start3A_627 = arith.constant 1 : i32
    %dma_start3A_628 = arith.constant 2 : i32
    %dma_start3A_629 = arith.constant 0 : i32
    %dma_start3A_630 = arith.constant 0 : i32
    %dma_start3A_631 = tpu.memref_slice %arg6[%dma_start3A_627, %dma_start3A_629, %dma_start3A_630] : memref<3x256x128xf32, #tpu.memory_space<vmem>> -> memref<1x256x128xf32, #tpu.memory_space<vmem>>
    %dma_start3A_632 = tpu.memref_squeeze %dma_start3A_631 : memref<1x256x128xf32, #tpu.memory_space<vmem>> -> memref<256x128xf32, #tpu.memory_space<vmem>>
    %dma_start3A_633 = arith.constant 0 : i32
    %dma_start3A_634 = arith.constant 0 : i32
    %dma_start3A_635 = tpu.memref_slice %dma_start3A_632[%dma_start3A_633, %dma_start3A_634] : memref<256x128xf32, #tpu.memory_space<vmem>> -> memref<128x128xf32, #tpu.memory_space<vmem>>
    %dma_start3A_636 = arith.constant 1792 : i32
    %dma_start3A_637 = tpu.memref_slice %arg5[%dma_start3A_636] : memref<3200xi32, #tpu.memory_space<vmem>> -> memref<128xi32, #tpu.memory_space<vmem>>
    %dma_start3A_638 = arith.constant 0 : i32
    %dma_start3A_639 = arith.constant 0 : i32
    %dma_start3A_640 = tpu.memref_slice %arg7[%dma_start3A_638, %dma_start3A_639] : memref<21x128xf32, #tpu.memory_space<vmem_shared>> -> memref<21x128xf32, #tpu.memory_space<vmem_shared>>
    %dma_start3A_641 = tpu.memref_slice %arg8[%dma_start3A_628] : memref<6x!tpu.dma_semaphore, #tpu.memory_space<semaphore_mem>> -> memref<1x!tpu.dma_semaphore, #tpu.memory_space<semaphore_mem>>
    %dma_start3A_642 = tpu.memref_squeeze %dma_start3A_641 : memref<1x!tpu.dma_semaphore, #tpu.memory_space<semaphore_mem>> -> memref<!tpu.dma_semaphore, #tpu.memory_space<semaphore_mem>>
    tpu.enqueue_indirect_dma source(%dma_start3A_640 : memref<21x128xf32, #tpu.memory_space<vmem_shared>>) target(%dma_start3A_635 : memref<128x128xf32, #tpu.memory_space<vmem>>) offsets(%dma_start3A_637 : memref<128xi32, #tpu.memory_space<vmem>>) semaphore(%dma_start3A_642 : memref<!tpu.dma_semaphore, #tpu.memory_space<semaphore_mem>>)
    %dma_wait3A_643 = arith.constant 2 : i32
    %dma_wait3A_644 = arith.constant 4 : i32
    %dma_wait3A_645 = arith.constant 0 : i32
    %dma_wait3A_646 = arith.constant 0 : i32
    %dma_wait3A_647 = tpu.memref_slice %arg6[%dma_wait3A_643, %dma_wait3A_645, %dma_wait3A_646] : memref<3x256x128xf32, #tpu.memory_space<vmem>> -> memref<1x256x128xf32, #tpu.memory_space<vmem>>
    %dma_wait3A_648 = tpu.memref_squeeze %dma_wait3A_647 : memref<1x256x128xf32, #tpu.memory_space<vmem>> -> memref<256x128xf32, #tpu.memory_space<vmem>>
    %dma_wait3A_649 = arith.constant 0 : i32
    %dma_wait3A_650 = arith.constant 0 : i32
    %dma_wait3A_651 = tpu.memref_slice %dma_wait3A_648[%dma_wait3A_649, %dma_wait3A_650] : memref<256x128xf32, #tpu.memory_space<vmem>> -> memref<128x128xf32, #tpu.memory_space<vmem>>
    %dma_wait3A_652 = arith.constant 1280 : i32
    %dma_wait3A_653 = tpu.memref_slice %arg5[%dma_wait3A_652] : memref<3200xi32, #tpu.memory_space<vmem>> -> memref<128xi32, #tpu.memory_space<vmem>>
    %dma_wait3A_654 = arith.constant 0 : i32
    %dma_wait3A_655 = arith.constant 0 : i32
    %dma_wait3A_656 = tpu.memref_slice %arg7[%dma_wait3A_654, %dma_wait3A_655] : memref<21x128xf32, #tpu.memory_space<vmem_shared>> -> memref<21x128xf32, #tpu.memory_space<vmem_shared>>
    %dma_wait3A_657 = tpu.memref_slice %arg8[%dma_wait3A_644] : memref<6x!tpu.dma_semaphore, #tpu.memory_space<semaphore_mem>> -> memref<1x!tpu.dma_semaphore, #tpu.memory_space<semaphore_mem>>
    %dma_wait3A_658 = tpu.memref_squeeze %dma_wait3A_657 : memref<1x!tpu.dma_semaphore, #tpu.memory_space<semaphore_mem>> -> memref<!tpu.dma_semaphore, #tpu.memory_space<semaphore_mem>>
    tpu.wait_indirect_dma semaphore(%dma_wait3A_658 : memref<!tpu.dma_semaphore, #tpu.memory_space<semaphore_mem>>) src(%dma_wait3A_656 : memref<21x128xf32, #tpu.memory_space<vmem_shared>>) dst(%dma_wait3A_651 : memref<128x128xf32, #tpu.memory_space<vmem>>)
    %dma_start3A_659 = arith.constant 1 : i32
    %dma_start3A_660 = arith.constant 3 : i32
    %dma_start3A_661 = arith.constant 0 : i32
    %dma_start3A_662 = arith.constant 0 : i32
    %dma_start3A_663 = tpu.memref_slice %arg6[%dma_start3A_659, %dma_start3A_661, %dma_start3A_662] : memref<3x256x128xf32, #tpu.memory_space<vmem>> -> memref<1x256x128xf32, #tpu.memory_space<vmem>>
    %dma_start3A_664 = tpu.memref_squeeze %dma_start3A_663 : memref<1x256x128xf32, #tpu.memory_space<vmem>> -> memref<256x128xf32, #tpu.memory_space<vmem>>
    %dma_start3A_665 = arith.constant 128 : i32
    %dma_start3A_666 = arith.constant 0 : i32
    %dma_start3A_667 = tpu.memref_slice %dma_start3A_664[%dma_start3A_665, %dma_start3A_666] : memref<256x128xf32, #tpu.memory_space<vmem>> -> memref<128x128xf32, #tpu.memory_space<vmem>>
    %dma_start3A_668 = arith.constant 1920 : i32
    %dma_start3A_669 = tpu.memref_slice %arg5[%dma_start3A_668] : memref<3200xi32, #tpu.memory_space<vmem>> -> memref<128xi32, #tpu.memory_space<vmem>>
    %dma_start3A_670 = arith.constant 0 : i32
    %dma_start3A_671 = arith.constant 0 : i32
    %dma_start3A_672 = tpu.memref_slice %arg7[%dma_start3A_670, %dma_start3A_671] : memref<21x128xf32, #tpu.memory_space<vmem_shared>> -> memref<21x128xf32, #tpu.memory_space<vmem_shared>>
    %dma_start3A_673 = tpu.memref_slice %arg8[%dma_start3A_660] : memref<6x!tpu.dma_semaphore, #tpu.memory_space<semaphore_mem>> -> memref<1x!tpu.dma_semaphore, #tpu.memory_space<semaphore_mem>>
    %dma_start3A_674 = tpu.memref_squeeze %dma_start3A_673 : memref<1x!tpu.dma_semaphore, #tpu.memory_space<semaphore_mem>> -> memref<!tpu.dma_semaphore, #tpu.memory_space<semaphore_mem>>
    tpu.enqueue_indirect_dma source(%dma_start3A_672 : memref<21x128xf32, #tpu.memory_space<vmem_shared>>) target(%dma_start3A_667 : memref<128x128xf32, #tpu.memory_space<vmem>>) offsets(%dma_start3A_669 : memref<128xi32, #tpu.memory_space<vmem>>) semaphore(%dma_start3A_674 : memref<!tpu.dma_semaphore, #tpu.memory_space<semaphore_mem>>)
    %dma_wait3A_675 = arith.constant 2 : i32
    %dma_wait3A_676 = arith.constant 5 : i32
    %dma_wait3A_677 = arith.constant 0 : i32
    %dma_wait3A_678 = arith.constant 0 : i32
    %dma_wait3A_679 = tpu.memref_slice %arg6[%dma_wait3A_675, %dma_wait3A_677, %dma_wait3A_678] : memref<3x256x128xf32, #tpu.memory_space<vmem>> -> memref<1x256x128xf32, #tpu.memory_space<vmem>>
    %dma_wait3A_680 = tpu.memref_squeeze %dma_wait3A_679 : memref<1x256x128xf32, #tpu.memory_space<vmem>> -> memref<256x128xf32, #tpu.memory_space<vmem>>
    %dma_wait3A_681 = arith.constant 128 : i32
    %dma_wait3A_682 = arith.constant 0 : i32
    %dma_wait3A_683 = tpu.memref_slice %dma_wait3A_680[%dma_wait3A_681, %dma_wait3A_682] : memref<256x128xf32, #tpu.memory_space<vmem>> -> memref<128x128xf32, #tpu.memory_space<vmem>>
    %dma_wait3A_684 = arith.constant 1408 : i32
    %dma_wait3A_685 = tpu.memref_slice %arg5[%dma_wait3A_684] : memref<3200xi32, #tpu.memory_space<vmem>> -> memref<128xi32, #tpu.memory_space<vmem>>
    %dma_wait3A_686 = arith.constant 0 : i32
    %dma_wait3A_687 = arith.constant 0 : i32
    %dma_wait3A_688 = tpu.memref_slice %arg7[%dma_wait3A_686, %dma_wait3A_687] : memref<21x128xf32, #tpu.memory_space<vmem_shared>> -> memref<21x128xf32, #tpu.memory_space<vmem_shared>>
    %dma_wait3A_689 = tpu.memref_slice %arg8[%dma_wait3A_676] : memref<6x!tpu.dma_semaphore, #tpu.memory_space<semaphore_mem>> -> memref<1x!tpu.dma_semaphore, #tpu.memory_space<semaphore_mem>>
    %dma_wait3A_690 = tpu.memref_squeeze %dma_wait3A_689 : memref<1x!tpu.dma_semaphore, #tpu.memory_space<semaphore_mem>> -> memref<!tpu.dma_semaphore, #tpu.memory_space<semaphore_mem>>
    tpu.wait_indirect_dma semaphore(%dma_wait3A_690 : memref<!tpu.dma_semaphore, #tpu.memory_space<semaphore_mem>>) src(%dma_wait3A_688 : memref<21x128xf32, #tpu.memory_space<vmem_shared>>) dst(%dma_wait3A_683 : memref<128x128xf32, #tpu.memory_space<vmem>>)
    %add3A_691 = arith.constant 1280 : i32
    %add3A_692 = arith.addi %multiple_of3A, %add3A_691 : i32
    %multiple_of3A_693 = tpu.assume_multiple %add3A_692, 8 : i32
    %dma_start3A_694 = arith.constant 2 : i32
    %dma_start3A_695 = arith.constant 2 : i32
    %dma_start3A_696 = arith.constant 0 : i32
    %dma_start3A_697 = arith.constant 0 : i32
    %dma_start3A_698 = tpu.memref_slice %arg6[%dma_start3A_694, %dma_start3A_696, %dma_start3A_697] : memref<3x256x128xf32, #tpu.memory_space<vmem>> -> memref<1x256x128xf32, #tpu.memory_space<vmem>>
    %dma_start3A_699 = tpu.memref_squeeze %dma_start3A_698 : memref<1x256x128xf32, #tpu.memory_space<vmem>> -> memref<256x128xf32, #tpu.memory_space<vmem>>
    %dma_start3A_700 = arith.constant 0 : i32
    %dma_start3A_701 = arith.constant 0 : i32
    %dma_start3A_702 = tpu.memref_slice %dma_start3A_699[%dma_start3A_700, %dma_start3A_701] : memref<256x128xf32, #tpu.memory_space<vmem>> -> memref<256x128xf32, #tpu.memory_space<vmem>>
    %dma_start3A_703 = arith.constant 0 : i32
    %dma_start3A_704 = tpu.memref_slice %arg4[%multiple_of3A_693, %dma_start3A_703] : memref<100000x128xf32, #tpu.memory_space<hbm>> -> memref<256x128xf32, #tpu.memory_space<hbm>>
    %dma_start3A_705 = tpu.memref_slice %arg9[%dma_start3A_695] : memref<3x!tpu.dma_semaphore, #tpu.memory_space<semaphore_mem>> -> memref<1x!tpu.dma_semaphore, #tpu.memory_space<semaphore_mem>>
    %dma_start3A_706 = tpu.memref_squeeze %dma_start3A_705 : memref<1x!tpu.dma_semaphore, #tpu.memory_space<semaphore_mem>> -> memref<!tpu.dma_semaphore, #tpu.memory_space<semaphore_mem>>
    %dma_start3A_707 = arith.constant 0 : i32
    %dma_start3A_708 = tpu.memref_slice %arg4[%multiple_of3A_693, %dma_start3A_707] : memref<100000x128xf32, #tpu.memory_space<hbm>> -> memref<256x128xf32, #tpu.memory_space<hbm>>
    %dma_start3A_709 = arith.constant 0 : i32
    %dma_start3A_710 = arith.constant 0 : i32
    %dma_start3A_711 = tpu.memref_slice %arg6[%dma_start3A_694, %dma_start3A_709, %dma_start3A_710] : memref<3x256x128xf32, #tpu.memory_space<vmem>> -> memref<1x256x128xf32, #tpu.memory_space<vmem>>
    %dma_start3A_712 = tpu.memref_squeeze %dma_start3A_711 : memref<1x256x128xf32, #tpu.memory_space<vmem>> -> memref<256x128xf32, #tpu.memory_space<vmem>>
    %dma_start3A_713 = arith.constant 0 : i32
    %dma_start3A_714 = arith.constant 0 : i32
    %dma_start3A_715 = tpu.memref_slice %dma_start3A_712[%dma_start3A_713, %dma_start3A_714] : memref<256x128xf32, #tpu.memory_space<vmem>> -> memref<256x128xf32, #tpu.memory_space<vmem>>
    tpu.enqueue_dma source(%dma_start3A_715 : memref<256x128xf32, #tpu.memory_space<vmem>>) target(%dma_start3A_708 : memref<256x128xf32, #tpu.memory_space<hbm>>) target_semaphore(%dma_start3A_706 : memref<!tpu.dma_semaphore, #tpu.memory_space<semaphore_mem>>)
    %dma_wait3A_716 = arith.constant 2 : i32
    %dma_wait3A_717 = arith.constant 2 : i32
    %dma_wait3A_718 = arith.constant 0 : i32
    %dma_wait3A_719 = arith.constant 0 : i32
    %dma_wait3A_720 = tpu.memref_slice %arg6[%dma_wait3A_716, %dma_wait3A_718, %dma_wait3A_719] : memref<3x256x128xf32, #tpu.memory_space<vmem>> -> memref<1x256x128xf32, #tpu.memory_space<vmem>>
    %dma_wait3A_721 = tpu.memref_squeeze %dma_wait3A_720 : memref<1x256x128xf32, #tpu.memory_space<vmem>> -> memref<256x128xf32, #tpu.memory_space<vmem>>
    %dma_wait3A_722 = arith.constant 0 : i32
    %dma_wait3A_723 = arith.constant 0 : i32
    %dma_wait3A_724 = tpu.memref_slice %dma_wait3A_721[%dma_wait3A_722, %dma_wait3A_723] : memref<256x128xf32, #tpu.memory_space<vmem>> -> memref<256x128xf32, #tpu.memory_space<vmem>>
    %dma_wait3A_725 = arith.constant 0 : i32
    %dma_wait3A_726 = tpu.memref_slice %arg4[%multiple_of3A_693, %dma_wait3A_725] : memref<100000x128xf32, #tpu.memory_space<hbm>> -> memref<256x128xf32, #tpu.memory_space<hbm>>
    %dma_wait3A_727 = tpu.memref_slice %arg9[%dma_wait3A_717] : memref<3x!tpu.dma_semaphore, #tpu.memory_space<semaphore_mem>> -> memref<1x!tpu.dma_semaphore, #tpu.memory_space<semaphore_mem>>
    %dma_wait3A_728 = tpu.memref_squeeze %dma_wait3A_727 : memref<1x!tpu.dma_semaphore, #tpu.memory_space<semaphore_mem>> -> memref<!tpu.dma_semaphore, #tpu.memory_space<semaphore_mem>>
    %dma_wait3A_729 = arith.constant 0 : i32
    %dma_wait3A_730 = tpu.memref_slice %arg4[%multiple_of3A_693, %dma_wait3A_729] : memref<100000x128xf32, #tpu.memory_space<hbm>> -> memref<256x128xf32, #tpu.memory_space<hbm>>
    %dma_wait3A_731 = arith.constant 0 : i32
    %dma_wait3A_732 = arith.constant 0 : i32
    %dma_wait3A_733 = tpu.memref_slice %arg6[%dma_wait3A_716, %dma_wait3A_731, %dma_wait3A_732] : memref<3x256x128xf32, #tpu.memory_space<vmem>> -> memref<1x256x128xf32, #tpu.memory_space<vmem>>
    %dma_wait3A_734 = tpu.memref_squeeze %dma_wait3A_733 : memref<1x256x128xf32, #tpu.memory_space<vmem>> -> memref<256x128xf32, #tpu.memory_space<vmem>>
    %dma_wait3A_735 = arith.constant 0 : i32
    %dma_wait3A_736 = arith.constant 0 : i32
    %dma_wait3A_737 = tpu.memref_slice %dma_wait3A_734[%dma_wait3A_735, %dma_wait3A_736] : memref<256x128xf32, #tpu.memory_space<vmem>> -> memref<256x128xf32, #tpu.memory_space<vmem>>
    tpu.wait_dma2 semaphore(%dma_wait3A_728 : memref<!tpu.dma_semaphore, #tpu.memory_space<semaphore_mem>>) src(%dma_wait3A_737 : memref<256x128xf32, #tpu.memory_space<vmem>>) dst(%dma_wait3A_730 : memref<256x128xf32, #tpu.memory_space<hbm>>)
    %dma_start3A_738 = arith.constant 2 : i32
    %dma_start3A_739 = arith.constant 4 : i32
    %dma_start3A_740 = arith.constant 0 : i32
    %dma_start3A_741 = arith.constant 0 : i32
    %dma_start3A_742 = tpu.memref_slice %arg6[%dma_start3A_738, %dma_start3A_740, %dma_start3A_741] : memref<3x256x128xf32, #tpu.memory_space<vmem>> -> memref<1x256x128xf32, #tpu.memory_space<vmem>>
    %dma_start3A_743 = tpu.memref_squeeze %dma_start3A_742 : memref<1x256x128xf32, #tpu.memory_space<vmem>> -> memref<256x128xf32, #tpu.memory_space<vmem>>
    %dma_start3A_744 = arith.constant 0 : i32
    %dma_start3A_745 = arith.constant 0 : i32
    %dma_start3A_746 = tpu.memref_slice %dma_start3A_743[%dma_start3A_744, %dma_start3A_745] : memref<256x128xf32, #tpu.memory_space<vmem>> -> memref<128x128xf32, #tpu.memory_space<vmem>>
    %dma_start3A_747 = arith.constant 2048 : i32
    %dma_start3A_748 = tpu.memref_slice %arg5[%dma_start3A_747] : memref<3200xi32, #tpu.memory_space<vmem>> -> memref<128xi32, #tpu.memory_space<vmem>>
    %dma_start3A_749 = arith.constant 0 : i32
    %dma_start3A_750 = arith.constant 0 : i32
    %dma_start3A_751 = tpu.memref_slice %arg7[%dma_start3A_749, %dma_start3A_750] : memref<21x128xf32, #tpu.memory_space<vmem_shared>> -> memref<21x128xf32, #tpu.memory_space<vmem_shared>>
    %dma_start3A_752 = tpu.memref_slice %arg8[%dma_start3A_739] : memref<6x!tpu.dma_semaphore, #tpu.memory_space<semaphore_mem>> -> memref<1x!tpu.dma_semaphore, #tpu.memory_space<semaphore_mem>>
    %dma_start3A_753 = tpu.memref_squeeze %dma_start3A_752 : memref<1x!tpu.dma_semaphore, #tpu.memory_space<semaphore_mem>> -> memref<!tpu.dma_semaphore, #tpu.memory_space<semaphore_mem>>
    tpu.enqueue_indirect_dma source(%dma_start3A_751 : memref<21x128xf32, #tpu.memory_space<vmem_shared>>) target(%dma_start3A_746 : memref<128x128xf32, #tpu.memory_space<vmem>>) offsets(%dma_start3A_748 : memref<128xi32, #tpu.memory_space<vmem>>) semaphore(%dma_start3A_753 : memref<!tpu.dma_semaphore, #tpu.memory_space<semaphore_mem>>)
    %dma_wait3A_754 = arith.constant 0 : i32
    %dma_wait3A_755 = arith.constant 0 : i32
    %dma_wait3A_756 = arith.constant 0 : i32
    %dma_wait3A_757 = arith.constant 0 : i32
    %dma_wait3A_758 = tpu.memref_slice %arg6[%dma_wait3A_754, %dma_wait3A_756, %dma_wait3A_757] : memref<3x256x128xf32, #tpu.memory_space<vmem>> -> memref<1x256x128xf32, #tpu.memory_space<vmem>>
    %dma_wait3A_759 = tpu.memref_squeeze %dma_wait3A_758 : memref<1x256x128xf32, #tpu.memory_space<vmem>> -> memref<256x128xf32, #tpu.memory_space<vmem>>
    %dma_wait3A_760 = arith.constant 0 : i32
    %dma_wait3A_761 = arith.constant 0 : i32
    %dma_wait3A_762 = tpu.memref_slice %dma_wait3A_759[%dma_wait3A_760, %dma_wait3A_761] : memref<256x128xf32, #tpu.memory_space<vmem>> -> memref<128x128xf32, #tpu.memory_space<vmem>>
    %dma_wait3A_763 = arith.constant 1536 : i32
    %dma_wait3A_764 = tpu.memref_slice %arg5[%dma_wait3A_763] : memref<3200xi32, #tpu.memory_space<vmem>> -> memref<128xi32, #tpu.memory_space<vmem>>
    %dma_wait3A_765 = arith.constant 0 : i32
    %dma_wait3A_766 = arith.constant 0 : i32
    %dma_wait3A_767 = tpu.memref_slice %arg7[%dma_wait3A_765, %dma_wait3A_766] : memref<21x128xf32, #tpu.memory_space<vmem_shared>> -> memref<21x128xf32, #tpu.memory_space<vmem_shared>>
    %dma_wait3A_768 = tpu.memref_slice %arg8[%dma_wait3A_755] : memref<6x!tpu.dma_semaphore, #tpu.memory_space<semaphore_mem>> -> memref<1x!tpu.dma_semaphore, #tpu.memory_space<semaphore_mem>>
    %dma_wait3A_769 = tpu.memref_squeeze %dma_wait3A_768 : memref<1x!tpu.dma_semaphore, #tpu.memory_space<semaphore_mem>> -> memref<!tpu.dma_semaphore, #tpu.memory_space<semaphore_mem>>
    tpu.wait_indirect_dma semaphore(%dma_wait3A_769 : memref<!tpu.dma_semaphore, #tpu.memory_space<semaphore_mem>>) src(%dma_wait3A_767 : memref<21x128xf32, #tpu.memory_space<vmem_shared>>) dst(%dma_wait3A_762 : memref<128x128xf32, #tpu.memory_space<vmem>>)
    %dma_start3A_770 = arith.constant 2 : i32
    %dma_start3A_771 = arith.constant 5 : i32
    %dma_start3A_772 = arith.constant 0 : i32
    %dma_start3A_773 = arith.constant 0 : i32
    %dma_start3A_774 = tpu.memref_slice %arg6[%dma_start3A_770, %dma_start3A_772, %dma_start3A_773] : memref<3x256x128xf32, #tpu.memory_space<vmem>> -> memref<1x256x128xf32, #tpu.memory_space<vmem>>
    %dma_start3A_775 = tpu.memref_squeeze %dma_start3A_774 : memref<1x256x128xf32, #tpu.memory_space<vmem>> -> memref<256x128xf32, #tpu.memory_space<vmem>>
    %dma_start3A_776 = arith.constant 128 : i32
    %dma_start3A_777 = arith.constant 0 : i32
    %dma_start3A_778 = tpu.memref_slice %dma_start3A_775[%dma_start3A_776, %dma_start3A_777] : memref<256x128xf32, #tpu.memory_space<vmem>> -> memref<128x128xf32, #tpu.memory_space<vmem>>
    %dma_start3A_779 = arith.constant 2176 : i32
    %dma_start3A_780 = tpu.memref_slice %arg5[%dma_start3A_779] : memref<3200xi32, #tpu.memory_space<vmem>> -> memref<128xi32, #tpu.memory_space<vmem>>
    %dma_start3A_781 = arith.constant 0 : i32
    %dma_start3A_782 = arith.constant 0 : i32
    %dma_start3A_783 = tpu.memref_slice %arg7[%dma_start3A_781, %dma_start3A_782] : memref<21x128xf32, #tpu.memory_space<vmem_shared>> -> memref<21x128xf32, #tpu.memory_space<vmem_shared>>
    %dma_start3A_784 = tpu.memref_slice %arg8[%dma_start3A_771] : memref<6x!tpu.dma_semaphore, #tpu.memory_space<semaphore_mem>> -> memref<1x!tpu.dma_semaphore, #tpu.memory_space<semaphore_mem>>
    %dma_start3A_785 = tpu.memref_squeeze %dma_start3A_784 : memref<1x!tpu.dma_semaphore, #tpu.memory_space<semaphore_mem>> -> memref<!tpu.dma_semaphore, #tpu.memory_space<semaphore_mem>>
    tpu.enqueue_indirect_dma source(%dma_start3A_783 : memref<21x128xf32, #tpu.memory_space<vmem_shared>>) target(%dma_start3A_778 : memref<128x128xf32, #tpu.memory_space<vmem>>) offsets(%dma_start3A_780 : memref<128xi32, #tpu.memory_space<vmem>>) semaphore(%dma_start3A_785 : memref<!tpu.dma_semaphore, #tpu.memory_space<semaphore_mem>>)
    %dma_wait3A_786 = arith.constant 0 : i32
    %dma_wait3A_787 = arith.constant 1 : i32
    %dma_wait3A_788 = arith.constant 0 : i32
    %dma_wait3A_789 = arith.constant 0 : i32
    %dma_wait3A_790 = tpu.memref_slice %arg6[%dma_wait3A_786, %dma_wait3A_788, %dma_wait3A_789] : memref<3x256x128xf32, #tpu.memory_space<vmem>> -> memref<1x256x128xf32, #tpu.memory_space<vmem>>
    %dma_wait3A_791 = tpu.memref_squeeze %dma_wait3A_790 : memref<1x256x128xf32, #tpu.memory_space<vmem>> -> memref<256x128xf32, #tpu.memory_space<vmem>>
    %dma_wait3A_792 = arith.constant 128 : i32
    %dma_wait3A_793 = arith.constant 0 : i32
    %dma_wait3A_794 = tpu.memref_slice %dma_wait3A_791[%dma_wait3A_792, %dma_wait3A_793] : memref<256x128xf32, #tpu.memory_space<vmem>> -> memref<128x128xf32, #tpu.memory_space<vmem>>
    %dma_wait3A_795 = arith.constant 1664 : i32
    %dma_wait3A_796 = tpu.memref_slice %arg5[%dma_wait3A_795] : memref<3200xi32, #tpu.memory_space<vmem>> -> memref<128xi32, #tpu.memory_space<vmem>>
    %dma_wait3A_797 = arith.constant 0 : i32
    %dma_wait3A_798 = arith.constant 0 : i32
    %dma_wait3A_799 = tpu.memref_slice %arg7[%dma_wait3A_797, %dma_wait3A_798] : memref<21x128xf32, #tpu.memory_space<vmem_shared>> -> memref<21x128xf32, #tpu.memory_space<vmem_shared>>
    %dma_wait3A_800 = tpu.memref_slice %arg8[%dma_wait3A_787] : memref<6x!tpu.dma_semaphore, #tpu.memory_space<semaphore_mem>> -> memref<1x!tpu.dma_semaphore, #tpu.memory_space<semaphore_mem>>
    %dma_wait3A_801 = tpu.memref_squeeze %dma_wait3A_800 : memref<1x!tpu.dma_semaphore, #tpu.memory_space<semaphore_mem>> -> memref<!tpu.dma_semaphore, #tpu.memory_space<semaphore_mem>>
    tpu.wait_indirect_dma semaphore(%dma_wait3A_801 : memref<!tpu.dma_semaphore, #tpu.memory_space<semaphore_mem>>) src(%dma_wait3A_799 : memref<21x128xf32, #tpu.memory_space<vmem_shared>>) dst(%dma_wait3A_794 : memref<128x128xf32, #tpu.memory_space<vmem>>)
    %add3A_802 = arith.constant 1536 : i32
    %add3A_803 = arith.addi %multiple_of3A, %add3A_802 : i32
    %multiple_of3A_804 = tpu.assume_multiple %add3A_803, 8 : i32
    %dma_start3A_805 = arith.constant 0 : i32
    %dma_start3A_806 = arith.constant 0 : i32
    %dma_start3A_807 = arith.constant 0 : i32
    %dma_start3A_808 = arith.constant 0 : i32
    %dma_start3A_809 = tpu.memref_slice %arg6[%dma_start3A_805, %dma_start3A_807, %dma_start3A_808] : memref<3x256x128xf32, #tpu.memory_space<vmem>> -> memref<1x256x128xf32, #tpu.memory_space<vmem>>
    %dma_start3A_810 = tpu.memref_squeeze %dma_start3A_809 : memref<1x256x128xf32, #tpu.memory_space<vmem>> -> memref<256x128xf32, #tpu.memory_space<vmem>>
    %dma_start3A_811 = arith.constant 0 : i32
    %dma_start3A_812 = arith.constant 0 : i32
    %dma_start3A_813 = tpu.memref_slice %dma_start3A_810[%dma_start3A_811, %dma_start3A_812] : memref<256x128xf32, #tpu.memory_space<vmem>> -> memref<256x128xf32, #tpu.memory_space<vmem>>
    %dma_start3A_814 = arith.constant 0 : i32
    %dma_start3A_815 = tpu.memref_slice %arg4[%multiple_of3A_804, %dma_start3A_814] : memref<100000x128xf32, #tpu.memory_space<hbm>> -> memref<256x128xf32, #tpu.memory_space<hbm>>
    %dma_start3A_816 = tpu.memref_slice %arg9[%dma_start3A_806] : memref<3x!tpu.dma_semaphore, #tpu.memory_space<semaphore_mem>> -> memref<1x!tpu.dma_semaphore, #tpu.memory_space<semaphore_mem>>
    %dma_start3A_817 = tpu.memref_squeeze %dma_start3A_816 : memref<1x!tpu.dma_semaphore, #tpu.memory_space<semaphore_mem>> -> memref<!tpu.dma_semaphore, #tpu.memory_space<semaphore_mem>>
    %dma_start3A_818 = arith.constant 0 : i32
    %dma_start3A_819 = tpu.memref_slice %arg4[%multiple_of3A_804, %dma_start3A_818] : memref<100000x128xf32, #tpu.memory_space<hbm>> -> memref<256x128xf32, #tpu.memory_space<hbm>>
    %dma_start3A_820 = arith.constant 0 : i32
    %dma_start3A_821 = arith.constant 0 : i32
    %dma_start3A_822 = tpu.memref_slice %arg6[%dma_start3A_805, %dma_start3A_820, %dma_start3A_821] : memref<3x256x128xf32, #tpu.memory_space<vmem>> -> memref<1x256x128xf32, #tpu.memory_space<vmem>>
    %dma_start3A_823 = tpu.memref_squeeze %dma_start3A_822 : memref<1x256x128xf32, #tpu.memory_space<vmem>> -> memref<256x128xf32, #tpu.memory_space<vmem>>
    %dma_start3A_824 = arith.constant 0 : i32
    %dma_start3A_825 = arith.constant 0 : i32
    %dma_start3A_826 = tpu.memref_slice %dma_start3A_823[%dma_start3A_824, %dma_start3A_825] : memref<256x128xf32, #tpu.memory_space<vmem>> -> memref<256x128xf32, #tpu.memory_space<vmem>>
    tpu.enqueue_dma source(%dma_start3A_826 : memref<256x128xf32, #tpu.memory_space<vmem>>) target(%dma_start3A_819 : memref<256x128xf32, #tpu.memory_space<hbm>>) target_semaphore(%dma_start3A_817 : memref<!tpu.dma_semaphore, #tpu.memory_space<semaphore_mem>>)
    %dma_wait3A_827 = arith.constant 0 : i32
    %dma_wait3A_828 = arith.constant 0 : i32
    %dma_wait3A_829 = arith.constant 0 : i32
    %dma_wait3A_830 = arith.constant 0 : i32
    %dma_wait3A_831 = tpu.memref_slice %arg6[%dma_wait3A_827, %dma_wait3A_829, %dma_wait3A_830] : memref<3x256x128xf32, #tpu.memory_space<vmem>> -> memref<1x256x128xf32, #tpu.memory_space<vmem>>
    %dma_wait3A_832 = tpu.memref_squeeze %dma_wait3A_831 : memref<1x256x128xf32, #tpu.memory_space<vmem>> -> memref<256x128xf32, #tpu.memory_space<vmem>>
    %dma_wait3A_833 = arith.constant 0 : i32
    %dma_wait3A_834 = arith.constant 0 : i32
    %dma_wait3A_835 = tpu.memref_slice %dma_wait3A_832[%dma_wait3A_833, %dma_wait3A_834] : memref<256x128xf32, #tpu.memory_space<vmem>> -> memref<256x128xf32, #tpu.memory_space<vmem>>
    %dma_wait3A_836 = arith.constant 0 : i32
    %dma_wait3A_837 = tpu.memref_slice %arg4[%multiple_of3A_804, %dma_wait3A_836] : memref<100000x128xf32, #tpu.memory_space<hbm>> -> memref<256x128xf32, #tpu.memory_space<hbm>>
    %dma_wait3A_838 = tpu.memref_slice %arg9[%dma_wait3A_828] : memref<3x!tpu.dma_semaphore, #tpu.memory_space<semaphore_mem>> -> memref<1x!tpu.dma_semaphore, #tpu.memory_space<semaphore_mem>>
    %dma_wait3A_839 = tpu.memref_squeeze %dma_wait3A_838 : memref<1x!tpu.dma_semaphore, #tpu.memory_space<semaphore_mem>> -> memref<!tpu.dma_semaphore, #tpu.memory_space<semaphore_mem>>
    %dma_wait3A_840 = arith.constant 0 : i32
    %dma_wait3A_841 = tpu.memref_slice %arg4[%multiple_of3A_804, %dma_wait3A_840] : memref<100000x128xf32, #tpu.memory_space<hbm>> -> memref<256x128xf32, #tpu.memory_space<hbm>>
    %dma_wait3A_842 = arith.constant 0 : i32
    %dma_wait3A_843 = arith.constant 0 : i32
    %dma_wait3A_844 = tpu.memref_slice %arg6[%dma_wait3A_827, %dma_wait3A_842, %dma_wait3A_843] : memref<3x256x128xf32, #tpu.memory_space<vmem>> -> memref<1x256x128xf32, #tpu.memory_space<vmem>>
    %dma_wait3A_845 = tpu.memref_squeeze %dma_wait3A_844 : memref<1x256x128xf32, #tpu.memory_space<vmem>> -> memref<256x128xf32, #tpu.memory_space<vmem>>
    %dma_wait3A_846 = arith.constant 0 : i32
    %dma_wait3A_847 = arith.constant 0 : i32
    %dma_wait3A_848 = tpu.memref_slice %dma_wait3A_845[%dma_wait3A_846, %dma_wait3A_847] : memref<256x128xf32, #tpu.memory_space<vmem>> -> memref<256x128xf32, #tpu.memory_space<vmem>>
    tpu.wait_dma2 semaphore(%dma_wait3A_839 : memref<!tpu.dma_semaphore, #tpu.memory_space<semaphore_mem>>) src(%dma_wait3A_848 : memref<256x128xf32, #tpu.memory_space<vmem>>) dst(%dma_wait3A_841 : memref<256x128xf32, #tpu.memory_space<hbm>>)
    %dma_start3A_849 = arith.constant 0 : i32
    %dma_start3A_850 = arith.constant 0 : i32
    %dma_start3A_851 = arith.constant 0 : i32
    %dma_start3A_852 = arith.constant 0 : i32
    %dma_start3A_853 = tpu.memref_slice %arg6[%dma_start3A_849, %dma_start3A_851, %dma_start3A_852] : memref<3x256x128xf32, #tpu.memory_space<vmem>> -> memref<1x256x128xf32, #tpu.memory_space<vmem>>
    %dma_start3A_854 = tpu.memref_squeeze %dma_start3A_853 : memref<1x256x128xf32, #tpu.memory_space<vmem>> -> memref<256x128xf32, #tpu.memory_space<vmem>>
    %dma_start3A_855 = arith.constant 0 : i32
    %dma_start3A_856 = arith.constant 0 : i32
    %dma_start3A_857 = tpu.memref_slice %dma_start3A_854[%dma_start3A_855, %dma_start3A_856] : memref<256x128xf32, #tpu.memory_space<vmem>> -> memref<128x128xf32, #tpu.memory_space<vmem>>
    %dma_start3A_858 = arith.constant 2304 : i32
    %dma_start3A_859 = tpu.memref_slice %arg5[%dma_start3A_858] : memref<3200xi32, #tpu.memory_space<vmem>> -> memref<128xi32, #tpu.memory_space<vmem>>
    %dma_start3A_860 = arith.constant 0 : i32
    %dma_start3A_861 = arith.constant 0 : i32
    %dma_start3A_862 = tpu.memref_slice %arg7[%dma_start3A_860, %dma_start3A_861] : memref<21x128xf32, #tpu.memory_space<vmem_shared>> -> memref<21x128xf32, #tpu.memory_space<vmem_shared>>
    %dma_start3A_863 = tpu.memref_slice %arg8[%dma_start3A_850] : memref<6x!tpu.dma_semaphore, #tpu.memory_space<semaphore_mem>> -> memref<1x!tpu.dma_semaphore, #tpu.memory_space<semaphore_mem>>
    %dma_start3A_864 = tpu.memref_squeeze %dma_start3A_863 : memref<1x!tpu.dma_semaphore, #tpu.memory_space<semaphore_mem>> -> memref<!tpu.dma_semaphore, #tpu.memory_space<semaphore_mem>>
    tpu.enqueue_indirect_dma source(%dma_start3A_862 : memref<21x128xf32, #tpu.memory_space<vmem_shared>>) target(%dma_start3A_857 : memref<128x128xf32, #tpu.memory_space<vmem>>) offsets(%dma_start3A_859 : memref<128xi32, #tpu.memory_space<vmem>>) semaphore(%dma_start3A_864 : memref<!tpu.dma_semaphore, #tpu.memory_space<semaphore_mem>>)
    %dma_wait3A_865 = arith.constant 1 : i32
    %dma_wait3A_866 = arith.constant 2 : i32
    %dma_wait3A_867 = arith.constant 0 : i32
    %dma_wait3A_868 = arith.constant 0 : i32
    %dma_wait3A_869 = tpu.memref_slice %arg6[%dma_wait3A_865, %dma_wait3A_867, %dma_wait3A_868] : memref<3x256x128xf32, #tpu.memory_space<vmem>> -> memref<1x256x128xf32, #tpu.memory_space<vmem>>
    %dma_wait3A_870 = tpu.memref_squeeze %dma_wait3A_869 : memref<1x256x128xf32, #tpu.memory_space<vmem>> -> memref<256x128xf32, #tpu.memory_space<vmem>>
    %dma_wait3A_871 = arith.constant 0 : i32
    %dma_wait3A_872 = arith.constant 0 : i32
    %dma_wait3A_873 = tpu.memref_slice %dma_wait3A_870[%dma_wait3A_871, %dma_wait3A_872] : memref<256x128xf32, #tpu.memory_space<vmem>> -> memref<128x128xf32, #tpu.memory_space<vmem>>
    %dma_wait3A_874 = arith.constant 1792 : i32
    %dma_wait3A_875 = tpu.memref_slice %arg5[%dma_wait3A_874] : memref<3200xi32, #tpu.memory_space<vmem>> -> memref<128xi32, #tpu.memory_space<vmem>>
    %dma_wait3A_876 = arith.constant 0 : i32
    %dma_wait3A_877 = arith.constant 0 : i32
    %dma_wait3A_878 = tpu.memref_slice %arg7[%dma_wait3A_876, %dma_wait3A_877] : memref<21x128xf32, #tpu.memory_space<vmem_shared>> -> memref<21x128xf32, #tpu.memory_space<vmem_shared>>
    %dma_wait3A_879 = tpu.memref_slice %arg8[%dma_wait3A_866] : memref<6x!tpu.dma_semaphore, #tpu.memory_space<semaphore_mem>> -> memref<1x!tpu.dma_semaphore, #tpu.memory_space<semaphore_mem>>
    %dma_wait3A_880 = tpu.memref_squeeze %dma_wait3A_879 : memref<1x!tpu.dma_semaphore, #tpu.memory_space<semaphore_mem>> -> memref<!tpu.dma_semaphore, #tpu.memory_space<semaphore_mem>>
    tpu.wait_indirect_dma semaphore(%dma_wait3A_880 : memref<!tpu.dma_semaphore, #tpu.memory_space<semaphore_mem>>) src(%dma_wait3A_878 : memref<21x128xf32, #tpu.memory_space<vmem_shared>>) dst(%dma_wait3A_873 : memref<128x128xf32, #tpu.memory_space<vmem>>)
    %dma_start3A_881 = arith.constant 0 : i32
    %dma_start3A_882 = arith.constant 1 : i32
    %dma_start3A_883 = arith.constant 0 : i32
    %dma_start3A_884 = arith.constant 0 : i32
    %dma_start3A_885 = tpu.memref_slice %arg6[%dma_start3A_881, %dma_start3A_883, %dma_start3A_884] : memref<3x256x128xf32, #tpu.memory_space<vmem>> -> memref<1x256x128xf32, #tpu.memory_space<vmem>>
    %dma_start3A_886 = tpu.memref_squeeze %dma_start3A_885 : memref<1x256x128xf32, #tpu.memory_space<vmem>> -> memref<256x128xf32, #tpu.memory_space<vmem>>
    %dma_start3A_887 = arith.constant 128 : i32
    %dma_start3A_888 = arith.constant 0 : i32
    %dma_start3A_889 = tpu.memref_slice %dma_start3A_886[%dma_start3A_887, %dma_start3A_888] : memref<256x128xf32, #tpu.memory_space<vmem>> -> memref<128x128xf32, #tpu.memory_space<vmem>>
    %dma_start3A_890 = arith.constant 2432 : i32
    %dma_start3A_891 = tpu.memref_slice %arg5[%dma_start3A_890] : memref<3200xi32, #tpu.memory_space<vmem>> -> memref<128xi32, #tpu.memory_space<vmem>>
    %dma_start3A_892 = arith.constant 0 : i32
    %dma_start3A_893 = arith.constant 0 : i32
    %dma_start3A_894 = tpu.memref_slice %arg7[%dma_start3A_892, %dma_start3A_893] : memref<21x128xf32, #tpu.memory_space<vmem_shared>> -> memref<21x128xf32, #tpu.memory_space<vmem_shared>>
    %dma_start3A_895 = tpu.memref_slice %arg8[%dma_start3A_882] : memref<6x!tpu.dma_semaphore, #tpu.memory_space<semaphore_mem>> -> memref<1x!tpu.dma_semaphore, #tpu.memory_space<semaphore_mem>>
    %dma_start3A_896 = tpu.memref_squeeze %dma_start3A_895 : memref<1x!tpu.dma_semaphore, #tpu.memory_space<semaphore_mem>> -> memref<!tpu.dma_semaphore, #tpu.memory_space<semaphore_mem>>
    tpu.enqueue_indirect_dma source(%dma_start3A_894 : memref<21x128xf32, #tpu.memory_space<vmem_shared>>) target(%dma_start3A_889 : memref<128x128xf32, #tpu.memory_space<vmem>>) offsets(%dma_start3A_891 : memref<128xi32, #tpu.memory_space<vmem>>) semaphore(%dma_start3A_896 : memref<!tpu.dma_semaphore, #tpu.memory_space<semaphore_mem>>)
    %dma_wait3A_897 = arith.constant 1 : i32
    %dma_wait3A_898 = arith.constant 3 : i32
    %dma_wait3A_899 = arith.constant 0 : i32
    %dma_wait3A_900 = arith.constant 0 : i32
    %dma_wait3A_901 = tpu.memref_slice %arg6[%dma_wait3A_897, %dma_wait3A_899, %dma_wait3A_900] : memref<3x256x128xf32, #tpu.memory_space<vmem>> -> memref<1x256x128xf32, #tpu.memory_space<vmem>>
    %dma_wait3A_902 = tpu.memref_squeeze %dma_wait3A_901 : memref<1x256x128xf32, #tpu.memory_space<vmem>> -> memref<256x128xf32, #tpu.memory_space<vmem>>
    %dma_wait3A_903 = arith.constant 128 : i32
    %dma_wait3A_904 = arith.constant 0 : i32
    %dma_wait3A_905 = tpu.memref_slice %dma_wait3A_902[%dma_wait3A_903, %dma_wait3A_904] : memref<256x128xf32, #tpu.memory_space<vmem>> -> memref<128x128xf32, #tpu.memory_space<vmem>>
    %dma_wait3A_906 = arith.constant 1920 : i32
    %dma_wait3A_907 = tpu.memref_slice %arg5[%dma_wait3A_906] : memref<3200xi32, #tpu.memory_space<vmem>> -> memref<128xi32, #tpu.memory_space<vmem>>
    %dma_wait3A_908 = arith.constant 0 : i32
    %dma_wait3A_909 = arith.constant 0 : i32
    %dma_wait3A_910 = tpu.memref_slice %arg7[%dma_wait3A_908, %dma_wait3A_909] : memref<21x128xf32, #tpu.memory_space<vmem_shared>> -> memref<21x128xf32, #tpu.memory_space<vmem_shared>>
    %dma_wait3A_911 = tpu.memref_slice %arg8[%dma_wait3A_898] : memref<6x!tpu.dma_semaphore, #tpu.memory_space<semaphore_mem>> -> memref<1x!tpu.dma_semaphore, #tpu.memory_space<semaphore_mem>>
    %dma_wait3A_912 = tpu.memref_squeeze %dma_wait3A_911 : memref<1x!tpu.dma_semaphore, #tpu.memory_space<semaphore_mem>> -> memref<!tpu.dma_semaphore, #tpu.memory_space<semaphore_mem>>
    tpu.wait_indirect_dma semaphore(%dma_wait3A_912 : memref<!tpu.dma_semaphore, #tpu.memory_space<semaphore_mem>>) src(%dma_wait3A_910 : memref<21x128xf32, #tpu.memory_space<vmem_shared>>) dst(%dma_wait3A_905 : memref<128x128xf32, #tpu.memory_space<vmem>>)
    %add3A_913 = arith.constant 1792 : i32
    %add3A_914 = arith.addi %multiple_of3A, %add3A_913 : i32
    %multiple_of3A_915 = tpu.assume_multiple %add3A_914, 8 : i32
    %dma_start3A_916 = arith.constant 1 : i32
    %dma_start3A_917 = arith.constant 1 : i32
    %dma_start3A_918 = arith.constant 0 : i32
    %dma_start3A_919 = arith.constant 0 : i32
    %dma_start3A_920 = tpu.memref_slice %arg6[%dma_start3A_916, %dma_start3A_918, %dma_start3A_919] : memref<3x256x128xf32, #tpu.memory_space<vmem>> -> memref<1x256x128xf32, #tpu.memory_space<vmem>>
    %dma_start3A_921 = tpu.memref_squeeze %dma_start3A_920 : memref<1x256x128xf32, #tpu.memory_space<vmem>> -> memref<256x128xf32, #tpu.memory_space<vmem>>
    %dma_start3A_922 = arith.constant 0 : i32
    %dma_start3A_923 = arith.constant 0 : i32
    %dma_start3A_924 = tpu.memref_slice %dma_start3A_921[%dma_start3A_922, %dma_start3A_923] : memref<256x128xf32, #tpu.memory_space<vmem>> -> memref<256x128xf32, #tpu.memory_space<vmem>>
    %dma_start3A_925 = arith.constant 0 : i32
    %dma_start3A_926 = tpu.memref_slice %arg4[%multiple_of3A_915, %dma_start3A_925] : memref<100000x128xf32, #tpu.memory_space<hbm>> -> memref<256x128xf32, #tpu.memory_space<hbm>>
    %dma_start3A_927 = tpu.memref_slice %arg9[%dma_start3A_917] : memref<3x!tpu.dma_semaphore, #tpu.memory_space<semaphore_mem>> -> memref<1x!tpu.dma_semaphore, #tpu.memory_space<semaphore_mem>>
    %dma_start3A_928 = tpu.memref_squeeze %dma_start3A_927 : memref<1x!tpu.dma_semaphore, #tpu.memory_space<semaphore_mem>> -> memref<!tpu.dma_semaphore, #tpu.memory_space<semaphore_mem>>
    %dma_start3A_929 = arith.constant 0 : i32
    %dma_start3A_930 = tpu.memref_slice %arg4[%multiple_of3A_915, %dma_start3A_929] : memref<100000x128xf32, #tpu.memory_space<hbm>> -> memref<256x128xf32, #tpu.memory_space<hbm>>
    %dma_start3A_931 = arith.constant 0 : i32
    %dma_start3A_932 = arith.constant 0 : i32
    %dma_start3A_933 = tpu.memref_slice %arg6[%dma_start3A_916, %dma_start3A_931, %dma_start3A_932] : memref<3x256x128xf32, #tpu.memory_space<vmem>> -> memref<1x256x128xf32, #tpu.memory_space<vmem>>
    %dma_start3A_934 = tpu.memref_squeeze %dma_start3A_933 : memref<1x256x128xf32, #tpu.memory_space<vmem>> -> memref<256x128xf32, #tpu.memory_space<vmem>>
    %dma_start3A_935 = arith.constant 0 : i32
    %dma_start3A_936 = arith.constant 0 : i32
    %dma_start3A_937 = tpu.memref_slice %dma_start3A_934[%dma_start3A_935, %dma_start3A_936] : memref<256x128xf32, #tpu.memory_space<vmem>> -> memref<256x128xf32, #tpu.memory_space<vmem>>
    tpu.enqueue_dma source(%dma_start3A_937 : memref<256x128xf32, #tpu.memory_space<vmem>>) target(%dma_start3A_930 : memref<256x128xf32, #tpu.memory_space<hbm>>) target_semaphore(%dma_start3A_928 : memref<!tpu.dma_semaphore, #tpu.memory_space<semaphore_mem>>)
    %dma_wait3A_938 = arith.constant 1 : i32
    %dma_wait3A_939 = arith.constant 1 : i32
    %dma_wait3A_940 = arith.constant 0 : i32
    %dma_wait3A_941 = arith.constant 0 : i32
    %dma_wait3A_942 = tpu.memref_slice %arg6[%dma_wait3A_938, %dma_wait3A_940, %dma_wait3A_941] : memref<3x256x128xf32, #tpu.memory_space<vmem>> -> memref<1x256x128xf32, #tpu.memory_space<vmem>>
    %dma_wait3A_943 = tpu.memref_squeeze %dma_wait3A_942 : memref<1x256x128xf32, #tpu.memory_space<vmem>> -> memref<256x128xf32, #tpu.memory_space<vmem>>
    %dma_wait3A_944 = arith.constant 0 : i32
    %dma_wait3A_945 = arith.constant 0 : i32
    %dma_wait3A_946 = tpu.memref_slice %dma_wait3A_943[%dma_wait3A_944, %dma_wait3A_945] : memref<256x128xf32, #tpu.memory_space<vmem>> -> memref<256x128xf32, #tpu.memory_space<vmem>>
    %dma_wait3A_947 = arith.constant 0 : i32
    %dma_wait3A_948 = tpu.memref_slice %arg4[%multiple_of3A_915, %dma_wait3A_947] : memref<100000x128xf32, #tpu.memory_space<hbm>> -> memref<256x128xf32, #tpu.memory_space<hbm>>
    %dma_wait3A_949 = tpu.memref_slice %arg9[%dma_wait3A_939] : memref<3x!tpu.dma_semaphore, #tpu.memory_space<semaphore_mem>> -> memref<1x!tpu.dma_semaphore, #tpu.memory_space<semaphore_mem>>
    %dma_wait3A_950 = tpu.memref_squeeze %dma_wait3A_949 : memref<1x!tpu.dma_semaphore, #tpu.memory_space<semaphore_mem>> -> memref<!tpu.dma_semaphore, #tpu.memory_space<semaphore_mem>>
    %dma_wait3A_951 = arith.constant 0 : i32
    %dma_wait3A_952 = tpu.memref_slice %arg4[%multiple_of3A_915, %dma_wait3A_951] : memref<100000x128xf32, #tpu.memory_space<hbm>> -> memref<256x128xf32, #tpu.memory_space<hbm>>
    %dma_wait3A_953 = arith.constant 0 : i32
    %dma_wait3A_954 = arith.constant 0 : i32
    %dma_wait3A_955 = tpu.memref_slice %arg6[%dma_wait3A_938, %dma_wait3A_953, %dma_wait3A_954] : memref<3x256x128xf32, #tpu.memory_space<vmem>> -> memref<1x256x128xf32, #tpu.memory_space<vmem>>
    %dma_wait3A_956 = tpu.memref_squeeze %dma_wait3A_955 : memref<1x256x128xf32, #tpu.memory_space<vmem>> -> memref<256x128xf32, #tpu.memory_space<vmem>>
    %dma_wait3A_957 = arith.constant 0 : i32
    %dma_wait3A_958 = arith.constant 0 : i32
    %dma_wait3A_959 = tpu.memref_slice %dma_wait3A_956[%dma_wait3A_957, %dma_wait3A_958] : memref<256x128xf32, #tpu.memory_space<vmem>> -> memref<256x128xf32, #tpu.memory_space<vmem>>
    tpu.wait_dma2 semaphore(%dma_wait3A_950 : memref<!tpu.dma_semaphore, #tpu.memory_space<semaphore_mem>>) src(%dma_wait3A_959 : memref<256x128xf32, #tpu.memory_space<vmem>>) dst(%dma_wait3A_952 : memref<256x128xf32, #tpu.memory_space<hbm>>)
    %dma_start3A_960 = arith.constant 1 : i32
    %dma_start3A_961 = arith.constant 2 : i32
    %dma_start3A_962 = arith.constant 0 : i32
    %dma_start3A_963 = arith.constant 0 : i32
    %dma_start3A_964 = tpu.memref_slice %arg6[%dma_start3A_960, %dma_start3A_962, %dma_start3A_963] : memref<3x256x128xf32, #tpu.memory_space<vmem>> -> memref<1x256x128xf32, #tpu.memory_space<vmem>>
    %dma_start3A_965 = tpu.memref_squeeze %dma_start3A_964 : memref<1x256x128xf32, #tpu.memory_space<vmem>> -> memref<256x128xf32, #tpu.memory_space<vmem>>
    %dma_start3A_966 = arith.constant 0 : i32
    %dma_start3A_967 = arith.constant 0 : i32
    %dma_start3A_968 = tpu.memref_slice %dma_start3A_965[%dma_start3A_966, %dma_start3A_967] : memref<256x128xf32, #tpu.memory_space<vmem>> -> memref<128x128xf32, #tpu.memory_space<vmem>>
    %dma_start3A_969 = arith.constant 2560 : i32
    %dma_start3A_970 = tpu.memref_slice %arg5[%dma_start3A_969] : memref<3200xi32, #tpu.memory_space<vmem>> -> memref<128xi32, #tpu.memory_space<vmem>>
    %dma_start3A_971 = arith.constant 0 : i32
    %dma_start3A_972 = arith.constant 0 : i32
    %dma_start3A_973 = tpu.memref_slice %arg7[%dma_start3A_971, %dma_start3A_972] : memref<21x128xf32, #tpu.memory_space<vmem_shared>> -> memref<21x128xf32, #tpu.memory_space<vmem_shared>>
    %dma_start3A_974 = tpu.memref_slice %arg8[%dma_start3A_961] : memref<6x!tpu.dma_semaphore, #tpu.memory_space<semaphore_mem>> -> memref<1x!tpu.dma_semaphore, #tpu.memory_space<semaphore_mem>>
    %dma_start3A_975 = tpu.memref_squeeze %dma_start3A_974 : memref<1x!tpu.dma_semaphore, #tpu.memory_space<semaphore_mem>> -> memref<!tpu.dma_semaphore, #tpu.memory_space<semaphore_mem>>
    tpu.enqueue_indirect_dma source(%dma_start3A_973 : memref<21x128xf32, #tpu.memory_space<vmem_shared>>) target(%dma_start3A_968 : memref<128x128xf32, #tpu.memory_space<vmem>>) offsets(%dma_start3A_970 : memref<128xi32, #tpu.memory_space<vmem>>) semaphore(%dma_start3A_975 : memref<!tpu.dma_semaphore, #tpu.memory_space<semaphore_mem>>)
    %dma_wait3A_976 = arith.constant 2 : i32
    %dma_wait3A_977 = arith.constant 4 : i32
    %dma_wait3A_978 = arith.constant 0 : i32
    %dma_wait3A_979 = arith.constant 0 : i32
    %dma_wait3A_980 = tpu.memref_slice %arg6[%dma_wait3A_976, %dma_wait3A_978, %dma_wait3A_979] : memref<3x256x128xf32, #tpu.memory_space<vmem>> -> memref<1x256x128xf32, #tpu.memory_space<vmem>>
    %dma_wait3A_981 = tpu.memref_squeeze %dma_wait3A_980 : memref<1x256x128xf32, #tpu.memory_space<vmem>> -> memref<256x128xf32, #tpu.memory_space<vmem>>
    %dma_wait3A_982 = arith.constant 0 : i32
    %dma_wait3A_983 = arith.constant 0 : i32
    %dma_wait3A_984 = tpu.memref_slice %dma_wait3A_981[%dma_wait3A_982, %dma_wait3A_983] : memref<256x128xf32, #tpu.memory_space<vmem>> -> memref<128x128xf32, #tpu.memory_space<vmem>>
    %dma_wait3A_985 = arith.constant 2048 : i32
    %dma_wait3A_986 = tpu.memref_slice %arg5[%dma_wait3A_985] : memref<3200xi32, #tpu.memory_space<vmem>> -> memref<128xi32, #tpu.memory_space<vmem>>
    %dma_wait3A_987 = arith.constant 0 : i32
    %dma_wait3A_988 = arith.constant 0 : i32
    %dma_wait3A_989 = tpu.memref_slice %arg7[%dma_wait3A_987, %dma_wait3A_988] : memref<21x128xf32, #tpu.memory_space<vmem_shared>> -> memref<21x128xf32, #tpu.memory_space<vmem_shared>>
    %dma_wait3A_990 = tpu.memref_slice %arg8[%dma_wait3A_977] : memref<6x!tpu.dma_semaphore, #tpu.memory_space<semaphore_mem>> -> memref<1x!tpu.dma_semaphore, #tpu.memory_space<semaphore_mem>>
    %dma_wait3A_991 = tpu.memref_squeeze %dma_wait3A_990 : memref<1x!tpu.dma_semaphore, #tpu.memory_space<semaphore_mem>> -> memref<!tpu.dma_semaphore, #tpu.memory_space<semaphore_mem>>
    tpu.wait_indirect_dma semaphore(%dma_wait3A_991 : memref<!tpu.dma_semaphore, #tpu.memory_space<semaphore_mem>>) src(%dma_wait3A_989 : memref<21x128xf32, #tpu.memory_space<vmem_shared>>) dst(%dma_wait3A_984 : memref<128x128xf32, #tpu.memory_space<vmem>>)
    %dma_start3A_992 = arith.constant 1 : i32
    %dma_start3A_993 = arith.constant 3 : i32
    %dma_start3A_994 = arith.constant 0 : i32
    %dma_start3A_995 = arith.constant 0 : i32
    %dma_start3A_996 = tpu.memref_slice %arg6[%dma_start3A_992, %dma_start3A_994, %dma_start3A_995] : memref<3x256x128xf32, #tpu.memory_space<vmem>> -> memref<1x256x128xf32, #tpu.memory_space<vmem>>
    %dma_start3A_997 = tpu.memref_squeeze %dma_start3A_996 : memref<1x256x128xf32, #tpu.memory_space<vmem>> -> memref<256x128xf32, #tpu.memory_space<vmem>>
    %dma_start3A_998 = arith.constant 128 : i32
    %dma_start3A_999 = arith.constant 0 : i32
    %dma_start3A_1000 = tpu.memref_slice %dma_start3A_997[%dma_start3A_998, %dma_start3A_999] : memref<256x128xf32, #tpu.memory_space<vmem>> -> memref<128x128xf32, #tpu.memory_space<vmem>>
    %dma_start3A_1001 = arith.constant 2688 : i32
    %dma_start3A_1002 = tpu.memref_slice %arg5[%dma_start3A_1001] : memref<3200xi32, #tpu.memory_space<vmem>> -> memref<128xi32, #tpu.memory_space<vmem>>
    %dma_start3A_1003 = arith.constant 0 : i32
    %dma_start3A_1004 = arith.constant 0 : i32
    %dma_start3A_1005 = tpu.memref_slice %arg7[%dma_start3A_1003, %dma_start3A_1004] : memref<21x128xf32, #tpu.memory_space<vmem_shared>> -> memref<21x128xf32, #tpu.memory_space<vmem_shared>>
    %dma_start3A_1006 = tpu.memref_slice %arg8[%dma_start3A_993] : memref<6x!tpu.dma_semaphore, #tpu.memory_space<semaphore_mem>> -> memref<1x!tpu.dma_semaphore, #tpu.memory_space<semaphore_mem>>
    %dma_start3A_1007 = tpu.memref_squeeze %dma_start3A_1006 : memref<1x!tpu.dma_semaphore, #tpu.memory_space<semaphore_mem>> -> memref<!tpu.dma_semaphore, #tpu.memory_space<semaphore_mem>>
    tpu.enqueue_indirect_dma source(%dma_start3A_1005 : memref<21x128xf32, #tpu.memory_space<vmem_shared>>) target(%dma_start3A_1000 : memref<128x128xf32, #tpu.memory_space<vmem>>) offsets(%dma_start3A_1002 : memref<128xi32, #tpu.memory_space<vmem>>) semaphore(%dma_start3A_1007 : memref<!tpu.dma_semaphore, #tpu.memory_space<semaphore_mem>>)
    %dma_wait3A_1008 = arith.constant 2 : i32
    %dma_wait3A_1009 = arith.constant 5 : i32
    %dma_wait3A_1010 = arith.constant 0 : i32
    %dma_wait3A_1011 = arith.constant 0 : i32
    %dma_wait3A_1012 = tpu.memref_slice %arg6[%dma_wait3A_1008, %dma_wait3A_1010, %dma_wait3A_1011] : memref<3x256x128xf32, #tpu.memory_space<vmem>> -> memref<1x256x128xf32, #tpu.memory_space<vmem>>
    %dma_wait3A_1013 = tpu.memref_squeeze %dma_wait3A_1012 : memref<1x256x128xf32, #tpu.memory_space<vmem>> -> memref<256x128xf32, #tpu.memory_space<vmem>>
    %dma_wait3A_1014 = arith.constant 128 : i32
    %dma_wait3A_1015 = arith.constant 0 : i32
    %dma_wait3A_1016 = tpu.memref_slice %dma_wait3A_1013[%dma_wait3A_1014, %dma_wait3A_1015] : memref<256x128xf32, #tpu.memory_space<vmem>> -> memref<128x128xf32, #tpu.memory_space<vmem>>
    %dma_wait3A_1017 = arith.constant 2176 : i32
    %dma_wait3A_1018 = tpu.memref_slice %arg5[%dma_wait3A_1017] : memref<3200xi32, #tpu.memory_space<vmem>> -> memref<128xi32, #tpu.memory_space<vmem>>
    %dma_wait3A_1019 = arith.constant 0 : i32
    %dma_wait3A_1020 = arith.constant 0 : i32
    %dma_wait3A_1021 = tpu.memref_slice %arg7[%dma_wait3A_1019, %dma_wait3A_1020] : memref<21x128xf32, #tpu.memory_space<vmem_shared>> -> memref<21x128xf32, #tpu.memory_space<vmem_shared>>
    %dma_wait3A_1022 = tpu.memref_slice %arg8[%dma_wait3A_1009] : memref<6x!tpu.dma_semaphore, #tpu.memory_space<semaphore_mem>> -> memref<1x!tpu.dma_semaphore, #tpu.memory_space<semaphore_mem>>
    %dma_wait3A_1023 = tpu.memref_squeeze %dma_wait3A_1022 : memref<1x!tpu.dma_semaphore, #tpu.memory_space<semaphore_mem>> -> memref<!tpu.dma_semaphore, #tpu.memory_space<semaphore_mem>>
    tpu.wait_indirect_dma semaphore(%dma_wait3A_1023 : memref<!tpu.dma_semaphore, #tpu.memory_space<semaphore_mem>>) src(%dma_wait3A_1021 : memref<21x128xf32, #tpu.memory_space<vmem_shared>>) dst(%dma_wait3A_1016 : memref<128x128xf32, #tpu.memory_space<vmem>>)
    %add3A_1024 = arith.constant 2048 : i32
    %add3A_1025 = arith.addi %multiple_of3A, %add3A_1024 : i32
    %multiple_of3A_1026 = tpu.assume_multiple %add3A_1025, 8 : i32
    %dma_start3A_1027 = arith.constant 2 : i32
    %dma_start3A_1028 = arith.constant 2 : i32
    %dma_start3A_1029 = arith.constant 0 : i32
    %dma_start3A_1030 = arith.constant 0 : i32
    %dma_start3A_1031 = tpu.memref_slice %arg6[%dma_start3A_1027, %dma_start3A_1029, %dma_start3A_1030] : memref<3x256x128xf32, #tpu.memory_space<vmem>> -> memref<1x256x128xf32, #tpu.memory_space<vmem>>
    %dma_start3A_1032 = tpu.memref_squeeze %dma_start3A_1031 : memref<1x256x128xf32, #tpu.memory_space<vmem>> -> memref<256x128xf32, #tpu.memory_space<vmem>>
    %dma_start3A_1033 = arith.constant 0 : i32
    %dma_start3A_1034 = arith.constant 0 : i32
    %dma_start3A_1035 = tpu.memref_slice %dma_start3A_1032[%dma_start3A_1033, %dma_start3A_1034] : memref<256x128xf32, #tpu.memory_space<vmem>> -> memref<256x128xf32, #tpu.memory_space<vmem>>
    %dma_start3A_1036 = arith.constant 0 : i32
    %dma_start3A_1037 = tpu.memref_slice %arg4[%multiple_of3A_1026, %dma_start3A_1036] : memref<100000x128xf32, #tpu.memory_space<hbm>> -> memref<256x128xf32, #tpu.memory_space<hbm>>
    %dma_start3A_1038 = tpu.memref_slice %arg9[%dma_start3A_1028] : memref<3x!tpu.dma_semaphore, #tpu.memory_space<semaphore_mem>> -> memref<1x!tpu.dma_semaphore, #tpu.memory_space<semaphore_mem>>
    %dma_start3A_1039 = tpu.memref_squeeze %dma_start3A_1038 : memref<1x!tpu.dma_semaphore, #tpu.memory_space<semaphore_mem>> -> memref<!tpu.dma_semaphore, #tpu.memory_space<semaphore_mem>>
    %dma_start3A_1040 = arith.constant 0 : i32
    %dma_start3A_1041 = tpu.memref_slice %arg4[%multiple_of3A_1026, %dma_start3A_1040] : memref<100000x128xf32, #tpu.memory_space<hbm>> -> memref<256x128xf32, #tpu.memory_space<hbm>>
    %dma_start3A_1042 = arith.constant 0 : i32
    %dma_start3A_1043 = arith.constant 0 : i32
    %dma_start3A_1044 = tpu.memref_slice %arg6[%dma_start3A_1027, %dma_start3A_1042, %dma_start3A_1043] : memref<3x256x128xf32, #tpu.memory_space<vmem>> -> memref<1x256x128xf32, #tpu.memory_space<vmem>>
    %dma_start3A_1045 = tpu.memref_squeeze %dma_start3A_1044 : memref<1x256x128xf32, #tpu.memory_space<vmem>> -> memref<256x128xf32, #tpu.memory_space<vmem>>
    %dma_start3A_1046 = arith.constant 0 : i32
    %dma_start3A_1047 = arith.constant 0 : i32
    %dma_start3A_1048 = tpu.memref_slice %dma_start3A_1045[%dma_start3A_1046, %dma_start3A_1047] : memref<256x128xf32, #tpu.memory_space<vmem>> -> memref<256x128xf32, #tpu.memory_space<vmem>>
    tpu.enqueue_dma source(%dma_start3A_1048 : memref<256x128xf32, #tpu.memory_space<vmem>>) target(%dma_start3A_1041 : memref<256x128xf32, #tpu.memory_space<hbm>>) target_semaphore(%dma_start3A_1039 : memref<!tpu.dma_semaphore, #tpu.memory_space<semaphore_mem>>)
    %dma_wait3A_1049 = arith.constant 2 : i32
    %dma_wait3A_1050 = arith.constant 2 : i32
    %dma_wait3A_1051 = arith.constant 0 : i32
    %dma_wait3A_1052 = arith.constant 0 : i32
    %dma_wait3A_1053 = tpu.memref_slice %arg6[%dma_wait3A_1049, %dma_wait3A_1051, %dma_wait3A_1052] : memref<3x256x128xf32, #tpu.memory_space<vmem>> -> memref<1x256x128xf32, #tpu.memory_space<vmem>>
    %dma_wait3A_1054 = tpu.memref_squeeze %dma_wait3A_1053 : memref<1x256x128xf32, #tpu.memory_space<vmem>> -> memref<256x128xf32, #tpu.memory_space<vmem>>
    %dma_wait3A_1055 = arith.constant 0 : i32
    %dma_wait3A_1056 = arith.constant 0 : i32
    %dma_wait3A_1057 = tpu.memref_slice %dma_wait3A_1054[%dma_wait3A_1055, %dma_wait3A_1056] : memref<256x128xf32, #tpu.memory_space<vmem>> -> memref<256x128xf32, #tpu.memory_space<vmem>>
    %dma_wait3A_1058 = arith.constant 0 : i32
    %dma_wait3A_1059 = tpu.memref_slice %arg4[%multiple_of3A_1026, %dma_wait3A_1058] : memref<100000x128xf32, #tpu.memory_space<hbm>> -> memref<256x128xf32, #tpu.memory_space<hbm>>
    %dma_wait3A_1060 = tpu.memref_slice %arg9[%dma_wait3A_1050] : memref<3x!tpu.dma_semaphore, #tpu.memory_space<semaphore_mem>> -> memref<1x!tpu.dma_semaphore, #tpu.memory_space<semaphore_mem>>
    %dma_wait3A_1061 = tpu.memref_squeeze %dma_wait3A_1060 : memref<1x!tpu.dma_semaphore, #tpu.memory_space<semaphore_mem>> -> memref<!tpu.dma_semaphore, #tpu.memory_space<semaphore_mem>>
    %dma_wait3A_1062 = arith.constant 0 : i32
    %dma_wait3A_1063 = tpu.memref_slice %arg4[%multiple_of3A_1026, %dma_wait3A_1062] : memref<100000x128xf32, #tpu.memory_space<hbm>> -> memref<256x128xf32, #tpu.memory_space<hbm>>
    %dma_wait3A_1064 = arith.constant 0 : i32
    %dma_wait3A_1065 = arith.constant 0 : i32
    %dma_wait3A_1066 = tpu.memref_slice %arg6[%dma_wait3A_1049, %dma_wait3A_1064, %dma_wait3A_1065] : memref<3x256x128xf32, #tpu.memory_space<vmem>> -> memref<1x256x128xf32, #tpu.memory_space<vmem>>
    %dma_wait3A_1067 = tpu.memref_squeeze %dma_wait3A_1066 : memref<1x256x128xf32, #tpu.memory_space<vmem>> -> memref<256x128xf32, #tpu.memory_space<vmem>>
    %dma_wait3A_1068 = arith.constant 0 : i32
    %dma_wait3A_1069 = arith.constant 0 : i32
    %dma_wait3A_1070 = tpu.memref_slice %dma_wait3A_1067[%dma_wait3A_1068, %dma_wait3A_1069] : memref<256x128xf32, #tpu.memory_space<vmem>> -> memref<256x128xf32, #tpu.memory_space<vmem>>
    tpu.wait_dma2 semaphore(%dma_wait3A_1061 : memref<!tpu.dma_semaphore, #tpu.memory_space<semaphore_mem>>) src(%dma_wait3A_1070 : memref<256x128xf32, #tpu.memory_space<vmem>>) dst(%dma_wait3A_1063 : memref<256x128xf32, #tpu.memory_space<hbm>>)
    %dma_start3A_1071 = arith.constant 2 : i32
    %dma_start3A_1072 = arith.constant 4 : i32
    %dma_start3A_1073 = arith.constant 0 : i32
    %dma_start3A_1074 = arith.constant 0 : i32
    %dma_start3A_1075 = tpu.memref_slice %arg6[%dma_start3A_1071, %dma_start3A_1073, %dma_start3A_1074] : memref<3x256x128xf32, #tpu.memory_space<vmem>> -> memref<1x256x128xf32, #tpu.memory_space<vmem>>
    %dma_start3A_1076 = tpu.memref_squeeze %dma_start3A_1075 : memref<1x256x128xf32, #tpu.memory_space<vmem>> -> memref<256x128xf32, #tpu.memory_space<vmem>>
    %dma_start3A_1077 = arith.constant 0 : i32
    %dma_start3A_1078 = arith.constant 0 : i32
    %dma_start3A_1079 = tpu.memref_slice %dma_start3A_1076[%dma_start3A_1077, %dma_start3A_1078] : memref<256x128xf32, #tpu.memory_space<vmem>> -> memref<128x128xf32, #tpu.memory_space<vmem>>
    %dma_start3A_1080 = arith.constant 2816 : i32
    %dma_start3A_1081 = tpu.memref_slice %arg5[%dma_start3A_1080] : memref<3200xi32, #tpu.memory_space<vmem>> -> memref<128xi32, #tpu.memory_space<vmem>>
    %dma_start3A_1082 = arith.constant 0 : i32
    %dma_start3A_1083 = arith.constant 0 : i32
    %dma_start3A_1084 = tpu.memref_slice %arg7[%dma_start3A_1082, %dma_start3A_1083] : memref<21x128xf32, #tpu.memory_space<vmem_shared>> -> memref<21x128xf32, #tpu.memory_space<vmem_shared>>
    %dma_start3A_1085 = tpu.memref_slice %arg8[%dma_start3A_1072] : memref<6x!tpu.dma_semaphore, #tpu.memory_space<semaphore_mem>> -> memref<1x!tpu.dma_semaphore, #tpu.memory_space<semaphore_mem>>
    %dma_start3A_1086 = tpu.memref_squeeze %dma_start3A_1085 : memref<1x!tpu.dma_semaphore, #tpu.memory_space<semaphore_mem>> -> memref<!tpu.dma_semaphore, #tpu.memory_space<semaphore_mem>>
    tpu.enqueue_indirect_dma source(%dma_start3A_1084 : memref<21x128xf32, #tpu.memory_space<vmem_shared>>) target(%dma_start3A_1079 : memref<128x128xf32, #tpu.memory_space<vmem>>) offsets(%dma_start3A_1081 : memref<128xi32, #tpu.memory_space<vmem>>) semaphore(%dma_start3A_1086 : memref<!tpu.dma_semaphore, #tpu.memory_space<semaphore_mem>>)
    %dma_wait3A_1087 = arith.constant 0 : i32
    %dma_wait3A_1088 = arith.constant 0 : i32
    %dma_wait3A_1089 = arith.constant 0 : i32
    %dma_wait3A_1090 = arith.constant 0 : i32
    %dma_wait3A_1091 = tpu.memref_slice %arg6[%dma_wait3A_1087, %dma_wait3A_1089, %dma_wait3A_1090] : memref<3x256x128xf32, #tpu.memory_space<vmem>> -> memref<1x256x128xf32, #tpu.memory_space<vmem>>
    %dma_wait3A_1092 = tpu.memref_squeeze %dma_wait3A_1091 : memref<1x256x128xf32, #tpu.memory_space<vmem>> -> memref<256x128xf32, #tpu.memory_space<vmem>>
    %dma_wait3A_1093 = arith.constant 0 : i32
    %dma_wait3A_1094 = arith.constant 0 : i32
    %dma_wait3A_1095 = tpu.memref_slice %dma_wait3A_1092[%dma_wait3A_1093, %dma_wait3A_1094] : memref<256x128xf32, #tpu.memory_space<vmem>> -> memref<128x128xf32, #tpu.memory_space<vmem>>
    %dma_wait3A_1096 = arith.constant 2304 : i32
    %dma_wait3A_1097 = tpu.memref_slice %arg5[%dma_wait3A_1096] : memref<3200xi32, #tpu.memory_space<vmem>> -> memref<128xi32, #tpu.memory_space<vmem>>
    %dma_wait3A_1098 = arith.constant 0 : i32
    %dma_wait3A_1099 = arith.constant 0 : i32
    %dma_wait3A_1100 = tpu.memref_slice %arg7[%dma_wait3A_1098, %dma_wait3A_1099] : memref<21x128xf32, #tpu.memory_space<vmem_shared>> -> memref<21x128xf32, #tpu.memory_space<vmem_shared>>
    %dma_wait3A_1101 = tpu.memref_slice %arg8[%dma_wait3A_1088] : memref<6x!tpu.dma_semaphore, #tpu.memory_space<semaphore_mem>> -> memref<1x!tpu.dma_semaphore, #tpu.memory_space<semaphore_mem>>
    %dma_wait3A_1102 = tpu.memref_squeeze %dma_wait3A_1101 : memref<1x!tpu.dma_semaphore, #tpu.memory_space<semaphore_mem>> -> memref<!tpu.dma_semaphore, #tpu.memory_space<semaphore_mem>>
    tpu.wait_indirect_dma semaphore(%dma_wait3A_1102 : memref<!tpu.dma_semaphore, #tpu.memory_space<semaphore_mem>>) src(%dma_wait3A_1100 : memref<21x128xf32, #tpu.memory_space<vmem_shared>>) dst(%dma_wait3A_1095 : memref<128x128xf32, #tpu.memory_space<vmem>>)
    %dma_start3A_1103 = arith.constant 2 : i32
    %dma_start3A_1104 = arith.constant 5 : i32
    %dma_start3A_1105 = arith.constant 0 : i32
    %dma_start3A_1106 = arith.constant 0 : i32
    %dma_start3A_1107 = tpu.memref_slice %arg6[%dma_start3A_1103, %dma_start3A_1105, %dma_start3A_1106] : memref<3x256x128xf32, #tpu.memory_space<vmem>> -> memref<1x256x128xf32, #tpu.memory_space<vmem>>
    %dma_start3A_1108 = tpu.memref_squeeze %dma_start3A_1107 : memref<1x256x128xf32, #tpu.memory_space<vmem>> -> memref<256x128xf32, #tpu.memory_space<vmem>>
    %dma_start3A_1109 = arith.constant 128 : i32
    %dma_start3A_1110 = arith.constant 0 : i32
    %dma_start3A_1111 = tpu.memref_slice %dma_start3A_1108[%dma_start3A_1109, %dma_start3A_1110] : memref<256x128xf32, #tpu.memory_space<vmem>> -> memref<128x128xf32, #tpu.memory_space<vmem>>
    %dma_start3A_1112 = arith.constant 2944 : i32
    %dma_start3A_1113 = tpu.memref_slice %arg5[%dma_start3A_1112] : memref<3200xi32, #tpu.memory_space<vmem>> -> memref<128xi32, #tpu.memory_space<vmem>>
    %dma_start3A_1114 = arith.constant 0 : i32
    %dma_start3A_1115 = arith.constant 0 : i32
    %dma_start3A_1116 = tpu.memref_slice %arg7[%dma_start3A_1114, %dma_start3A_1115] : memref<21x128xf32, #tpu.memory_space<vmem_shared>> -> memref<21x128xf32, #tpu.memory_space<vmem_shared>>
    %dma_start3A_1117 = tpu.memref_slice %arg8[%dma_start3A_1104] : memref<6x!tpu.dma_semaphore, #tpu.memory_space<semaphore_mem>> -> memref<1x!tpu.dma_semaphore, #tpu.memory_space<semaphore_mem>>
    %dma_start3A_1118 = tpu.memref_squeeze %dma_start3A_1117 : memref<1x!tpu.dma_semaphore, #tpu.memory_space<semaphore_mem>> -> memref<!tpu.dma_semaphore, #tpu.memory_space<semaphore_mem>>
    tpu.enqueue_indirect_dma source(%dma_start3A_1116 : memref<21x128xf32, #tpu.memory_space<vmem_shared>>) target(%dma_start3A_1111 : memref<128x128xf32, #tpu.memory_space<vmem>>) offsets(%dma_start3A_1113 : memref<128xi32, #tpu.memory_space<vmem>>) semaphore(%dma_start3A_1118 : memref<!tpu.dma_semaphore, #tpu.memory_space<semaphore_mem>>)
    %dma_wait3A_1119 = arith.constant 0 : i32
    %dma_wait3A_1120 = arith.constant 1 : i32
    %dma_wait3A_1121 = arith.constant 0 : i32
    %dma_wait3A_1122 = arith.constant 0 : i32
    %dma_wait3A_1123 = tpu.memref_slice %arg6[%dma_wait3A_1119, %dma_wait3A_1121, %dma_wait3A_1122] : memref<3x256x128xf32, #tpu.memory_space<vmem>> -> memref<1x256x128xf32, #tpu.memory_space<vmem>>
    %dma_wait3A_1124 = tpu.memref_squeeze %dma_wait3A_1123 : memref<1x256x128xf32, #tpu.memory_space<vmem>> -> memref<256x128xf32, #tpu.memory_space<vmem>>
    %dma_wait3A_1125 = arith.constant 128 : i32
    %dma_wait3A_1126 = arith.constant 0 : i32
    %dma_wait3A_1127 = tpu.memref_slice %dma_wait3A_1124[%dma_wait3A_1125, %dma_wait3A_1126] : memref<256x128xf32, #tpu.memory_space<vmem>> -> memref<128x128xf32, #tpu.memory_space<vmem>>
    %dma_wait3A_1128 = arith.constant 2432 : i32
    %dma_wait3A_1129 = tpu.memref_slice %arg5[%dma_wait3A_1128] : memref<3200xi32, #tpu.memory_space<vmem>> -> memref<128xi32, #tpu.memory_space<vmem>>
    %dma_wait3A_1130 = arith.constant 0 : i32
    %dma_wait3A_1131 = arith.constant 0 : i32
    %dma_wait3A_1132 = tpu.memref_slice %arg7[%dma_wait3A_1130, %dma_wait3A_1131] : memref<21x128xf32, #tpu.memory_space<vmem_shared>> -> memref<21x128xf32, #tpu.memory_space<vmem_shared>>
    %dma_wait3A_1133 = tpu.memref_slice %arg8[%dma_wait3A_1120] : memref<6x!tpu.dma_semaphore, #tpu.memory_space<semaphore_mem>> -> memref<1x!tpu.dma_semaphore, #tpu.memory_space<semaphore_mem>>
    %dma_wait3A_1134 = tpu.memref_squeeze %dma_wait3A_1133 : memref<1x!tpu.dma_semaphore, #tpu.memory_space<semaphore_mem>> -> memref<!tpu.dma_semaphore, #tpu.memory_space<semaphore_mem>>
    tpu.wait_indirect_dma semaphore(%dma_wait3A_1134 : memref<!tpu.dma_semaphore, #tpu.memory_space<semaphore_mem>>) src(%dma_wait3A_1132 : memref<21x128xf32, #tpu.memory_space<vmem_shared>>) dst(%dma_wait3A_1127 : memref<128x128xf32, #tpu.memory_space<vmem>>)
    %add3A_1135 = arith.constant 2304 : i32
    %add3A_1136 = arith.addi %multiple_of3A, %add3A_1135 : i32
    %multiple_of3A_1137 = tpu.assume_multiple %add3A_1136, 8 : i32
    %dma_start3A_1138 = arith.constant 0 : i32
    %dma_start3A_1139 = arith.constant 0 : i32
    %dma_start3A_1140 = arith.constant 0 : i32
    %dma_start3A_1141 = arith.constant 0 : i32
    %dma_start3A_1142 = tpu.memref_slice %arg6[%dma_start3A_1138, %dma_start3A_1140, %dma_start3A_1141] : memref<3x256x128xf32, #tpu.memory_space<vmem>> -> memref<1x256x128xf32, #tpu.memory_space<vmem>>
    %dma_start3A_1143 = tpu.memref_squeeze %dma_start3A_1142 : memref<1x256x128xf32, #tpu.memory_space<vmem>> -> memref<256x128xf32, #tpu.memory_space<vmem>>
    %dma_start3A_1144 = arith.constant 0 : i32
    %dma_start3A_1145 = arith.constant 0 : i32
    %dma_start3A_1146 = tpu.memref_slice %dma_start3A_1143[%dma_start3A_1144, %dma_start3A_1145] : memref<256x128xf32, #tpu.memory_space<vmem>> -> memref<256x128xf32, #tpu.memory_space<vmem>>
    %dma_start3A_1147 = arith.constant 0 : i32
    %dma_start3A_1148 = tpu.memref_slice %arg4[%multiple_of3A_1137, %dma_start3A_1147] : memref<100000x128xf32, #tpu.memory_space<hbm>> -> memref<256x128xf32, #tpu.memory_space<hbm>>
    %dma_start3A_1149 = tpu.memref_slice %arg9[%dma_start3A_1139] : memref<3x!tpu.dma_semaphore, #tpu.memory_space<semaphore_mem>> -> memref<1x!tpu.dma_semaphore, #tpu.memory_space<semaphore_mem>>
    %dma_start3A_1150 = tpu.memref_squeeze %dma_start3A_1149 : memref<1x!tpu.dma_semaphore, #tpu.memory_space<semaphore_mem>> -> memref<!tpu.dma_semaphore, #tpu.memory_space<semaphore_mem>>
    %dma_start3A_1151 = arith.constant 0 : i32
    %dma_start3A_1152 = tpu.memref_slice %arg4[%multiple_of3A_1137, %dma_start3A_1151] : memref<100000x128xf32, #tpu.memory_space<hbm>> -> memref<256x128xf32, #tpu.memory_space<hbm>>
    %dma_start3A_1153 = arith.constant 0 : i32
    %dma_start3A_1154 = arith.constant 0 : i32
    %dma_start3A_1155 = tpu.memref_slice %arg6[%dma_start3A_1138, %dma_start3A_1153, %dma_start3A_1154] : memref<3x256x128xf32, #tpu.memory_space<vmem>> -> memref<1x256x128xf32, #tpu.memory_space<vmem>>
    %dma_start3A_1156 = tpu.memref_squeeze %dma_start3A_1155 : memref<1x256x128xf32, #tpu.memory_space<vmem>> -> memref<256x128xf32, #tpu.memory_space<vmem>>
    %dma_start3A_1157 = arith.constant 0 : i32
    %dma_start3A_1158 = arith.constant 0 : i32
    %dma_start3A_1159 = tpu.memref_slice %dma_start3A_1156[%dma_start3A_1157, %dma_start3A_1158] : memref<256x128xf32, #tpu.memory_space<vmem>> -> memref<256x128xf32, #tpu.memory_space<vmem>>
    tpu.enqueue_dma source(%dma_start3A_1159 : memref<256x128xf32, #tpu.memory_space<vmem>>) target(%dma_start3A_1152 : memref<256x128xf32, #tpu.memory_space<hbm>>) target_semaphore(%dma_start3A_1150 : memref<!tpu.dma_semaphore, #tpu.memory_space<semaphore_mem>>)
    %dma_wait3A_1160 = arith.constant 0 : i32
    %dma_wait3A_1161 = arith.constant 0 : i32
    %dma_wait3A_1162 = arith.constant 0 : i32
    %dma_wait3A_1163 = arith.constant 0 : i32
    %dma_wait3A_1164 = tpu.memref_slice %arg6[%dma_wait3A_1160, %dma_wait3A_1162, %dma_wait3A_1163] : memref<3x256x128xf32, #tpu.memory_space<vmem>> -> memref<1x256x128xf32, #tpu.memory_space<vmem>>
    %dma_wait3A_1165 = tpu.memref_squeeze %dma_wait3A_1164 : memref<1x256x128xf32, #tpu.memory_space<vmem>> -> memref<256x128xf32, #tpu.memory_space<vmem>>
    %dma_wait3A_1166 = arith.constant 0 : i32
    %dma_wait3A_1167 = arith.constant 0 : i32
    %dma_wait3A_1168 = tpu.memref_slice %dma_wait3A_1165[%dma_wait3A_1166, %dma_wait3A_1167] : memref<256x128xf32, #tpu.memory_space<vmem>> -> memref<256x128xf32, #tpu.memory_space<vmem>>
    %dma_wait3A_1169 = arith.constant 0 : i32
    %dma_wait3A_1170 = tpu.memref_slice %arg4[%multiple_of3A_1137, %dma_wait3A_1169] : memref<100000x128xf32, #tpu.memory_space<hbm>> -> memref<256x128xf32, #tpu.memory_space<hbm>>
    %dma_wait3A_1171 = tpu.memref_slice %arg9[%dma_wait3A_1161] : memref<3x!tpu.dma_semaphore, #tpu.memory_space<semaphore_mem>> -> memref<1x!tpu.dma_semaphore, #tpu.memory_space<semaphore_mem>>
    %dma_wait3A_1172 = tpu.memref_squeeze %dma_wait3A_1171 : memref<1x!tpu.dma_semaphore, #tpu.memory_space<semaphore_mem>> -> memref<!tpu.dma_semaphore, #tpu.memory_space<semaphore_mem>>
    %dma_wait3A_1173 = arith.constant 0 : i32
    %dma_wait3A_1174 = tpu.memref_slice %arg4[%multiple_of3A_1137, %dma_wait3A_1173] : memref<100000x128xf32, #tpu.memory_space<hbm>> -> memref<256x128xf32, #tpu.memory_space<hbm>>
    %dma_wait3A_1175 = arith.constant 0 : i32
    %dma_wait3A_1176 = arith.constant 0 : i32
    %dma_wait3A_1177 = tpu.memref_slice %arg6[%dma_wait3A_1160, %dma_wait3A_1175, %dma_wait3A_1176] : memref<3x256x128xf32, #tpu.memory_space<vmem>> -> memref<1x256x128xf32, #tpu.memory_space<vmem>>
    %dma_wait3A_1178 = tpu.memref_squeeze %dma_wait3A_1177 : memref<1x256x128xf32, #tpu.memory_space<vmem>> -> memref<256x128xf32, #tpu.memory_space<vmem>>
    %dma_wait3A_1179 = arith.constant 0 : i32
    %dma_wait3A_1180 = arith.constant 0 : i32
    %dma_wait3A_1181 = tpu.memref_slice %dma_wait3A_1178[%dma_wait3A_1179, %dma_wait3A_1180] : memref<256x128xf32, #tpu.memory_space<vmem>> -> memref<256x128xf32, #tpu.memory_space<vmem>>
    tpu.wait_dma2 semaphore(%dma_wait3A_1172 : memref<!tpu.dma_semaphore, #tpu.memory_space<semaphore_mem>>) src(%dma_wait3A_1181 : memref<256x128xf32, #tpu.memory_space<vmem>>) dst(%dma_wait3A_1174 : memref<256x128xf32, #tpu.memory_space<hbm>>)
    %dma_start3A_1182 = arith.constant 0 : i32
    %dma_start3A_1183 = arith.constant 0 : i32
    %dma_start3A_1184 = arith.constant 0 : i32
    %dma_start3A_1185 = arith.constant 0 : i32
    %dma_start3A_1186 = tpu.memref_slice %arg6[%dma_start3A_1182, %dma_start3A_1184, %dma_start3A_1185] : memref<3x256x128xf32, #tpu.memory_space<vmem>> -> memref<1x256x128xf32, #tpu.memory_space<vmem>>
    %dma_start3A_1187 = tpu.memref_squeeze %dma_start3A_1186 : memref<1x256x128xf32, #tpu.memory_space<vmem>> -> memref<256x128xf32, #tpu.memory_space<vmem>>
    %dma_start3A_1188 = arith.constant 0 : i32
    %dma_start3A_1189 = arith.constant 0 : i32
    %dma_start3A_1190 = tpu.memref_slice %dma_start3A_1187[%dma_start3A_1188, %dma_start3A_1189] : memref<256x128xf32, #tpu.memory_space<vmem>> -> memref<128x128xf32, #tpu.memory_space<vmem>>
    %dma_start3A_1191 = arith.constant 3072 : i32
    %dma_start3A_1192 = tpu.memref_slice %arg5[%dma_start3A_1191] : memref<3200xi32, #tpu.memory_space<vmem>> -> memref<128xi32, #tpu.memory_space<vmem>>
    %dma_start3A_1193 = arith.constant 0 : i32
    %dma_start3A_1194 = arith.constant 0 : i32
    %dma_start3A_1195 = tpu.memref_slice %arg7[%dma_start3A_1193, %dma_start3A_1194] : memref<21x128xf32, #tpu.memory_space<vmem_shared>> -> memref<21x128xf32, #tpu.memory_space<vmem_shared>>
    %dma_start3A_1196 = tpu.memref_slice %arg8[%dma_start3A_1183] : memref<6x!tpu.dma_semaphore, #tpu.memory_space<semaphore_mem>> -> memref<1x!tpu.dma_semaphore, #tpu.memory_space<semaphore_mem>>
    %dma_start3A_1197 = tpu.memref_squeeze %dma_start3A_1196 : memref<1x!tpu.dma_semaphore, #tpu.memory_space<semaphore_mem>> -> memref<!tpu.dma_semaphore, #tpu.memory_space<semaphore_mem>>
    tpu.enqueue_indirect_dma source(%dma_start3A_1195 : memref<21x128xf32, #tpu.memory_space<vmem_shared>>) target(%dma_start3A_1190 : memref<128x128xf32, #tpu.memory_space<vmem>>) offsets(%dma_start3A_1192 : memref<128xi32, #tpu.memory_space<vmem>>) semaphore(%dma_start3A_1197 : memref<!tpu.dma_semaphore, #tpu.memory_space<semaphore_mem>>)
    %dma_wait3A_1198 = arith.constant 1 : i32
    %dma_wait3A_1199 = arith.constant 2 : i32
    %dma_wait3A_1200 = arith.constant 0 : i32
    %dma_wait3A_1201 = arith.constant 0 : i32
    %dma_wait3A_1202 = tpu.memref_slice %arg6[%dma_wait3A_1198, %dma_wait3A_1200, %dma_wait3A_1201] : memref<3x256x128xf32, #tpu.memory_space<vmem>> -> memref<1x256x128xf32, #tpu.memory_space<vmem>>
    %dma_wait3A_1203 = tpu.memref_squeeze %dma_wait3A_1202 : memref<1x256x128xf32, #tpu.memory_space<vmem>> -> memref<256x128xf32, #tpu.memory_space<vmem>>
    %dma_wait3A_1204 = arith.constant 0 : i32
    %dma_wait3A_1205 = arith.constant 0 : i32
    %dma_wait3A_1206 = tpu.memref_slice %dma_wait3A_1203[%dma_wait3A_1204, %dma_wait3A_1205] : memref<256x128xf32, #tpu.memory_space<vmem>> -> memref<128x128xf32, #tpu.memory_space<vmem>>
    %dma_wait3A_1207 = arith.constant 2560 : i32
    %dma_wait3A_1208 = tpu.memref_slice %arg5[%dma_wait3A_1207] : memref<3200xi32, #tpu.memory_space<vmem>> -> memref<128xi32, #tpu.memory_space<vmem>>
    %dma_wait3A_1209 = arith.constant 0 : i32
    %dma_wait3A_1210 = arith.constant 0 : i32
    %dma_wait3A_1211 = tpu.memref_slice %arg7[%dma_wait3A_1209, %dma_wait3A_1210] : memref<21x128xf32, #tpu.memory_space<vmem_shared>> -> memref<21x128xf32, #tpu.memory_space<vmem_shared>>
    %dma_wait3A_1212 = tpu.memref_slice %arg8[%dma_wait3A_1199] : memref<6x!tpu.dma_semaphore, #tpu.memory_space<semaphore_mem>> -> memref<1x!tpu.dma_semaphore, #tpu.memory_space<semaphore_mem>>
    %dma_wait3A_1213 = tpu.memref_squeeze %dma_wait3A_1212 : memref<1x!tpu.dma_semaphore, #tpu.memory_space<semaphore_mem>> -> memref<!tpu.dma_semaphore, #tpu.memory_space<semaphore_mem>>
    tpu.wait_indirect_dma semaphore(%dma_wait3A_1213 : memref<!tpu.dma_semaphore, #tpu.memory_space<semaphore_mem>>) src(%dma_wait3A_1211 : memref<21x128xf32, #tpu.memory_space<vmem_shared>>) dst(%dma_wait3A_1206 : memref<128x128xf32, #tpu.memory_space<vmem>>)
    %dma_wait3A_1214 = arith.constant 1 : i32
    %dma_wait3A_1215 = arith.constant 3 : i32
    %dma_wait3A_1216 = arith.constant 0 : i32
    %dma_wait3A_1217 = arith.constant 0 : i32
    %dma_wait3A_1218 = tpu.memref_slice %arg6[%dma_wait3A_1214, %dma_wait3A_1216, %dma_wait3A_1217] : memref<3x256x128xf32, #tpu.memory_space<vmem>> -> memref<1x256x128xf32, #tpu.memory_space<vmem>>
    %dma_wait3A_1219 = tpu.memref_squeeze %dma_wait3A_1218 : memref<1x256x128xf32, #tpu.memory_space<vmem>> -> memref<256x128xf32, #tpu.memory_space<vmem>>
    %dma_wait3A_1220 = arith.constant 128 : i32
    %dma_wait3A_1221 = arith.constant 0 : i32
    %dma_wait3A_1222 = tpu.memref_slice %dma_wait3A_1219[%dma_wait3A_1220, %dma_wait3A_1221] : memref<256x128xf32, #tpu.memory_space<vmem>> -> memref<128x128xf32, #tpu.memory_space<vmem>>
    %dma_wait3A_1223 = arith.constant 2688 : i32
    %dma_wait3A_1224 = tpu.memref_slice %arg5[%dma_wait3A_1223] : memref<3200xi32, #tpu.memory_space<vmem>> -> memref<128xi32, #tpu.memory_space<vmem>>
    %dma_wait3A_1225 = arith.constant 0 : i32
    %dma_wait3A_1226 = arith.constant 0 : i32
    %dma_wait3A_1227 = tpu.memref_slice %arg7[%dma_wait3A_1225, %dma_wait3A_1226] : memref<21x128xf32, #tpu.memory_space<vmem_shared>> -> memref<21x128xf32, #tpu.memory_space<vmem_shared>>
    %dma_wait3A_1228 = tpu.memref_slice %arg8[%dma_wait3A_1215] : memref<6x!tpu.dma_semaphore, #tpu.memory_space<semaphore_mem>> -> memref<1x!tpu.dma_semaphore, #tpu.memory_space<semaphore_mem>>
    %dma_wait3A_1229 = tpu.memref_squeeze %dma_wait3A_1228 : memref<1x!tpu.dma_semaphore, #tpu.memory_space<semaphore_mem>> -> memref<!tpu.dma_semaphore, #tpu.memory_space<semaphore_mem>>
    tpu.wait_indirect_dma semaphore(%dma_wait3A_1229 : memref<!tpu.dma_semaphore, #tpu.memory_space<semaphore_mem>>) src(%dma_wait3A_1227 : memref<21x128xf32, #tpu.memory_space<vmem_shared>>) dst(%dma_wait3A_1222 : memref<128x128xf32, #tpu.memory_space<vmem>>)
    %add3A_1230 = arith.constant 2560 : i32
    %add3A_1231 = arith.addi %multiple_of3A, %add3A_1230 : i32
    %multiple_of3A_1232 = tpu.assume_multiple %add3A_1231, 8 : i32
    %dma_start3A_1233 = arith.constant 1 : i32
    %dma_start3A_1234 = arith.constant 1 : i32
    %dma_start3A_1235 = arith.constant 0 : i32
    %dma_start3A_1236 = arith.constant 0 : i32
    %dma_start3A_1237 = tpu.memref_slice %arg6[%dma_start3A_1233, %dma_start3A_1235, %dma_start3A_1236] : memref<3x256x128xf32, #tpu.memory_space<vmem>> -> memref<1x256x128xf32, #tpu.memory_space<vmem>>
    %dma_start3A_1238 = tpu.memref_squeeze %dma_start3A_1237 : memref<1x256x128xf32, #tpu.memory_space<vmem>> -> memref<256x128xf32, #tpu.memory_space<vmem>>
    %dma_start3A_1239 = arith.constant 0 : i32
    %dma_start3A_1240 = arith.constant 0 : i32
    %dma_start3A_1241 = tpu.memref_slice %dma_start3A_1238[%dma_start3A_1239, %dma_start3A_1240] : memref<256x128xf32, #tpu.memory_space<vmem>> -> memref<256x128xf32, #tpu.memory_space<vmem>>
    %dma_start3A_1242 = arith.constant 0 : i32
    %dma_start3A_1243 = tpu.memref_slice %arg4[%multiple_of3A_1232, %dma_start3A_1242] : memref<100000x128xf32, #tpu.memory_space<hbm>> -> memref<256x128xf32, #tpu.memory_space<hbm>>
    %dma_start3A_1244 = tpu.memref_slice %arg9[%dma_start3A_1234] : memref<3x!tpu.dma_semaphore, #tpu.memory_space<semaphore_mem>> -> memref<1x!tpu.dma_semaphore, #tpu.memory_space<semaphore_mem>>
    %dma_start3A_1245 = tpu.memref_squeeze %dma_start3A_1244 : memref<1x!tpu.dma_semaphore, #tpu.memory_space<semaphore_mem>> -> memref<!tpu.dma_semaphore, #tpu.memory_space<semaphore_mem>>
    %dma_start3A_1246 = arith.constant 0 : i32
    %dma_start3A_1247 = tpu.memref_slice %arg4[%multiple_of3A_1232, %dma_start3A_1246] : memref<100000x128xf32, #tpu.memory_space<hbm>> -> memref<256x128xf32, #tpu.memory_space<hbm>>
    %dma_start3A_1248 = arith.constant 0 : i32
    %dma_start3A_1249 = arith.constant 0 : i32
    %dma_start3A_1250 = tpu.memref_slice %arg6[%dma_start3A_1233, %dma_start3A_1248, %dma_start3A_1249] : memref<3x256x128xf32, #tpu.memory_space<vmem>> -> memref<1x256x128xf32, #tpu.memory_space<vmem>>
    %dma_start3A_1251 = tpu.memref_squeeze %dma_start3A_1250 : memref<1x256x128xf32, #tpu.memory_space<vmem>> -> memref<256x128xf32, #tpu.memory_space<vmem>>
    %dma_start3A_1252 = arith.constant 0 : i32
    %dma_start3A_1253 = arith.constant 0 : i32
    %dma_start3A_1254 = tpu.memref_slice %dma_start3A_1251[%dma_start3A_1252, %dma_start3A_1253] : memref<256x128xf32, #tpu.memory_space<vmem>> -> memref<256x128xf32, #tpu.memory_space<vmem>>
    tpu.enqueue_dma source(%dma_start3A_1254 : memref<256x128xf32, #tpu.memory_space<vmem>>) target(%dma_start3A_1247 : memref<256x128xf32, #tpu.memory_space<hbm>>) target_semaphore(%dma_start3A_1245 : memref<!tpu.dma_semaphore, #tpu.memory_space<semaphore_mem>>)
    %dma_wait3A_1255 = arith.constant 2 : i32
    %dma_wait3A_1256 = arith.constant 4 : i32
    %dma_wait3A_1257 = arith.constant 0 : i32
    %dma_wait3A_1258 = arith.constant 0 : i32
    %dma_wait3A_1259 = tpu.memref_slice %arg6[%dma_wait3A_1255, %dma_wait3A_1257, %dma_wait3A_1258] : memref<3x256x128xf32, #tpu.memory_space<vmem>> -> memref<1x256x128xf32, #tpu.memory_space<vmem>>
    %dma_wait3A_1260 = tpu.memref_squeeze %dma_wait3A_1259 : memref<1x256x128xf32, #tpu.memory_space<vmem>> -> memref<256x128xf32, #tpu.memory_space<vmem>>
    %dma_wait3A_1261 = arith.constant 0 : i32
    %dma_wait3A_1262 = arith.constant 0 : i32
    %dma_wait3A_1263 = tpu.memref_slice %dma_wait3A_1260[%dma_wait3A_1261, %dma_wait3A_1262] : memref<256x128xf32, #tpu.memory_space<vmem>> -> memref<128x128xf32, #tpu.memory_space<vmem>>
    %dma_wait3A_1264 = arith.constant 2816 : i32
    %dma_wait3A_1265 = tpu.memref_slice %arg5[%dma_wait3A_1264] : memref<3200xi32, #tpu.memory_space<vmem>> -> memref<128xi32, #tpu.memory_space<vmem>>
    %dma_wait3A_1266 = arith.constant 0 : i32
    %dma_wait3A_1267 = arith.constant 0 : i32
    %dma_wait3A_1268 = tpu.memref_slice %arg7[%dma_wait3A_1266, %dma_wait3A_1267] : memref<21x128xf32, #tpu.memory_space<vmem_shared>> -> memref<21x128xf32, #tpu.memory_space<vmem_shared>>
    %dma_wait3A_1269 = tpu.memref_slice %arg8[%dma_wait3A_1256] : memref<6x!tpu.dma_semaphore, #tpu.memory_space<semaphore_mem>> -> memref<1x!tpu.dma_semaphore, #tpu.memory_space<semaphore_mem>>
    %dma_wait3A_1270 = tpu.memref_squeeze %dma_wait3A_1269 : memref<1x!tpu.dma_semaphore, #tpu.memory_space<semaphore_mem>> -> memref<!tpu.dma_semaphore, #tpu.memory_space<semaphore_mem>>
    tpu.wait_indirect_dma semaphore(%dma_wait3A_1270 : memref<!tpu.dma_semaphore, #tpu.memory_space<semaphore_mem>>) src(%dma_wait3A_1268 : memref<21x128xf32, #tpu.memory_space<vmem_shared>>) dst(%dma_wait3A_1263 : memref<128x128xf32, #tpu.memory_space<vmem>>)
    %dma_wait3A_1271 = arith.constant 2 : i32
    %dma_wait3A_1272 = arith.constant 5 : i32
    %dma_wait3A_1273 = arith.constant 0 : i32
    %dma_wait3A_1274 = arith.constant 0 : i32
    %dma_wait3A_1275 = tpu.memref_slice %arg6[%dma_wait3A_1271, %dma_wait3A_1273, %dma_wait3A_1274] : memref<3x256x128xf32, #tpu.memory_space<vmem>> -> memref<1x256x128xf32, #tpu.memory_space<vmem>>
    %dma_wait3A_1276 = tpu.memref_squeeze %dma_wait3A_1275 : memref<1x256x128xf32, #tpu.memory_space<vmem>> -> memref<256x128xf32, #tpu.memory_space<vmem>>
    %dma_wait3A_1277 = arith.constant 128 : i32
    %dma_wait3A_1278 = arith.constant 0 : i32
    %dma_wait3A_1279 = tpu.memref_slice %dma_wait3A_1276[%dma_wait3A_1277, %dma_wait3A_1278] : memref<256x128xf32, #tpu.memory_space<vmem>> -> memref<128x128xf32, #tpu.memory_space<vmem>>
    %dma_wait3A_1280 = arith.constant 2944 : i32
    %dma_wait3A_1281 = tpu.memref_slice %arg5[%dma_wait3A_1280] : memref<3200xi32, #tpu.memory_space<vmem>> -> memref<128xi32, #tpu.memory_space<vmem>>
    %dma_wait3A_1282 = arith.constant 0 : i32
    %dma_wait3A_1283 = arith.constant 0 : i32
    %dma_wait3A_1284 = tpu.memref_slice %arg7[%dma_wait3A_1282, %dma_wait3A_1283] : memref<21x128xf32, #tpu.memory_space<vmem_shared>> -> memref<21x128xf32, #tpu.memory_space<vmem_shared>>
    %dma_wait3A_1285 = tpu.memref_slice %arg8[%dma_wait3A_1272] : memref<6x!tpu.dma_semaphore, #tpu.memory_space<semaphore_mem>> -> memref<1x!tpu.dma_semaphore, #tpu.memory_space<semaphore_mem>>
    %dma_wait3A_1286 = tpu.memref_squeeze %dma_wait3A_1285 : memref<1x!tpu.dma_semaphore, #tpu.memory_space<semaphore_mem>> -> memref<!tpu.dma_semaphore, #tpu.memory_space<semaphore_mem>>
    tpu.wait_indirect_dma semaphore(%dma_wait3A_1286 : memref<!tpu.dma_semaphore, #tpu.memory_space<semaphore_mem>>) src(%dma_wait3A_1284 : memref<21x128xf32, #tpu.memory_space<vmem_shared>>) dst(%dma_wait3A_1279 : memref<128x128xf32, #tpu.memory_space<vmem>>)
    %add3A_1287 = arith.constant 2816 : i32
    %add3A_1288 = arith.addi %multiple_of3A, %add3A_1287 : i32
    %multiple_of3A_1289 = tpu.assume_multiple %add3A_1288, 8 : i32
    %dma_start3A_1290 = arith.constant 2 : i32
    %dma_start3A_1291 = arith.constant 2 : i32
    %dma_start3A_1292 = arith.constant 0 : i32
    %dma_start3A_1293 = arith.constant 0 : i32
    %dma_start3A_1294 = tpu.memref_slice %arg6[%dma_start3A_1290, %dma_start3A_1292, %dma_start3A_1293] : memref<3x256x128xf32, #tpu.memory_space<vmem>> -> memref<1x256x128xf32, #tpu.memory_space<vmem>>
    %dma_start3A_1295 = tpu.memref_squeeze %dma_start3A_1294 : memref<1x256x128xf32, #tpu.memory_space<vmem>> -> memref<256x128xf32, #tpu.memory_space<vmem>>
    %dma_start3A_1296 = arith.constant 0 : i32
    %dma_start3A_1297 = arith.constant 0 : i32
    %dma_start3A_1298 = tpu.memref_slice %dma_start3A_1295[%dma_start3A_1296, %dma_start3A_1297] : memref<256x128xf32, #tpu.memory_space<vmem>> -> memref<256x128xf32, #tpu.memory_space<vmem>>
    %dma_start3A_1299 = arith.constant 0 : i32
    %dma_start3A_1300 = tpu.memref_slice %arg4[%multiple_of3A_1289, %dma_start3A_1299] : memref<100000x128xf32, #tpu.memory_space<hbm>> -> memref<256x128xf32, #tpu.memory_space<hbm>>
    %dma_start3A_1301 = tpu.memref_slice %arg9[%dma_start3A_1291] : memref<3x!tpu.dma_semaphore, #tpu.memory_space<semaphore_mem>> -> memref<1x!tpu.dma_semaphore, #tpu.memory_space<semaphore_mem>>
    %dma_start3A_1302 = tpu.memref_squeeze %dma_start3A_1301 : memref<1x!tpu.dma_semaphore, #tpu.memory_space<semaphore_mem>> -> memref<!tpu.dma_semaphore, #tpu.memory_space<semaphore_mem>>
    %dma_start3A_1303 = arith.constant 0 : i32
    %dma_start3A_1304 = tpu.memref_slice %arg4[%multiple_of3A_1289, %dma_start3A_1303] : memref<100000x128xf32, #tpu.memory_space<hbm>> -> memref<256x128xf32, #tpu.memory_space<hbm>>
    %dma_start3A_1305 = arith.constant 0 : i32
    %dma_start3A_1306 = arith.constant 0 : i32
    %dma_start3A_1307 = tpu.memref_slice %arg6[%dma_start3A_1290, %dma_start3A_1305, %dma_start3A_1306] : memref<3x256x128xf32, #tpu.memory_space<vmem>> -> memref<1x256x128xf32, #tpu.memory_space<vmem>>
    %dma_start3A_1308 = tpu.memref_squeeze %dma_start3A_1307 : memref<1x256x128xf32, #tpu.memory_space<vmem>> -> memref<256x128xf32, #tpu.memory_space<vmem>>
    %dma_start3A_1309 = arith.constant 0 : i32
    %dma_start3A_1310 = arith.constant 0 : i32
    %dma_start3A_1311 = tpu.memref_slice %dma_start3A_1308[%dma_start3A_1309, %dma_start3A_1310] : memref<256x128xf32, #tpu.memory_space<vmem>> -> memref<256x128xf32, #tpu.memory_space<vmem>>
    tpu.enqueue_dma source(%dma_start3A_1311 : memref<256x128xf32, #tpu.memory_space<vmem>>) target(%dma_start3A_1304 : memref<256x128xf32, #tpu.memory_space<hbm>>) target_semaphore(%dma_start3A_1302 : memref<!tpu.dma_semaphore, #tpu.memory_space<semaphore_mem>>)
    %dma_wait3A_1312 = arith.constant 0 : i32
    %dma_wait3A_1313 = arith.constant 0 : i32
    %dma_wait3A_1314 = arith.constant 0 : i32
    %dma_wait3A_1315 = arith.constant 0 : i32
    %dma_wait3A_1316 = tpu.memref_slice %arg6[%dma_wait3A_1312, %dma_wait3A_1314, %dma_wait3A_1315] : memref<3x256x128xf32, #tpu.memory_space<vmem>> -> memref<1x256x128xf32, #tpu.memory_space<vmem>>
    %dma_wait3A_1317 = tpu.memref_squeeze %dma_wait3A_1316 : memref<1x256x128xf32, #tpu.memory_space<vmem>> -> memref<256x128xf32, #tpu.memory_space<vmem>>
    %dma_wait3A_1318 = arith.constant 0 : i32
    %dma_wait3A_1319 = arith.constant 0 : i32
    %dma_wait3A_1320 = tpu.memref_slice %dma_wait3A_1317[%dma_wait3A_1318, %dma_wait3A_1319] : memref<256x128xf32, #tpu.memory_space<vmem>> -> memref<128x128xf32, #tpu.memory_space<vmem>>
    %dma_wait3A_1321 = arith.constant 3072 : i32
    %dma_wait3A_1322 = tpu.memref_slice %arg5[%dma_wait3A_1321] : memref<3200xi32, #tpu.memory_space<vmem>> -> memref<128xi32, #tpu.memory_space<vmem>>
    %dma_wait3A_1323 = arith.constant 0 : i32
    %dma_wait3A_1324 = arith.constant 0 : i32
    %dma_wait3A_1325 = tpu.memref_slice %arg7[%dma_wait3A_1323, %dma_wait3A_1324] : memref<21x128xf32, #tpu.memory_space<vmem_shared>> -> memref<21x128xf32, #tpu.memory_space<vmem_shared>>
    %dma_wait3A_1326 = tpu.memref_slice %arg8[%dma_wait3A_1313] : memref<6x!tpu.dma_semaphore, #tpu.memory_space<semaphore_mem>> -> memref<1x!tpu.dma_semaphore, #tpu.memory_space<semaphore_mem>>
    %dma_wait3A_1327 = tpu.memref_squeeze %dma_wait3A_1326 : memref<1x!tpu.dma_semaphore, #tpu.memory_space<semaphore_mem>> -> memref<!tpu.dma_semaphore, #tpu.memory_space<semaphore_mem>>
    tpu.wait_indirect_dma semaphore(%dma_wait3A_1327 : memref<!tpu.dma_semaphore, #tpu.memory_space<semaphore_mem>>) src(%dma_wait3A_1325 : memref<21x128xf32, #tpu.memory_space<vmem_shared>>) dst(%dma_wait3A_1320 : memref<128x128xf32, #tpu.memory_space<vmem>>)
    %add3A_1328 = arith.constant 3072 : i32
    %add3A_1329 = arith.addi %multiple_of3A, %add3A_1328 : i32
    %multiple_of3A_1330 = tpu.assume_multiple %add3A_1329, 8 : i32
    %dma_start3A_1331 = arith.constant 0 : i32
    %dma_start3A_1332 = arith.constant 0 : i32
    %dma_start3A_1333 = arith.constant 0 : i32
    %dma_start3A_1334 = arith.constant 0 : i32
    %dma_start3A_1335 = tpu.memref_slice %arg6[%dma_start3A_1331, %dma_start3A_1333, %dma_start3A_1334] : memref<3x256x128xf32, #tpu.memory_space<vmem>> -> memref<1x256x128xf32, #tpu.memory_space<vmem>>
    %dma_start3A_1336 = tpu.memref_squeeze %dma_start3A_1335 : memref<1x256x128xf32, #tpu.memory_space<vmem>> -> memref<256x128xf32, #tpu.memory_space<vmem>>
    %dma_start3A_1337 = arith.constant 0 : i32
    %dma_start3A_1338 = arith.constant 0 : i32
    %dma_start3A_1339 = tpu.memref_slice %dma_start3A_1336[%dma_start3A_1337, %dma_start3A_1338] : memref<256x128xf32, #tpu.memory_space<vmem>> -> memref<128x128xf32, #tpu.memory_space<vmem>>
    %dma_start3A_1340 = arith.constant 0 : i32
    %dma_start3A_1341 = tpu.memref_slice %arg4[%multiple_of3A_1330, %dma_start3A_1340] : memref<100000x128xf32, #tpu.memory_space<hbm>> -> memref<128x128xf32, #tpu.memory_space<hbm>>
    %dma_start3A_1342 = tpu.memref_slice %arg9[%dma_start3A_1332] : memref<3x!tpu.dma_semaphore, #tpu.memory_space<semaphore_mem>> -> memref<1x!tpu.dma_semaphore, #tpu.memory_space<semaphore_mem>>
    %dma_start3A_1343 = tpu.memref_squeeze %dma_start3A_1342 : memref<1x!tpu.dma_semaphore, #tpu.memory_space<semaphore_mem>> -> memref<!tpu.dma_semaphore, #tpu.memory_space<semaphore_mem>>
    %dma_start3A_1344 = arith.constant 0 : i32
    %dma_start3A_1345 = tpu.memref_slice %arg4[%multiple_of3A_1330, %dma_start3A_1344] : memref<100000x128xf32, #tpu.memory_space<hbm>> -> memref<128x128xf32, #tpu.memory_space<hbm>>
    %dma_start3A_1346 = arith.constant 0 : i32
    %dma_start3A_1347 = arith.constant 0 : i32
    %dma_start3A_1348 = tpu.memref_slice %arg6[%dma_start3A_1331, %dma_start3A_1346, %dma_start3A_1347] : memref<3x256x128xf32, #tpu.memory_space<vmem>> -> memref<1x256x128xf32, #tpu.memory_space<vmem>>
    %dma_start3A_1349 = tpu.memref_squeeze %dma_start3A_1348 : memref<1x256x128xf32, #tpu.memory_space<vmem>> -> memref<256x128xf32, #tpu.memory_space<vmem>>
    %dma_start3A_1350 = arith.constant 0 : i32
    %dma_start3A_1351 = arith.constant 0 : i32
    %dma_start3A_1352 = tpu.memref_slice %dma_start3A_1349[%dma_start3A_1350, %dma_start3A_1351] : memref<256x128xf32, #tpu.memory_space<vmem>> -> memref<128x128xf32, #tpu.memory_space<vmem>>
    tpu.enqueue_dma source(%dma_start3A_1352 : memref<128x128xf32, #tpu.memory_space<vmem>>) target(%dma_start3A_1345 : memref<128x128xf32, #tpu.memory_space<hbm>>) target_semaphore(%dma_start3A_1343 : memref<!tpu.dma_semaphore, #tpu.memory_space<semaphore_mem>>)
    %dma_wait3A_1353 = arith.constant 1 : i32
    %dma_wait3A_1354 = arith.constant 1 : i32
    %dma_wait3A_1355 = arith.constant 0 : i32
    %dma_wait3A_1356 = arith.constant 0 : i32
    %dma_wait3A_1357 = tpu.memref_slice %arg6[%dma_wait3A_1353, %dma_wait3A_1355, %dma_wait3A_1356] : memref<3x256x128xf32, #tpu.memory_space<vmem>> -> memref<1x256x128xf32, #tpu.memory_space<vmem>>
    %dma_wait3A_1358 = tpu.memref_squeeze %dma_wait3A_1357 : memref<1x256x128xf32, #tpu.memory_space<vmem>> -> memref<256x128xf32, #tpu.memory_space<vmem>>
    %dma_wait3A_1359 = arith.constant 0 : i32
    %dma_wait3A_1360 = arith.constant 0 : i32
    %dma_wait3A_1361 = tpu.memref_slice %dma_wait3A_1358[%dma_wait3A_1359, %dma_wait3A_1360] : memref<256x128xf32, #tpu.memory_space<vmem>> -> memref<256x128xf32, #tpu.memory_space<vmem>>
    %dma_wait3A_1362 = arith.constant 0 : i32
    %dma_wait3A_1363 = tpu.memref_slice %arg4[%multiple_of3A_1232, %dma_wait3A_1362] : memref<100000x128xf32, #tpu.memory_space<hbm>> -> memref<256x128xf32, #tpu.memory_space<hbm>>
    %dma_wait3A_1364 = tpu.memref_slice %arg9[%dma_wait3A_1354] : memref<3x!tpu.dma_semaphore, #tpu.memory_space<semaphore_mem>> -> memref<1x!tpu.dma_semaphore, #tpu.memory_space<semaphore_mem>>
    %dma_wait3A_1365 = tpu.memref_squeeze %dma_wait3A_1364 : memref<1x!tpu.dma_semaphore, #tpu.memory_space<semaphore_mem>> -> memref<!tpu.dma_semaphore, #tpu.memory_space<semaphore_mem>>
    %dma_wait3A_1366 = arith.constant 0 : i32
    %dma_wait3A_1367 = tpu.memref_slice %arg4[%multiple_of3A_1232, %dma_wait3A_1366] : memref<100000x128xf32, #tpu.memory_space<hbm>> -> memref<256x128xf32, #tpu.memory_space<hbm>>
    %dma_wait3A_1368 = arith.constant 0 : i32
    %dma_wait3A_1369 = arith.constant 0 : i32
    %dma_wait3A_1370 = tpu.memref_slice %arg6[%dma_wait3A_1353, %dma_wait3A_1368, %dma_wait3A_1369] : memref<3x256x128xf32, #tpu.memory_space<vmem>> -> memref<1x256x128xf32, #tpu.memory_space<vmem>>
    %dma_wait3A_1371 = tpu.memref_squeeze %dma_wait3A_1370 : memref<1x256x128xf32, #tpu.memory_space<vmem>> -> memref<256x128xf32, #tpu.memory_space<vmem>>
    %dma_wait3A_1372 = arith.constant 0 : i32
    %dma_wait3A_1373 = arith.constant 0 : i32
    %dma_wait3A_1374 = tpu.memref_slice %dma_wait3A_1371[%dma_wait3A_1372, %dma_wait3A_1373] : memref<256x128xf32, #tpu.memory_space<vmem>> -> memref<256x128xf32, #tpu.memory_space<vmem>>
    tpu.wait_dma2 semaphore(%dma_wait3A_1365 : memref<!tpu.dma_semaphore, #tpu.memory_space<semaphore_mem>>) src(%dma_wait3A_1374 : memref<256x128xf32, #tpu.memory_space<vmem>>) dst(%dma_wait3A_1367 : memref<256x128xf32, #tpu.memory_space<hbm>>)
    %dma_wait3A_1375 = arith.constant 2 : i32
    %dma_wait3A_1376 = arith.constant 2 : i32
    %dma_wait3A_1377 = arith.constant 0 : i32
    %dma_wait3A_1378 = arith.constant 0 : i32
    %dma_wait3A_1379 = tpu.memref_slice %arg6[%dma_wait3A_1375, %dma_wait3A_1377, %dma_wait3A_1378] : memref<3x256x128xf32, #tpu.memory_space<vmem>> -> memref<1x256x128xf32, #tpu.memory_space<vmem>>
    %dma_wait3A_1380 = tpu.memref_squeeze %dma_wait3A_1379 : memref<1x256x128xf32, #tpu.memory_space<vmem>> -> memref<256x128xf32, #tpu.memory_space<vmem>>
    %dma_wait3A_1381 = arith.constant 0 : i32
    %dma_wait3A_1382 = arith.constant 0 : i32
    %dma_wait3A_1383 = tpu.memref_slice %dma_wait3A_1380[%dma_wait3A_1381, %dma_wait3A_1382] : memref<256x128xf32, #tpu.memory_space<vmem>> -> memref<256x128xf32, #tpu.memory_space<vmem>>
    %dma_wait3A_1384 = arith.constant 0 : i32
    %dma_wait3A_1385 = tpu.memref_slice %arg4[%multiple_of3A_1289, %dma_wait3A_1384] : memref<100000x128xf32, #tpu.memory_space<hbm>> -> memref<256x128xf32, #tpu.memory_space<hbm>>
    %dma_wait3A_1386 = tpu.memref_slice %arg9[%dma_wait3A_1376] : memref<3x!tpu.dma_semaphore, #tpu.memory_space<semaphore_mem>> -> memref<1x!tpu.dma_semaphore, #tpu.memory_space<semaphore_mem>>
    %dma_wait3A_1387 = tpu.memref_squeeze %dma_wait3A_1386 : memref<1x!tpu.dma_semaphore, #tpu.memory_space<semaphore_mem>> -> memref<!tpu.dma_semaphore, #tpu.memory_space<semaphore_mem>>
    %dma_wait3A_1388 = arith.constant 0 : i32
    %dma_wait3A_1389 = tpu.memref_slice %arg4[%multiple_of3A_1289, %dma_wait3A_1388] : memref<100000x128xf32, #tpu.memory_space<hbm>> -> memref<256x128xf32, #tpu.memory_space<hbm>>
    %dma_wait3A_1390 = arith.constant 0 : i32
    %dma_wait3A_1391 = arith.constant 0 : i32
    %dma_wait3A_1392 = tpu.memref_slice %arg6[%dma_wait3A_1375, %dma_wait3A_1390, %dma_wait3A_1391] : memref<3x256x128xf32, #tpu.memory_space<vmem>> -> memref<1x256x128xf32, #tpu.memory_space<vmem>>
    %dma_wait3A_1393 = tpu.memref_squeeze %dma_wait3A_1392 : memref<1x256x128xf32, #tpu.memory_space<vmem>> -> memref<256x128xf32, #tpu.memory_space<vmem>>
    %dma_wait3A_1394 = arith.constant 0 : i32
    %dma_wait3A_1395 = arith.constant 0 : i32
    %dma_wait3A_1396 = tpu.memref_slice %dma_wait3A_1393[%dma_wait3A_1394, %dma_wait3A_1395] : memref<256x128xf32, #tpu.memory_space<vmem>> -> memref<256x128xf32, #tpu.memory_space<vmem>>
    tpu.wait_dma2 semaphore(%dma_wait3A_1387 : memref<!tpu.dma_semaphore, #tpu.memory_space<semaphore_mem>>) src(%dma_wait3A_1396 : memref<256x128xf32, #tpu.memory_space<vmem>>) dst(%dma_wait3A_1389 : memref<256x128xf32, #tpu.memory_space<hbm>>)
    %dma_wait3A_1397 = arith.constant 0 : i32
    %dma_wait3A_1398 = arith.constant 0 : i32
    %dma_wait3A_1399 = arith.constant 0 : i32
    %dma_wait3A_1400 = arith.constant 0 : i32
    %dma_wait3A_1401 = tpu.memref_slice %arg6[%dma_wait3A_1397, %dma_wait3A_1399, %dma_wait3A_1400] : memref<3x256x128xf32, #tpu.memory_space<vmem>> -> memref<1x256x128xf32, #tpu.memory_space<vmem>>
    %dma_wait3A_1402 = tpu.memref_squeeze %dma_wait3A_1401 : memref<1x256x128xf32, #tpu.memory_space<vmem>> -> memref<256x128xf32, #tpu.memory_space<vmem>>
    %dma_wait3A_1403 = arith.constant 0 : i32
    %dma_wait3A_1404 = arith.constant 0 : i32
    %dma_wait3A_1405 = tpu.memref_slice %dma_wait3A_1402[%dma_wait3A_1403, %dma_wait3A_1404] : memref<256x128xf32, #tpu.memory_space<vmem>> -> memref<128x128xf32, #tpu.memory_space<vmem>>
    %dma_wait3A_1406 = arith.constant 0 : i32
    %dma_wait3A_1407 = tpu.memref_slice %arg4[%multiple_of3A_1330, %dma_wait3A_1406] : memref<100000x128xf32, #tpu.memory_space<hbm>> -> memref<128x128xf32, #tpu.memory_space<hbm>>
    %dma_wait3A_1408 = tpu.memref_slice %arg9[%dma_wait3A_1398] : memref<3x!tpu.dma_semaphore, #tpu.memory_space<semaphore_mem>> -> memref<1x!tpu.dma_semaphore, #tpu.memory_space<semaphore_mem>>
    %dma_wait3A_1409 = tpu.memref_squeeze %dma_wait3A_1408 : memref<1x!tpu.dma_semaphore, #tpu.memory_space<semaphore_mem>> -> memref<!tpu.dma_semaphore, #tpu.memory_space<semaphore_mem>>
    %dma_wait3A_1410 = arith.constant 0 : i32
    %dma_wait3A_1411 = tpu.memref_slice %arg4[%multiple_of3A_1330, %dma_wait3A_1410] : memref<100000x128xf32, #tpu.memory_space<hbm>> -> memref<128x128xf32, #tpu.memory_space<hbm>>
    %dma_wait3A_1412 = arith.constant 0 : i32
    %dma_wait3A_1413 = arith.constant 0 : i32
    %dma_wait3A_1414 = tpu.memref_slice %arg6[%dma_wait3A_1397, %dma_wait3A_1412, %dma_wait3A_1413] : memref<3x256x128xf32, #tpu.memory_space<vmem>> -> memref<1x256x128xf32, #tpu.memory_space<vmem>>
    %dma_wait3A_1415 = tpu.memref_squeeze %dma_wait3A_1414 : memref<1x256x128xf32, #tpu.memory_space<vmem>> -> memref<256x128xf32, #tpu.memory_space<vmem>>
    %dma_wait3A_1416 = arith.constant 0 : i32
    %dma_wait3A_1417 = arith.constant 0 : i32
    %dma_wait3A_1418 = tpu.memref_slice %dma_wait3A_1415[%dma_wait3A_1416, %dma_wait3A_1417] : memref<256x128xf32, #tpu.memory_space<vmem>> -> memref<128x128xf32, #tpu.memory_space<vmem>>
    tpu.wait_dma2 semaphore(%dma_wait3A_1409 : memref<!tpu.dma_semaphore, #tpu.memory_space<semaphore_mem>>) src(%dma_wait3A_1418 : memref<128x128xf32, #tpu.memory_space<vmem>>) dst(%dma_wait3A_1411 : memref<128x128xf32, #tpu.memory_space<hbm>>)
    return
  }
}

</mosaic_0001>

<sc_bundles>
// kernel: kernel.3.cloned.1.call-start
scs
__scs_entry_jumppad:
0x0: {  	(pc) =	sbr.rel $0x88, $3  }
0x1: {  	(tag) =	ssettag $0x0;
	lr =	simm.s32 $0x1  }
0x2: {  	[smem:$0x3F9F] =	sst lr;
	_ =	strace $0xD0000000  }
0x3: {  	_ = 	snop  }
0x4: {  	_ = 	snop  }
0x5: {  	_ = 	snop  }
0x6: {  	_ = 	snop  }
0x7: {  	_ = 	snop  }
__scs_overlays_trampoline_lowered:
0x8: {  	[smem:$0x3FAE] =	sst s0  }
0x9: {  	[smem:$0x3FAF] =	sst s1  }
0xa: {  	[smem:$0x3FB0] =	sst s2  }
0xb: {  	[smem:$0x3FB1] =	sst s3  }
0xc: {  	[smem:$0x3FB2] =	sst s4  }
0xd: {  	[smem:$0x3FB3] =	sst s5  }
0xe: {  	[smem:$0x3FB4] =	sst s6  }
0xf: {  	[smem:$0x3FB5] =	sst s7  }
0x10: {  	[smem:$0x3FB6] =	sst s8  }
0x11: {  	[smem:$0x3FB7] =	sst s9;
	s0 =	simm.s32 @!p0 $0x0  }
0x12: {  	s1 =	sld [smem:$0x3F9D];
	s0 =	simm.s32 @p0 $0x1  }
0x13: {  	[smem:$0x3FB8] =	sst s0;
	s0 =	simm.s32 @!p1 $0x0  }
0x14: {  	s2 =	sld [smem:$0x3F9C];
	s0 =	simm.s32 @p1 $0x1  }
0x15: {  	[smem:$0x3FB9] =	sst s0;
	s0 =	simm.s32 @!p2 $0x0  }
0x16: {  	s3 =	sld [smem:$0x3FDB];
	s0 =	simm.s32 @p2 $0x1  }
0x17: {  	s4 =	simm.s32 $0x1BF5;
	[smem:$0x3FBB] =	sst s0  }
0x18: {  	s0 =	sld [smem:$0x3F9E];
	_ =	swait.ge [sflag:s4], $0x0  }
0x19: {  	s7 =	sld [smem:$0x3F9F]  }
0x1a: {  	s8 =	sadd.s32 $0xFFFFE003, lr  }
0x1b: {  	s9 =	sadd.s32 $0xFFFFFEF7, lr;
	s5 =	simm.s32 $0xFFFFFFFF;
	p2 =	slt.u32 s8, $0xFFFFF086  }
0x1c: {  	p1 =	slt.u32 s9, $0xF7A;
	s5 =	simm.s32 @!p2 $0x0  }
0x1d: {  	s5 =	simm.s32 @p1 $0x1;
	p0 =	seq.s32 s7, s2  }
0x1e: {  	s7 =	smul.u32 @!p0 $0xF7A, s2;
	p2 =	seq.s32 @!p0 s5, $0x0  }
0x1f: {  	s9 =	smul.u32 $0xF7A, s1;
	s8 =	simm.s32 @!p0 $0x1BF5;
	p2 =	por !p2, p0  }
0x20: {  	[sflag:s8] =	ssyncset.s32 @!p0 $0xFFFFF086;
	s6 =	sadd.s32 @!p0 s3, s7;
	s7 =	simm.s32 @!p0 $0x108  }
0x21: {  	s3 =	sadd.s32 s3, s9;
	s6 =	sadd.s32 @!p0 $0x88, s6;
	s7 =	simm.s32 @p2 $0x1082  }
0x22: {  	[simem:s7], [sflag:s8] =	dma.local @!p0 [hbm:s6], $0xF7A  }
0x23: {  	s9 =	sor.u32 $0xD0000000, s2;
	s6 =	simm.s32 $0x108;
	_ =	swait.ge @!p0 [sflag:s8], $0x0  }
0x24: {  	s3 =	sadd.s32 $0x88, s3;
	s6 =	simm.s32 @!p1 $0x1082;
	[sflag:s4] =	ssyncset.s32 $0xFFFFF086  }
0x25: {  	[simem:s6], [sflag:s4] =	dma.local [hbm:s3], $0xF7A  }
0x26: {  	[smem:$0x3F9F] =	sst s1;
	(tag) =	ssettag s2;
	_ =	strace s9  }
0x27: {  	s1 =	sld [smem:$0x3FAF]  }
0x28: {  	s2 =	sld [smem:$0x3FB0]  }
0x29: {  	s4 =	sld [smem:$0x3FB2]  }
0x2a: {  	p0 =	seq.s32 s5, $0x0;
	s5 =	sld [smem:$0x3FB3]  }
0x2b: {  	s6 =	sld [smem:$0x3FB4]  }
0x2c: {  	s7 =	sld [smem:$0x3FB5]  }
0x2d: {  	s3 =	simm.s32 $0x108;
	s8 =	sld [smem:$0x3FB6]  }
0x2e: {  	s3 =	simm.s32 @!p0 $0x1082;
	s9 =	sld [smem:$0x3FB7]  }
0x2f: {  	lr =	sadd.s32 s0, s3;
	s0 =	sld [smem:$0x3FAE]  }
0x30: {  	s3 =	sld [smem:$0x3FB1]  }
0x31: {  	[smem:$0x3FBA] =	sst s10  }
0x32: {  	s10 =	sld [smem:$0x3FB8];
	_ =	sdelay $0x3  }
0x33: {  	p0 =	seq.s32 s10, $0x1;
	s10 =	sld [smem:$0x3FBA];
	_ =	sdelay $0x3  }
0x34: {  	[smem:$0x3FBA] =	sst s10  }
0x35: {  	s10 =	sld [smem:$0x3FB9];
	_ =	sdelay $0x3  }
0x36: {  	p1 =	seq.s32 s10, $0x1;
	s10 =	sld [smem:$0x3FBA];
	_ =	sdelay $0x3  }
0x37: {  	[smem:$0x3FBA] =	sst s10  }
0x38: {  	s10 =	sld [smem:$0x3FBB]  }
0x39: {  	_ = 	snop;
	(pc) =	sbr.ind lr, $3  }
0x3a: {  	_ = 	snop  }
0x3b: {  	_ = 	snop  }
0x3c: {  	p2 =	seq.s32 s10, $0x1;
	s10 =	sld [smem:$0x3FBA]  }
0x3d: {  	_ =	shalt  }
0x3e: {  	_ =	shalt  }
0x3f: {  	_ =	shalt  }
0x40: {  	_ =	shalt  }
0x41: {  	_ =	shalt  }
0x42: {  	_ =	shalt  }
0x43: {  	_ =	shalt  }
0x44: {  	_ =	shalt  }
0x45: {  	_ =	shalt  }
0x46: {  	_ =	shalt  }
0x47: {  	_ =	shalt  }
0x48: {  	_ =	shalt  }
0x49: {  	_ =	shalt  }
0x4a: {  	_ =	shalt  }
0x4b: {  	_ =	shalt  }
0x4c: {  	_ =	shalt  }
0x4d: {  	_ =	shalt  }
0x4e: {  	_ =	shalt  }
0x4f: {  	_ =	shalt  }
0x50: {  	_ =	shalt  }
0x51: {  	_ =	shalt  }
0x52: {  	_ =	shalt  }
0x53: {  	_ =	shalt  }
0x54: {  	_ =	shalt  }
0x55: {  	_ =	shalt  }
0x56: {  	_ =	shalt  }
0x57: {  	_ =	shalt  }
0x58: {  	_ =	shalt  }
0x59: {  	_ =	shalt  }
0x5a: {  	_ =	shalt  }
0x5b: {  	_ =	shalt  }
0x5c: {  	_ =	shalt  }
0x5d: {  	_ =	shalt  }
0x5e: {  	_ =	shalt  }
0x5f: {  	_ =	shalt  }
0x60: {  	_ =	shalt  }
0x61: {  	_ =	shalt  }
0x62: {  	_ =	shalt  }
0x63: {  	_ =	shalt  }
0x64: {  	_ =	shalt  }
0x65: {  	_ =	shalt  }
0x66: {  	_ =	shalt  }
0x67: {  	_ =	shalt  }
0x68: {  	_ =	shalt  }
0x69: {  	_ =	shalt  }
0x6a: {  	_ =	shalt  }
0x6b: {  	_ =	shalt  }
0x6c: {  	_ =	shalt  }
0x6d: {  	_ =	shalt  }
0x6e: {  	_ =	shalt  }
0x6f: {  	_ =	shalt  }
0x70: {  	_ =	shalt  }
0x71: {  	_ =	shalt  }
0x72: {  	_ =	shalt  }
0x73: {  	_ =	shalt  }
0x74: {  	_ =	shalt  }
0x75: {  	_ =	shalt  }
0x76: {  	_ =	shalt  }
0x77: {  	_ =	shalt  }
0x78: {  	_ =	shalt  }
0x79: {  	_ =	shalt  }
0x7a: {  	_ =	shalt  }
0x7b: {  	_ =	shalt  }
0x7c: {  	_ =	shalt  }
0x7d: {  	_ =	shalt  }
0x7e: {  	_ =	shalt  }
0x7f: {  	_ =	shalt  }
0x80: {  	_ =	shalt  }
0x81: {  	_ =	shalt  }
0x82: {  	_ =	shalt  }
0x83: {  	_ =	shalt  }
0x84: {  	_ =	shalt  }
0x85: {  	_ =	shalt  }
0x86: {  	_ =	shalt  }
0x87: {  	_ =	shalt  }
.Lfunc_end0:
.L_simem_size_0:
called_computation_lowered:
.L_overlay_start_0:
0x88: {  	s2 =	sld [smem:$0x3FD9]  }
0x89: {  	s3 =	sld [smem:$0x3FFE];
	_ =	sdelay $0x1  }
0x8a: {  	s1 =	srdreg.scid  }
0x8b: {  	s0 =	sand.u32 $0x1, s1  }
0x8c: {  	s18 =	sshll.u32 s0, $0xA;
	s2 =	sadd.s32 s3, s2  }
0x8d: {  	s2 =	sadd.s32 s2, s18  }
0x8e: {  	[smem:$0x3FC6] =	sst s2  }
0x8f: {  	_ = 	snop  }
0x90: {  	s2 =	sld [smem:$0x3FC9]  }
0x91: {  	s19 =	sld [smem:$0x3FC8]  }
0x92: {  	s4 =	sld [smem:$0x3FD0];
	(tm) =	ssettm $0x1  }
0x93: {  	s5 =	sld [smem:$0x3FFB];
	_ =	sdelay $0x3  }
0x94: {  	_ =	strace s5  }
0x95: {  	s5 =	sld [smem:$0x3FFC];
	_ =	sdelay $0x3  }
0x96: {  	_ =	strace s5  }
0x97: {  	s5 =	sld [smem:$0x3FFD];
	_ =	sdelay $0x3  }
0x98: {  	_ =	strace s5  }
0x99: {  	_ =	strace $0x8FFFFFFF  }
0x9a: {  	s20 =	sld [smem:$0x3FDB];
	_ =	sdelay $0x1  }
0x9b: {  	s6 =	simm.s32 $_scs_section_size  }
0x9c: {  	s7 =	simm.s32 $_size__tile_overlayer_lowered;
	s8 =	simm.s32 $_tile_overlayer_lowered  }
0x9d: {  	s23 =	simm.s32 $0x1BFF;
	s22 =	sshll.u32 s8, $0x1;
	s5 =	sadd.s32 s6, s20  }
0x9e: {  	s9 =	simm.s32 $0x0;
	s21 =	sshll.u32 s7, $0x1;
	s7 =	sadd.s32 s22, s5  }
0x9f: {  	[timem:s9], [sflag:s23] =	dma.local [hbm:s7], s21  }
0xa0: {  	_ =	swait.ge [sflag:s23], s21  }
0xa1: {  	s6 =	ssub.s32 $0x0, s21;
	[sflag:s23] =	ssyncset.done $0x0  }
0xa2: {  	[sflag:s23] =	ssyncadd.s32 s6;
	_ =	sdelay $0x1  }
0xa3: {  	s24 =	simm.s32 $0x1B8B  }
0xa4: {  	_ =	swait.ge [sflag:s24], $0x1  }
0xa5: {  	[sflag:s24] =	ssyncset.done $0x0  }
0xa6: {  	s25 =	simm.s32 $0x1B8E;
	[sflag:s24] =	ssyncadd.s32 $0xFFFFFFFF  }
0xa7: {  	s26 =	simm.s32 $execute0_lowered;
	[smem:$0x3FD2] =	sst s25  }
0xa8: {  	s6 =	sshll.u32 s26, $0x1;
	_ =	strace $0x80000046;
	[dreg:$0x1] =	wrdreg $0xFFFFFFFF  }
0xa9: {  	s28 =	simm.s32 $_size_execute0_lowered;
	s5 =	sadd.s32 s5, s6;
	[dreg:$0x0] =	wrdreg $0x0  }
0xaa: {  	s6 =	sshll.u32 s28, $0x1;
	[dreg:$0x2] =	wrdreg s5  }
0xab: {  	[dreg:$0x3] =	wrdreg s6  }
0xac: {  	[dreg:$0x4] =	wrdreg $0xC0  }
0xad: {  	_ =	task [dreg:s9], $0x5FFFF  }
0xae: {  	[dreg:$0x1] =	wrdreg $0xFFFFFFFF  }
0xaf: {  	[dreg:$0x0] =	wrdreg $0x60  }
0xb0: {  	[dreg:$0x2] =	wrdreg s2  }
0xb1: {  	[dreg:$0x3] =	wrdreg s19  }
0xb2: {  	[dreg:$0x4] =	wrdreg s4  }
0xb3: {  	[dreg:$0x5] =	wrdreg $0x18C800  }
0xb4: {  	[dreg:$0x6] =	wrdreg $0x9  }
0xb5: {  	_ =	task.clear_ibuf [dreg:s9], $0x7FFFF;
	_ =	strace $0x90000046  }
0xb6: {  	s29 =	simm.s32 $0x9;
	_ =	strace $0x80000048  }
0xb7: {  	_ =	swait.ge [sflag:s29], $0x1  }
0xb8: {  	[sflag:s29] =	ssyncadd.s32 $0xFFFFFFFF  }
0xb9: {  	_ =	strace $0x90000048  }
0xba: {  	_ =	sfence  }
0xbb: {  	s30 =	sld [smem:$0x0];
	_ =	sdelay $0x2  }
0xbc: {  	s31 =	sshll.u32 s1, $0xD;
	s1 =	sshrl.u32 s1, $0x2  }
0xbd: {  	s3 =	sand.u32 $0x4000, s31;
	s1 =	sadd.s32 s1, s30  }
0xbe: {  	s0 =	sor.u32 s3, s0;
	s1 =	sshll.u32 s1, $0x11  }
0xbf: {  	s0 =	sor.u32 s1, s0  }
0xc0: {  	s0 =	sadd.s32 $0x8F2B, s0  }
0xc1: {  	[sflag:s0] =	ssyncadd.remote.s32 $0x1  }
0xc2: {  	_ =	sfence.sel $0xFFFF  }
0xc3: {  	[dreg:$0x0] =	wrdreg $0xFFFFFFFF;
	(pc) =	sbr.abs _section_cstart, $3  }
0xc4: {  	[dreg:$0x1] =	wrdreg $0xFFFFFFFF  }
0xc5: {  	_ =	task.clear_ibuf [dreg:s9], $0x2FFFF;
	_ =	strace $0x9FFFFFFF  }
0xc6: {  	(tm) =	ssettm $0x7FFFFFFF  }
0xc7: {  	_ =	shalt  }
tec
execute0_lowered:
.L_overlay_start_1:
0x0: {  	(tag) =	ssettag $0x1  }
0x1: {  	s0 =	rddreg [dreg:$0x0]  }
0x2: {  	s1 =	srdreg.scid;
	s2 =	rddreg [dreg:$0x1]  }
0x3: {  	s3 =	stileid.u32;
	s5 =	rddreg [dreg:$0x2]  }
0x4: {  	s29 =	rddreg [dreg:$0x4];
	s4 =	sand.u32 $0x1, s1;
	s14 =	sshll.u32 s3, $0x1  }
0x5: {  	[dreg:$0x5] =	wrdreg s2;
	s1 =	sor.u32 s4, s14  }
0x6: {  	s2 =	rddreg [dreg:$0x3];
	s6 =	smul.u32 $0xC80, s1;
	s1 =	simm.s32 $0x0  }
0x7: {  	s28 =	simm.s32 $0xA;
	s8 =	simm.s32 $0x180;
	[smem:$0x7FF] =	sst s1  }
0x8: {  	s9 =	simm.s32 $0x200;
	_ =	strace $0x80000047;
	[dreg:$0x15] =	wrdreg s8  }
0x9: {  	s10 =	simm.s32 $0x280;
	s11 =	simm.s32 $0x300;
	[dreg:$0x16] =	wrdreg s9  }
0xa: {  	s12 =	simm.s32 $0x380;
	s13 =	simm.s32 $0x400;
	[dreg:$0x17] =	wrdreg s10  }
0xb: {  	p1 =	por $0x0, $0x0;
	s4 =	ssub.s32 $0x2, s4;
	[dreg:$0x18] =	wrdreg s11  }
0xc: {  	s14 =	simm.s32 $0x480;
	s6 =	smin.u32 s6, $0x17A20;
	[dreg:$0x19] =	wrdreg s12  }
0xd: {  	s25 =	sshrl.u32 s4, $0x1;
	[dreg:$0x1a] =	wrdreg s13;
	s7 =	sshrl.u32 s6, $0x3  }
0xe: {  	[dreg:$0x1b] =	wrdreg s14;
	s6 =	sshll.u32 s6, $0x4;
	s0 =	sadd.s32 s0, s7  }
0xf: {  	s26 =	sadd.s32 s5, s6;
	s6 =	simm.s32 $0x100;
	[dreg:$0x6] =	wrdreg s0  }
0x10: {  	s5 =	ssub.s32 s4, s25;
	s25 =	simm.s32 $0x780;
	[dreg:$0x14] =	wrdreg s6  }
0x11: {  	p0 =	sne.s32 s3, $0x0;
	s15 =	sadd.s32 $0x1000, s26;
	[smem:$0x7FB] =	sst s25  }
0x12: {  	s3 =	simm.s32 $0xC80;
	s16 =	sadd.s32 $0x2000, s26;
	[dreg:$0x7] =	wrdreg s15  }
0x13: {  	s8 =	simm.s32 $0x8C80;
	s17 =	sadd.s32 $0x3000, s26;
	[dreg:$0x8] =	wrdreg s16  }
0x14: {  	s12 =	simm.s32 $0x3;
	s18 =	sadd.s32 $0x4000, s26;
	[dreg:$0x9] =	wrdreg s17  }
0x15: {  	s11 =	simm.s32 $0x4;
	s19 =	sadd.s32 $0x5000, s26;
	[dreg:$0xa] =	wrdreg s18  }
0x16: {  	s9 =	simm.s32 $0x8;
	s20 =	sadd.s32 $0x6000, s26;
	[dreg:$0xb] =	wrdreg s19  }
0x17: {  	s14 =	simm.s32 $0x5;
	s21 =	sadd.s32 $0x7000, s26;
	[dreg:$0xc] =	wrdreg s20  }
0x18: {  	s13 =	simm.s32 $0x6;
	s22 =	sadd.s32 $0x8000, s26;
	[dreg:$0xd] =	wrdreg s21  }
0x19: {  	s10 =	simm.s32 $0x9;
	s23 =	sadd.s32 $0x9000, s26;
	[dreg:$0xe] =	wrdreg s22  }
0x1a: {  	s7 =	simm.s32 $0x80;
	s24 =	sadd.s32 $0xA000, s26;
	[dreg:$0xf] =	wrdreg s23  }
0x1b: {  	s4 =	simm.s32 $0x7;
	s30 =	sadd.s32 $0xB000, s26;
	[dreg:$0x10] =	wrdreg s24  }
0x1c: {  	s31 =	sadd.s32 $0xC000, s26;
	s0 =	sshrl.u32 @!p0 s2, $0x3;
	[dreg:$0x11] =	wrdreg s30  }
0x1d: {  	s6 =	simm.s32 $0x10C80;
	s25 =	simm.s32 $0x900;
	[dreg:$0x12] =	wrdreg s31  }
0x1e: {  	s19 =	smax.u32 s5, $0x1;
	[dreg:$0x13] =	wrdreg s0;
	s20 =	simm.s32 $0x500  }
0x1f: {  	s18 =	simm.s32 $0x4C80;
	s21 =	simm.s32 $0x580;
	[dreg:$0x1c] =	wrdreg s20  }
0x20: {  	s17 =	simm.s32 $0xCC80;
	s22 =	simm.s32 $0x600;
	[dreg:$0x1d] =	wrdreg s21  }
0x21: {  	s23 =	simm.s32 $0x680;
	[dreg:$0x1e] =	wrdreg s22;
	s19 =	sadd.s32 $0xFFFFFFFF, s19  }
0x22: {  	s24 =	simm.s32 $0x700;
	[dreg:$0x1f] =	wrdreg s23;
	p2 =	sne.s32 s19, $0x0  }
.Ltmp0:
0x23: {  	s30 =	simm.s32 $0x800;
	[smem:$0x7FA] =	sst s24;
	(pc) =	sbr.rel @!p2 .LBB2_1-.Ltmp0, $4  }
0x24: {  	s5 =	simm.s32 $0x1;
	s31 =	simm.s32 $0x880;
	[smem:$0x7FC] =	sst s30  }
0x25: {  	s16 =	simm.s32 $0x14C80;
	s15 =	simm.s32 $0x2;
	[smem:$0x7FD] =	sst s31  }
0x26: {  	s24 =	simm.s32 $0x980;
	s23 =	simm.s32 $0xA00;
	s22 =	simm.s32 $0xA80  }
0x27: {  	s21 =	simm.s32 $0xB00;
	s20 =	simm.s32 $0xB80;
	s0 =	rddreg [dreg:$0x13]  }
0x28: {  	s29 =	rddreg [dreg:$0x6]  }
0x29: {  	[tilespmem:s1], [sflag:$0xA] =	stream.linear.gather [hbm4b:s29+s1], $0xC80, $0x38;
	[tilespmem:$0x18D28] =	vst v63  }
0x2a: {  	s31 =	rddreg [dreg:$0x5];
	s30 =	simm.s32 @!p0 $0xB;
	s29 =	simm.s32 @!p0 $0x1C0B  }
0x2b: {  	[spmem:s0], [sflag:s29] =	dma.local @!p0 [hbm:s31], $0x150  }
0x2c: {  	_ =	swait.ge @!p0 [sflag:s30], $0x150  }
0x2d: {  	[sflag:s30] =	ssyncset.done @!p0 $0x0  }
0x2e: {  	[sflag:s30] =	ssyncadd.s32 @!p0 $0xFFFFFEB0  }
0x2f: {  	[bflag:$0x0] =	sbarrier.arrive $0xFFFF  }
0x30: {  	_ =	swait.ge [sflag:s28], $0xC80  }
0x31: {  	[sflag:s28] =	ssyncset.done $0x0  }
0x32: {  	[sflag:s28] =	ssyncadd.s32 $0xFFFFF380  }
0x33: {  	[tilespmem:s3], [sflag:$0x1] =	stream.indirect.gather [spmem:s2], $0x80, s1, s7, $0xb8;
	[tilespmem:$0x18D28] =	vst v63  }
0x34: {  	_ = 	snop  }
0x35: {  	[tilespmem:s18], [sflag:$0x2] =	stream.indirect.gather [spmem:s2], $0x80, s7, s7, $0xb8;
	[tilespmem:$0x18D28] =	vst v63  }
0x36: {  	s0 =	rddreg [dreg:$0x14]  }
0x37: {  	[tilespmem:s8], [sflag:$0x3] =	stream.indirect.gather [spmem:s2], $0x80, s0, s7, $0xb8;
	[tilespmem:$0x18D28] =	vst v63  }
0x38: {  	s31 =	rddreg [dreg:$0x15]  }
0x39: {  	[tilespmem:s17], [sflag:$0x4] =	stream.indirect.gather [spmem:s2], $0x80, s31, s7, $0xb8;
	[tilespmem:$0x18D28] =	vst v63  }
0x3a: {  	s0 =	rddreg [dreg:$0x16]  }
0x3b: {  	[tilespmem:s6], [sflag:$0x5] =	stream.indirect.gather [spmem:s2], $0x80, s0, s7, $0xb8;
	[tilespmem:$0x18D28] =	vst v63  }
0x3c: {  	_ =	swait.ge [sflag:s5], $0x4000  }
0x3d: {  	[sflag:s5] =	ssyncset.done $0x0  }
0x3e: {  	s0 =	rddreg [dreg:$0x17];
	[sflag:s5] =	ssyncadd.s32 $0xFFFFC000  }
0x3f: {  	[tilespmem:s16], [sflag:$0x6] =	stream.indirect.gather [spmem:s2], $0x80, s0, s7, $0xb8;
	[tilespmem:$0x18D28] =	vst v63  }
0x40: {  	_ =	swait.ge [sflag:s15], $0x4000  }
0x41: {  	[sflag:s15] =	ssyncset.done $0x0  }
0x42: {  	[sflag:s15] =	ssyncadd.s32 $0xFFFFC000  }
0x43: {  	[hbm4b:s26+s1] =	stream.linear.scatter [tilespmem:s3], [sflag:$0x7], $0x8000, $0x38;
	[tilespmem:$0x18D28] =	vst v63  }
0x44: {  	_ =	swait.ge [sflag:s4], $0x8000  }
0x45: {  	[sflag:s4] =	ssyncset.done $0x0  }
0x46: {  	s0 =	rddreg [dreg:$0x18];
	[sflag:s4] =	ssyncadd.s32 $0xFFFF8000  }
0x47: {  	[tilespmem:s3], [sflag:$0x1] =	stream.indirect.gather [spmem:s2], $0x80, s0, s7, $0xb8;
	[tilespmem:$0x18D28] =	vst v63  }
0x48: {  	_ =	swait.ge [sflag:s12], $0x4000  }
0x49: {  	[sflag:s12] =	ssyncset.done $0x0  }
0x4a: {  	s0 =	rddreg [dreg:$0x19];
	[sflag:s12] =	ssyncadd.s32 $0xFFFFC000  }
0x4b: {  	[tilespmem:s18], [sflag:$0x2] =	stream.indirect.gather [spmem:s2], $0x80, s0, s7, $0xb8;
	[tilespmem:$0x18D28] =	vst v63  }
0x4c: {  	_ =	swait.ge [sflag:s11], $0x4000  }
0x4d: {  	[sflag:s11] =	ssyncset.done $0x0  }
0x4e: {  	s0 =	rddreg [dreg:$0x7];
	[sflag:s11] =	ssyncadd.s32 $0xFFFFC000  }
0x4f: {  	[hbm4b:s0+s1] =	stream.linear.scatter [tilespmem:s8], [sflag:$0x8], $0x8000, $0x38;
	[tilespmem:$0x18D28] =	vst v63  }
0x50: {  	_ =	swait.ge [sflag:s9], $0x8000  }
0x51: {  	[sflag:s9] =	ssyncset.done $0x0  }
0x52: {  	s0 =	rddreg [dreg:$0x1a];
	[sflag:s9] =	ssyncadd.s32 $0xFFFF8000  }
0x53: {  	[tilespmem:s8], [sflag:$0x3] =	stream.indirect.gather [spmem:s2], $0x80, s0, s7, $0xb8;
	[tilespmem:$0x18D28] =	vst v63  }
0x54: {  	_ =	swait.ge [sflag:s14], $0x4000  }
0x55: {  	[sflag:s14] =	ssyncset.done $0x0  }
0x56: {  	s0 =	rddreg [dreg:$0x1b];
	[sflag:s14] =	ssyncadd.s32 $0xFFFFC000  }
0x57: {  	[tilespmem:s17], [sflag:$0x4] =	stream.indirect.gather [spmem:s2], $0x80, s0, s7, $0xb8;
	[tilespmem:$0x18D28] =	vst v63  }
0x58: {  	_ =	swait.ge [sflag:s13], $0x4000  }
0x59: {  	[sflag:s13] =	ssyncset.done $0x0  }
0x5a: {  	s0 =	rddreg [dreg:$0x8];
	[sflag:s13] =	ssyncadd.s32 $0xFFFFC000  }
0x5b: {  	[hbm4b:s0+s1] =	stream.linear.scatter [tilespmem:s6], [sflag:$0x9], $0x8000, $0x38;
	[tilespmem:$0x18D28] =	vst v63  }
0x5c: {  	_ =	swait.ge [sflag:s10], $0x8000  }
0x5d: {  	[sflag:s10] =	ssyncset.done $0x0  }
0x5e: {  	s0 =	rddreg [dreg:$0x1c];
	[sflag:s10] =	ssyncadd.s32 $0xFFFF8000  }
0x5f: {  	[tilespmem:s6], [sflag:$0x5] =	stream.indirect.gather [spmem:s2], $0x80, s0, s7, $0xb8;
	[tilespmem:$0x18D28] =	vst v63  }
0x60: {  	_ =	swait.ge [sflag:s5], $0x4000  }
0x61: {  	[sflag:s5] =	ssyncset.done $0x0  }
0x62: {  	s0 =	rddreg [dreg:$0x1d];
	[sflag:s5] =	ssyncadd.s32 $0xFFFFC000  }
0x63: {  	[tilespmem:s16], [sflag:$0x6] =	stream.indirect.gather [spmem:s2], $0x80, s0, s7, $0xb8;
	[tilespmem:$0x18D28] =	vst v63  }
0x64: {  	_ =	swait.ge [sflag:s15], $0x4000  }
0x65: {  	[sflag:s15] =	ssyncset.done $0x0  }
0x66: {  	s0 =	rddreg [dreg:$0x9];
	[sflag:s15] =	ssyncadd.s32 $0xFFFFC000  }
0x67: {  	[hbm4b:s0+s1] =	stream.linear.scatter [tilespmem:s3], [sflag:$0x7], $0x8000, $0x38;
	[tilespmem:$0x18D28] =	vst v63  }
0x68: {  	_ =	swait.ge [sflag:s4], $0x8000  }
0x69: {  	[sflag:s4] =	ssyncset.done $0x0  }
0x6a: {  	s0 =	rddreg [dreg:$0x1e];
	[sflag:s4] =	ssyncadd.s32 $0xFFFF8000  }
0x6b: {  	[tilespmem:s3], [sflag:$0x1] =	stream.indirect.gather [spmem:s2], $0x80, s0, s7, $0xb8;
	[tilespmem:$0x18D28] =	vst v63  }
0x6c: {  	_ =	swait.ge [sflag:s12], $0x4000  }
0x6d: {  	[sflag:s12] =	ssyncset.done $0x0  }
0x6e: {  	s0 =	rddreg [dreg:$0x1f];
	[sflag:s12] =	ssyncadd.s32 $0xFFFFC000  }
0x6f: {  	[tilespmem:s18], [sflag:$0x2] =	stream.indirect.gather [spmem:s2], $0x80, s0, s7, $0xb8;
	[tilespmem:$0x18D28] =	vst v63  }
0x70: {  	_ =	swait.ge [sflag:s11], $0x4000  }
0x71: {  	[sflag:s11] =	ssyncset.done $0x0  }
0x72: {  	s0 =	rddreg [dreg:$0xa];
	[sflag:s11] =	ssyncadd.s32 $0xFFFFC000  }
0x73: {  	[hbm4b:s0+s1] =	stream.linear.scatter [tilespmem:s8], [sflag:$0x8], $0x8000, $0x38;
	[tilespmem:$0x18D28] =	vst v63  }
0x74: {  	_ =	swait.ge [sflag:s9], $0x8000  }
0x75: {  	s0 =	sld [smem:$0x7FA]  }
0x76: {  	[sflag:s9] =	ssyncset.done $0x0  }
0x77: {  	[sflag:s9] =	ssyncadd.s32 $0xFFFF8000  }
0x78: {  	[tilespmem:s8], [sflag:$0x3] =	stream.indirect.gather [spmem:s2], $0x80, s0, s7, $0xb8;
	[tilespmem:$0x18D28] =	vst v63  }
0x79: {  	_ =	swait.ge [sflag:s14], $0x4000  }
0x7a: {  	s0 =	sld [smem:$0x7FB]  }
0x7b: {  	[sflag:s14] =	ssyncset.done $0x0  }
0x7c: {  	[sflag:s14] =	ssyncadd.s32 $0xFFFFC000  }
0x7d: {  	[tilespmem:s17], [sflag:$0x4] =	stream.indirect.gather [spmem:s2], $0x80, s0, s7, $0xb8;
	[tilespmem:$0x18D28] =	vst v63  }
0x7e: {  	_ =	swait.ge [sflag:s13], $0x4000  }
0x7f: {  	[sflag:s13] =	ssyncset.done $0x0  }
0x80: {  	s0 =	rddreg [dreg:$0xb];
	[sflag:s13] =	ssyncadd.s32 $0xFFFFC000  }
0x81: {  	[hbm4b:s0+s1] =	stream.linear.scatter [tilespmem:s6], [sflag:$0x9], $0x8000, $0x38;
	[tilespmem:$0x18D28] =	vst v63  }
0x82: {  	_ =	swait.ge [sflag:s10], $0x8000  }
0x83: {  	s0 =	sld [smem:$0x7FC]  }
0x84: {  	[sflag:s10] =	ssyncset.done $0x0  }
0x85: {  	[sflag:s10] =	ssyncadd.s32 $0xFFFF8000  }
0x86: {  	[tilespmem:s6], [sflag:$0x5] =	stream.indirect.gather [spmem:s2], $0x80, s0, s7, $0xb8;
	[tilespmem:$0x18D28] =	vst v63  }
0x87: {  	_ =	swait.ge [sflag:s5], $0x4000  }
0x88: {  	s0 =	sld [smem:$0x7FD]  }
0x89: {  	[sflag:s5] =	ssyncset.done $0x0  }
0x8a: {  	[sflag:s5] =	ssyncadd.s32 $0xFFFFC000  }
0x8b: {  	[tilespmem:s16], [sflag:$0x6] =	stream.indirect.gather [spmem:s2], $0x80, s0, s7, $0xb8;
	[tilespmem:$0x18D28] =	vst v63  }
0x8c: {  	_ =	swait.ge [sflag:s15], $0x4000  }
0x8d: {  	[sflag:s15] =	ssyncset.done $0x0  }
0x8e: {  	s0 =	rddreg [dreg:$0xc];
	[sflag:s15] =	ssyncadd.s32 $0xFFFFC000  }
0x8f: {  	[hbm4b:s0+s1] =	stream.linear.scatter [tilespmem:s3], [sflag:$0x7], $0x8000, $0x38;
	[tilespmem:$0x18D28] =	vst v63  }
0x90: {  	_ =	swait.ge [sflag:s4], $0x8000  }
0x91: {  	[sflag:s4] =	ssyncset.done $0x0  }
0x92: {  	[sflag:s4] =	ssyncadd.s32 $0xFFFF8000  }
0x93: {  	[tilespmem:s3], [sflag:$0x1] =	stream.indirect.gather [spmem:s2], $0x80, s25, s7, $0xb8;
	[tilespmem:$0x18D28] =	vst v63  }
0x94: {  	_ =	swait.ge [sflag:s12], $0x4000  }
0x95: {  	[sflag:s12] =	ssyncset.done $0x0  }
0x96: {  	[sflag:s12] =	ssyncadd.s32 $0xFFFFC000  }
0x97: {  	[tilespmem:s18], [sflag:$0x2] =	stream.indirect.gather [spmem:s2], $0x80, s24, s7, $0xb8;
	[tilespmem:$0x18D28] =	vst v63  }
0x98: {  	_ =	swait.ge [sflag:s11], $0x4000  }
0x99: {  	[sflag:s11] =	ssyncset.done $0x0  }
0x9a: {  	s0 =	rddreg [dreg:$0xd];
	[sflag:s11] =	ssyncadd.s32 $0xFFFFC000  }
0x9b: {  	[hbm4b:s0+s1] =	stream.linear.scatter [tilespmem:s8], [sflag:$0x8], $0x8000, $0x38;
	[tilespmem:$0x18D28] =	vst v63  }
0x9c: {  	_ =	swait.ge [sflag:s9], $0x8000  }
0x9d: {  	[sflag:s9] =	ssyncset.done $0x0  }
0x9e: {  	[sflag:s9] =	ssyncadd.s32 $0xFFFF8000  }
0x9f: {  	[tilespmem:s8], [sflag:$0x3] =	stream.indirect.gather [spmem:s2], $0x80, s23, s7, $0xb8;
	[tilespmem:$0x18D28] =	vst v63  }
0xa0: {  	_ =	swait.ge [sflag:s14], $0x4000  }
0xa1: {  	[sflag:s14] =	ssyncset.done $0x0  }
0xa2: {  	[sflag:s14] =	ssyncadd.s32 $0xFFFFC000  }
0xa3: {  	[tilespmem:s17], [sflag:$0x4] =	stream.indirect.gather [spmem:s2], $0x80, s22, s7, $0xb8;
	[tilespmem:$0x18D28] =	vst v63  }
0xa4: {  	_ =	swait.ge [sflag:s13], $0x4000  }
0xa5: {  	[sflag:s13] =	ssyncset.done $0x0  }
0xa6: {  	s0 =	rddreg [dreg:$0xe];
	[sflag:s13] =	ssyncadd.s32 $0xFFFFC000  }
0xa7: {  	[hbm4b:s0+s1] =	stream.linear.scatter [tilespmem:s6], [sflag:$0x9], $0x8000, $0x38;
	[tilespmem:$0x18D28] =	vst v63  }
0xa8: {  	_ =	swait.ge [sflag:s10], $0x8000  }
0xa9: {  	[sflag:s10] =	ssyncset.done $0x0  }
0xaa: {  	[sflag:s10] =	ssyncadd.s32 $0xFFFF8000  }
0xab: {  	[tilespmem:s6], [sflag:$0x5] =	stream.indirect.gather [spmem:s2], $0x80, s21, s7, $0xb8;
	[tilespmem:$0x18D28] =	vst v63  }
0xac: {  	_ =	swait.ge [sflag:s5], $0x4000  }
0xad: {  	[sflag:s5] =	ssyncset.done $0x0  }
0xae: {  	[sflag:s5] =	ssyncadd.s32 $0xFFFFC000  }
0xaf: {  	[tilespmem:s16], [sflag:$0x6] =	stream.indirect.gather [spmem:s2], $0x80, s20, s7, $0xb8;
	[tilespmem:$0x18D28] =	vst v63  }
0xb0: {  	_ =	swait.ge [sflag:s15], $0x4000  }
0xb1: {  	[sflag:s15] =	ssyncset.done $0x0  }
0xb2: {  	s20 =	rddreg [dreg:$0xf];
	[sflag:s15] =	ssyncadd.s32 $0xFFFFC000  }
0xb3: {  	[hbm4b:s20+s1] =	stream.linear.scatter [tilespmem:s3], [sflag:$0x7], $0x8000, $0x38;
	[tilespmem:$0x18D28] =	vst v63  }
0xb4: {  	_ =	swait.ge [sflag:s4], $0x8000  }
0xb5: {  	[sflag:s4] =	ssyncset.done $0x0  }
0xb6: {  	s20 =	simm.s32 $0xC00;
	[sflag:s4] =	ssyncadd.s32 $0xFFFF8000  }
0xb7: {  	[tilespmem:s3], [sflag:$0x1] =	stream.indirect.gather [spmem:s2], $0x80, s20, s7, $0xb8;
	[tilespmem:$0x18D28] =	vst v63  }
0xb8: {  	_ =	swait.ge [sflag:s12], $0x4000  }
0xb9: {  	[sflag:s12] =	ssyncset.done $0x0  }
0xba: {  	[sflag:s12] =	ssyncadd.s32 $0xFFFFC000  }
0xbb: {  	_ =	swait.ge [sflag:s11], $0x4000  }
0xbc: {  	[sflag:s11] =	ssyncset.done $0x0  }
0xbd: {  	s20 =	rddreg [dreg:$0x10];
	[sflag:s11] =	ssyncadd.s32 $0xFFFFC000  }
0xbe: {  	[hbm4b:s20+s1] =	stream.linear.scatter [tilespmem:s8], [sflag:$0x8], $0x8000, $0x38;
	[tilespmem:$0x18D28] =	vst v63  }
0xbf: {  	_ =	swait.ge [sflag:s14], $0x4000  }
0xc0: {  	[sflag:s14] =	ssyncset.done $0x0  }
0xc1: {  	[sflag:s14] =	ssyncadd.s32 $0xFFFFC000  }
0xc2: {  	_ =	swait.ge [sflag:s13], $0x4000  }
0xc3: {  	[sflag:s13] =	ssyncset.done $0x0  }
0xc4: {  	s20 =	rddreg [dreg:$0x11];
	[sflag:s13] =	ssyncadd.s32 $0xFFFFC000  }
0xc5: {  	[hbm4b:s20+s1] =	stream.linear.scatter [tilespmem:s6], [sflag:$0x9], $0x8000, $0x38;
	[tilespmem:$0x18D28] =	vst v63  }
0xc6: {  	_ =	swait.ge [sflag:s5], $0x4000  }
0xc7: {  	[sflag:s5] =	ssyncset.done $0x0  }
0xc8: {  	s20 =	rddreg [dreg:$0x12];
	[sflag:s5] =	ssyncadd.s32 $0xFFFFC000  }
0xc9: {  	[hbm4b:s20+s1] =	stream.linear.scatter [tilespmem:s3], [sflag:$0x7], $0x4000, $0x38;
	[tilespmem:$0x18D28] =	vst v63  }
0xca: {  	_ =	swait.ge [sflag:s9], $0x8000  }
0xcb: {  	s31 =	sadd.s32 $0xFFFFFFFF, s19;
	[sflag:s9] =	ssyncset.done $0x0  }
0xcc: {  	p2 =	sne.s32 s31, $0x0;
	[sflag:s9] =	ssyncadd.s32 $0xFFFF8000  }
.Ltmp1:
0xcd: {  	_ =	swait.ge [sflag:s10], $0x8000;
	(pc) =	sbr.rel @!p2 .LBB2_3-.Ltmp1, $4  }
0xce: {  	[sflag:s10] =	ssyncset.done $0x0  }
0xcf: {  	[sflag:s10] =	ssyncadd.s32 $0xFFFF8000  }
0xd0: {  	_ =	swait.ge [sflag:s4], $0x4000  }
0xd1: {  	p1 =	por $0x1, $0x1;
	s0 =	rddreg [dreg:$0x13];
	[sflag:s4] =	ssyncset.done $0x0  }
.LBB2_4:
0xd2: {  	s19 =	rddreg [dreg:$0x6]  }
0xd3: {  	[sflag:s4] =	ssyncadd.s32 $0xFFFFC000;
	s20 =	rddreg [dreg:$0x5]  }
0xd4: {  	[tilespmem:s1], [sflag:$0xA] =	stream.linear.gather [hbm4b:s19+s1], $0xC80, $0x38;
	[tilespmem:$0x18D28] =	vst v63  }
0xd5: {  	[spmem:s0], [sflag:s29] =	dma.local @!p0 [hbm:s20], $0x150  }
0xd6: {  	_ =	swait.ge @!p0 [sflag:s30], $0x150  }
0xd7: {  	[sflag:s30] =	ssyncset.done @!p0 $0x0  }
0xd8: {  	[sflag:s30] =	ssyncadd.s32 @!p0 $0xFFFFFEB0  }
0xd9: {  	[bflag:$0x0] =	sbarrier.arrive $0xFFFF  }
0xda: {  	_ =	swait.ge [sflag:s28], $0xC80  }
0xdb: {  	[sflag:s28] =	ssyncset.done $0x0  }
0xdc: {  	[sflag:s28] =	ssyncadd.s32 $0xFFFFF380  }
0xdd: {  	[tilespmem:s3], [sflag:$0x1] =	stream.indirect.gather [spmem:s2], $0x80, s1, s7, $0xb8;
	[tilespmem:$0x18D28] =	vst v63  }
0xde: {  	_ = 	snop  }
0xdf: {  	[tilespmem:s18], [sflag:$0x2] =	stream.indirect.gather [spmem:s2], $0x80, s7, s7, $0xb8;
	[tilespmem:$0x18D28] =	vst v63  }
0xe0: {  	s0 =	rddreg [dreg:$0x14]  }
0xe1: {  	[tilespmem:s8], [sflag:$0x3] =	stream.indirect.gather [spmem:s2], $0x80, s0, s7, $0xb8;
	[tilespmem:$0x18D28] =	vst v63  }
0xe2: {  	s19 =	rddreg [dreg:$0x15]  }
0xe3: {  	[tilespmem:s17], [sflag:$0x4] =	stream.indirect.gather [spmem:s2], $0x80, s19, s7, $0xb8;
	[tilespmem:$0x18D28] =	vst v63  }
0xe4: {  	s0 =	rddreg [dreg:$0x16]  }
0xe5: {  	[tilespmem:s6], [sflag:$0x5] =	stream.indirect.gather [spmem:s2], $0x80, s0, s7, $0xb8;
	[tilespmem:$0x18D28] =	vst v63  }
0xe6: {  	_ =	swait.ge [sflag:s5], $0x4000  }
0xe7: {  	[sflag:s5] =	ssyncset.done $0x0  }
0xe8: {  	s0 =	rddreg [dreg:$0x17];
	[sflag:s5] =	ssyncadd.s32 $0xFFFFC000  }
0xe9: {  	[tilespmem:s16], [sflag:$0x6] =	stream.indirect.gather [spmem:s2], $0x80, s0, s7, $0xb8;
	[tilespmem:$0x18D28] =	vst v63  }
0xea: {  	_ =	swait.ge [sflag:s15], $0x4000  }
0xeb: {  	[sflag:s15] =	ssyncset.done $0x0  }
0xec: {  	[sflag:s15] =	ssyncadd.s32 $0xFFFFC000  }
0xed: {  	[hbm4b:s26+s1] =	stream.linear.scatter [tilespmem:s3], [sflag:$0x7], $0x8000, $0x38;
	[tilespmem:$0x18D28] =	vst v63  }
0xee: {  	_ =	swait.ge [sflag:s4], $0x8000  }
0xef: {  	[sflag:s4] =	ssyncset.done $0x0  }
0xf0: {  	s0 =	rddreg [dreg:$0x18];
	[sflag:s4] =	ssyncadd.s32 $0xFFFF8000  }
0xf1: {  	[tilespmem:s3], [sflag:$0x1] =	stream.indirect.gather [spmem:s2], $0x80, s0, s7, $0xb8;
	[tilespmem:$0x18D28] =	vst v63  }
0xf2: {  	_ =	swait.ge [sflag:s12], $0x4000  }
0xf3: {  	[sflag:s12] =	ssyncset.done $0x0  }
0xf4: {  	s0 =	rddreg [dreg:$0x19];
	[sflag:s12] =	ssyncadd.s32 $0xFFFFC000  }
0xf5: {  	[tilespmem:s18], [sflag:$0x2] =	stream.indirect.gather [spmem:s2], $0x80, s0, s7, $0xb8;
	[tilespmem:$0x18D28] =	vst v63  }
0xf6: {  	_ =	swait.ge [sflag:s11], $0x4000  }
0xf7: {  	[sflag:s11] =	ssyncset.done $0x0  }
0xf8: {  	s0 =	rddreg [dreg:$0x7];
	[sflag:s11] =	ssyncadd.s32 $0xFFFFC000  }
0xf9: {  	[hbm4b:s0+s1] =	stream.linear.scatter [tilespmem:s8], [sflag:$0x8], $0x8000, $0x38;
	[tilespmem:$0x18D28] =	vst v63  }
0xfa: {  	_ =	swait.ge [sflag:s9], $0x8000  }
0xfb: {  	[sflag:s9] =	ssyncset.done $0x0  }
0xfc: {  	s0 =	rddreg [dreg:$0x1a];
	[sflag:s9] =	ssyncadd.s32 $0xFFFF8000  }
0xfd: {  	[tilespmem:s8], [sflag:$0x3] =	stream.indirect.gather [spmem:s2], $0x80, s0, s7, $0xb8;
	[tilespmem:$0x18D28] =	vst v63  }
0xfe: {  	_ =	swait.ge [sflag:s14], $0x4000  }
0xff: {  	[sflag:s14] =	ssyncset.done $0x0  }
0x100: {  	s0 =	rddreg [dreg:$0x1b];
	[sflag:s14] =	ssyncadd.s32 $0xFFFFC000  }
0x101: {  	[tilespmem:s17], [sflag:$0x4] =	stream.indirect.gather [spmem:s2], $0x80, s0, s7, $0xb8;
	[tilespmem:$0x18D28] =	vst v63  }
0x102: {  	_ =	swait.ge [sflag:s13], $0x4000  }
0x103: {  	[sflag:s13] =	ssyncset.done $0x0  }
0x104: {  	s0 =	rddreg [dreg:$0x8];
	[sflag:s13] =	ssyncadd.s32 $0xFFFFC000  }
0x105: {  	[hbm4b:s0+s1] =	stream.linear.scatter [tilespmem:s6], [sflag:$0x9], $0x8000, $0x38;
	[tilespmem:$0x18D28] =	vst v63  }
0x106: {  	_ =	swait.ge [sflag:s10], $0x8000  }
0x107: {  	[sflag:s10] =	ssyncset.done $0x0  }
0x108: {  	s0 =	rddreg [dreg:$0x1c];
	[sflag:s10] =	ssyncadd.s32 $0xFFFF8000  }
0x109: {  	[tilespmem:s6], [sflag:$0x5] =	stream.indirect.gather [spmem:s2], $0x80, s0, s7, $0xb8;
	[tilespmem:$0x18D28] =	vst v63  }
0x10a: {  	_ =	swait.ge [sflag:s5], $0x4000  }
0x10b: {  	[sflag:s5] =	ssyncset.done $0x0  }
0x10c: {  	s0 =	rddreg [dreg:$0x1d];
	[sflag:s5] =	ssyncadd.s32 $0xFFFFC000  }
0x10d: {  	[tilespmem:s16], [sflag:$0x6] =	stream.indirect.gather [spmem:s2], $0x80, s0, s7, $0xb8;
	[tilespmem:$0x18D28] =	vst v63  }
0x10e: {  	_ =	swait.ge [sflag:s15], $0x4000  }
0x10f: {  	[sflag:s15] =	ssyncset.done $0x0  }
0x110: {  	s0 =	rddreg [dreg:$0x9];
	[sflag:s15] =	ssyncadd.s32 $0xFFFFC000  }
0x111: {  	[hbm4b:s0+s1] =	stream.linear.scatter [tilespmem:s3], [sflag:$0x7], $0x8000, $0x38;
	[tilespmem:$0x18D28] =	vst v63  }
0x112: {  	_ =	swait.ge [sflag:s4], $0x8000  }
0x113: {  	[sflag:s4] =	ssyncset.done $0x0  }
0x114: {  	s0 =	rddreg [dreg:$0x1e];
	[sflag:s4] =	ssyncadd.s32 $0xFFFF8000  }
0x115: {  	[tilespmem:s3], [sflag:$0x1] =	stream.indirect.gather [spmem:s2], $0x80, s0, s7, $0xb8;
	[tilespmem:$0x18D28] =	vst v63  }
0x116: {  	_ =	swait.ge [sflag:s12], $0x4000  }
0x117: {  	[sflag:s12] =	ssyncset.done $0x0  }
0x118: {  	s0 =	rddreg [dreg:$0x1f];
	[sflag:s12] =	ssyncadd.s32 $0xFFFFC000  }
0x119: {  	[tilespmem:s18], [sflag:$0x2] =	stream.indirect.gather [spmem:s2], $0x80, s0, s7, $0xb8;
	[tilespmem:$0x18D28] =	vst v63  }
0x11a: {  	_ =	swait.ge [sflag:s11], $0x4000  }
0x11b: {  	[sflag:s11] =	ssyncset.done $0x0  }
0x11c: {  	s0 =	rddreg [dreg:$0xa];
	[sflag:s11] =	ssyncadd.s32 $0xFFFFC000  }
0x11d: {  	[hbm4b:s0+s1] =	stream.linear.scatter [tilespmem:s8], [sflag:$0x8], $0x8000, $0x38;
	[tilespmem:$0x18D28] =	vst v63  }
0x11e: {  	_ =	swait.ge [sflag:s9], $0x8000  }
0x11f: {  	s0 =	sld [smem:$0x7FA]  }
0x120: {  	[sflag:s9] =	ssyncset.done $0x0  }
0x121: {  	[sflag:s9] =	ssyncadd.s32 $0xFFFF8000  }
0x122: {  	[tilespmem:s8], [sflag:$0x3] =	stream.indirect.gather [spmem:s2], $0x80, s0, s7, $0xb8;
	[tilespmem:$0x18D28] =	vst v63  }
0x123: {  	_ =	swait.ge [sflag:s14], $0x4000  }
0x124: {  	s0 =	sld [smem:$0x7FB]  }
0x125: {  	[sflag:s14] =	ssyncset.done $0x0  }
0x126: {  	[sflag:s14] =	ssyncadd.s32 $0xFFFFC000  }
0x127: {  	[tilespmem:s17], [sflag:$0x4] =	stream.indirect.gather [spmem:s2], $0x80, s0, s7, $0xb8;
	[tilespmem:$0x18D28] =	vst v63  }
0x128: {  	_ =	swait.ge [sflag:s13], $0x4000  }
0x129: {  	[sflag:s13] =	ssyncset.done $0x0  }
0x12a: {  	s0 =	rddreg [dreg:$0xb];
	[sflag:s13] =	ssyncadd.s32 $0xFFFFC000  }
0x12b: {  	[hbm4b:s0+s1] =	stream.linear.scatter [tilespmem:s6], [sflag:$0x9], $0x8000, $0x38;
	[tilespmem:$0x18D28] =	vst v63  }
0x12c: {  	_ =	swait.ge [sflag:s10], $0x8000  }
0x12d: {  	s0 =	sld [smem:$0x7FC]  }
0x12e: {  	[sflag:s10] =	ssyncset.done $0x0  }
0x12f: {  	[sflag:s10] =	ssyncadd.s32 $0xFFFF8000  }
0x130: {  	[tilespmem:s6], [sflag:$0x5] =	stream.indirect.gather [spmem:s2], $0x80, s0, s7, $0xb8;
	[tilespmem:$0x18D28] =	vst v63  }
0x131: {  	_ =	swait.ge [sflag:s5], $0x4000  }
0x132: {  	s0 =	sld [smem:$0x7FD]  }
0x133: {  	[sflag:s5] =	ssyncset.done $0x0  }
0x134: {  	[sflag:s5] =	ssyncadd.s32 $0xFFFFC000  }
0x135: {  	[tilespmem:s16], [sflag:$0x6] =	stream.indirect.gather [spmem:s2], $0x80, s0, s7, $0xb8;
	[tilespmem:$0x18D28] =	vst v63  }
0x136: {  	_ =	swait.ge [sflag:s15], $0x4000  }
0x137: {  	[sflag:s15] =	ssyncset.done $0x0  }
0x138: {  	s0 =	rddreg [dreg:$0xc];
	[sflag:s15] =	ssyncadd.s32 $0xFFFFC000  }
0x139: {  	[hbm4b:s0+s1] =	stream.linear.scatter [tilespmem:s3], [sflag:$0x7], $0x8000, $0x38;
	[tilespmem:$0x18D28] =	vst v63  }
0x13a: {  	_ =	swait.ge [sflag:s4], $0x8000  }
0x13b: {  	[sflag:s4] =	ssyncset.done $0x0  }
0x13c: {  	[sflag:s4] =	ssyncadd.s32 $0xFFFF8000  }
0x13d: {  	[tilespmem:s3], [sflag:$0x1] =	stream.indirect.gather [spmem:s2], $0x80, s25, s7, $0xb8;
	[tilespmem:$0x18D28] =	vst v63  }
0x13e: {  	_ =	swait.ge [sflag:s12], $0x4000  }
0x13f: {  	[sflag:s12] =	ssyncset.done $0x0  }
0x140: {  	[sflag:s12] =	ssyncadd.s32 $0xFFFFC000  }
0x141: {  	[tilespmem:s18], [sflag:$0x2] =	stream.indirect.gather [spmem:s2], $0x80, s24, s7, $0xb8;
	[tilespmem:$0x18D28] =	vst v63  }
0x142: {  	_ =	swait.ge [sflag:s11], $0x4000  }
0x143: {  	[sflag:s11] =	ssyncset.done $0x0  }
0x144: {  	s0 =	rddreg [dreg:$0xd];
	[sflag:s11] =	ssyncadd.s32 $0xFFFFC000  }
0x145: {  	[hbm4b:s0+s1] =	stream.linear.scatter [tilespmem:s8], [sflag:$0x8], $0x8000, $0x38;
	[tilespmem:$0x18D28] =	vst v63  }
0x146: {  	_ =	swait.ge [sflag:s9], $0x8000  }
0x147: {  	[sflag:s9] =	ssyncset.done $0x0  }
0x148: {  	[sflag:s9] =	ssyncadd.s32 $0xFFFF8000  }
0x149: {  	[tilespmem:s8], [sflag:$0x3] =	stream.indirect.gather [spmem:s2], $0x80, s23, s7, $0xb8;
	[tilespmem:$0x18D28] =	vst v63  }
0x14a: {  	_ =	swait.ge [sflag:s14], $0x4000  }
0x14b: {  	[sflag:s14] =	ssyncset.done $0x0  }
0x14c: {  	[sflag:s14] =	ssyncadd.s32 $0xFFFFC000  }
0x14d: {  	[tilespmem:s17], [sflag:$0x4] =	stream.indirect.gather [spmem:s2], $0x80, s22, s7, $0xb8;
	[tilespmem:$0x18D28] =	vst v63  }
0x14e: {  	_ =	swait.ge [sflag:s13], $0x4000  }
0x14f: {  	[sflag:s13] =	ssyncset.done $0x0  }
0x150: {  	s0 =	rddreg [dreg:$0xe];
	[sflag:s13] =	ssyncadd.s32 $0xFFFFC000  }
0x151: {  	[hbm4b:s0+s1] =	stream.linear.scatter [tilespmem:s6], [sflag:$0x9], $0x8000, $0x38;
	[tilespmem:$0x18D28] =	vst v63  }
0x152: {  	_ =	swait.ge [sflag:s10], $0x8000  }
0x153: {  	[sflag:s10] =	ssyncset.done $0x0  }
0x154: {  	[sflag:s10] =	ssyncadd.s32 $0xFFFF8000  }
0x155: {  	[tilespmem:s6], [sflag:$0x5] =	stream.indirect.gather [spmem:s2], $0x80, s21, s7, $0xb8;
	[tilespmem:$0x18D28] =	vst v63  }
0x156: {  	_ =	swait.ge [sflag:s5], $0x4000  }
0x157: {  	[sflag:s5] =	ssyncset.done $0x0  }
0x158: {  	s20 =	simm.s32 $0xB80;
	[sflag:s5] =	ssyncadd.s32 $0xFFFFC000  }
0x159: {  	[tilespmem:s16], [sflag:$0x6] =	stream.indirect.gather [spmem:s2], $0x80, s20, s7, $0xb8;
	[tilespmem:$0x18D28] =	vst v63  }
0x15a: {  	_ =	swait.ge [sflag:s15], $0x4000  }
0x15b: {  	[sflag:s15] =	ssyncset.done $0x0  }
0x15c: {  	s20 =	rddreg [dreg:$0xf];
	[sflag:s15] =	ssyncadd.s32 $0xFFFFC000  }
0x15d: {  	[hbm4b:s20+s1] =	stream.linear.scatter [tilespmem:s3], [sflag:$0x7], $0x8000, $0x38;
	[tilespmem:$0x18D28] =	vst v63  }
0x15e: {  	_ =	swait.ge [sflag:s4], $0x8000  }
0x15f: {  	[sflag:s4] =	ssyncset.done $0x0  }
0x160: {  	s19 =	simm.s32 $0xC00;
	[sflag:s4] =	ssyncadd.s32 $0xFFFF8000  }
0x161: {  	[tilespmem:s3], [sflag:$0x1] =	stream.indirect.gather [spmem:s2], $0x80, s19, s7, $0xb8;
	[tilespmem:$0x18D28] =	vst v63  }
0x162: {  	_ =	swait.ge [sflag:s12], $0x4000  }
0x163: {  	[sflag:s12] =	ssyncset.done $0x0  }
0x164: {  	[sflag:s12] =	ssyncadd.s32 $0xFFFFC000  }
0x165: {  	_ =	swait.ge [sflag:s11], $0x4000  }
0x166: {  	[sflag:s11] =	ssyncset.done $0x0  }
0x167: {  	s20 =	rddreg [dreg:$0x10];
	[sflag:s11] =	ssyncadd.s32 $0xFFFFC000  }
0x168: {  	[hbm4b:s20+s1] =	stream.linear.scatter [tilespmem:s8], [sflag:$0x8], $0x8000, $0x38;
	[tilespmem:$0x18D28] =	vst v63  }
0x169: {  	_ =	swait.ge [sflag:s14], $0x4000  }
0x16a: {  	[sflag:s14] =	ssyncset.done $0x0  }
0x16b: {  	[sflag:s14] =	ssyncadd.s32 $0xFFFFC000  }
0x16c: {  	_ =	swait.ge [sflag:s13], $0x4000  }
0x16d: {  	[sflag:s13] =	ssyncset.done $0x0  }
0x16e: {  	s19 =	rddreg [dreg:$0x11];
	[sflag:s13] =	ssyncadd.s32 $0xFFFFC000  }
0x16f: {  	[hbm4b:s19+s1] =	stream.linear.scatter [tilespmem:s6], [sflag:$0x9], $0x8000, $0x38;
	[tilespmem:$0x18D28] =	vst v63  }
0x170: {  	_ =	swait.ge [sflag:s5], $0x4000  }
0x171: {  	[sflag:s5] =	ssyncset.done $0x0  }
0x172: {  	s20 =	rddreg [dreg:$0x12];
	[sflag:s5] =	ssyncadd.s32 $0xFFFFC000  }
0x173: {  	[hbm4b:s20+s1] =	stream.linear.scatter [tilespmem:s3], [sflag:$0x7], $0x4000, $0x38;
	[tilespmem:$0x18D28] =	vst v63  }
0x174: {  	_ =	swait.ge [sflag:s9], $0x8000  }
0x175: {  	s31 =	sadd.s32 $0xFFFFFFFF, s31;
	[sflag:s9] =	ssyncset.done $0x0  }
0x176: {  	p2 =	sne.s32 s31, $0x0;
	[sflag:s9] =	ssyncadd.s32 $0xFFFF8000  }
.Ltmp2:
0x177: {  	_ =	swait.ge [sflag:s10], $0x8000;
	(pc) =	sbr.rel @p2 .LBB2_4-.Ltmp2, $4  }
0x178: {  	[sflag:s10] =	ssyncset.done $0x0  }
0x179: {  	[sflag:s10] =	ssyncadd.s32 $0xFFFF8000  }
0x17a: {  	_ =	swait.ge [sflag:s4], $0x4000  }
0x17b: {  	s0 =	rddreg [dreg:$0x13];
	[sflag:s4] =	ssyncset.done $0x0  }
0x17c: {  	s31 =	simm.s32 $0xB80;
	s30 =	simm.s32 $0xC00;
	s29 =	rddreg [dreg:$0x4]  }
.LBB2_6:
0x17d: {  	s19 =	rddreg [dreg:$0x6];
	[sflag:s4] =	ssyncadd.s32 @p1 $0xFFFFC000  }
0x17e: {  	[tilespmem:s1], [sflag:$0xA] =	stream.linear.gather [hbm4b:s19+s1], $0xC80, $0x38;
	[tilespmem:$0x18D28] =	vst v63  }
0x17f: {  	s20 =	rddreg [dreg:$0x5];
	s19 =	simm.s32 @!p0 $0x1C0B  }
0x180: {  	[spmem:s0], [sflag:s19] =	dma.local @!p0 [hbm:s20], $0x150  }
0x181: {  	s0 =	simm.s32 @!p0 $0xB  }
0x182: {  	_ =	swait.ge @!p0 [sflag:s0], $0x150  }
0x183: {  	[sflag:s0] =	ssyncset.done @!p0 $0x0  }
0x184: {  	[sflag:s0] =	ssyncadd.s32 @!p0 $0xFFFFFEB0  }
0x185: {  	[bflag:$0x0] =	sbarrier.arrive $0xFFFF  }
0x186: {  	_ =	swait.ge [sflag:s28], $0xC80  }
0x187: {  	[sflag:s28] =	ssyncset.done $0x0  }
0x188: {  	[sflag:s28] =	ssyncadd.s32 $0xFFFFF380  }
0x189: {  	[tilespmem:s3], [sflag:$0x1] =	stream.indirect.gather [spmem:s2], $0x80, s1, s7, $0xb8;
	[tilespmem:$0x18D28] =	vst v63  }
0x18a: {  	_ = 	snop  }
0x18b: {  	[tilespmem:s18], [sflag:$0x2] =	stream.indirect.gather [spmem:s2], $0x80, s7, s7, $0xb8;
	[tilespmem:$0x18D28] =	vst v63  }
0x18c: {  	s20 =	rddreg [dreg:$0x14]  }
0x18d: {  	[tilespmem:s8], [sflag:$0x3] =	stream.indirect.gather [spmem:s2], $0x80, s20, s7, $0xb8;
	[tilespmem:$0x18D28] =	vst v63  }
0x18e: {  	s28 =	rddreg [dreg:$0x15]  }
0x18f: {  	[tilespmem:s17], [sflag:$0x4] =	stream.indirect.gather [spmem:s2], $0x80, s28, s7, $0xb8;
	[tilespmem:$0x18D28] =	vst v63  }
0x190: {  	s20 =	rddreg [dreg:$0x16]  }
0x191: {  	[tilespmem:s6], [sflag:$0x5] =	stream.indirect.gather [spmem:s2], $0x80, s20, s7, $0xb8;
	[tilespmem:$0x18D28] =	vst v63  }
0x192: {  	_ =	swait.ge [sflag:s5], $0x4000  }
0x193: {  	[sflag:s5] =	ssyncset.done $0x0  }
0x194: {  	s28 =	rddreg [dreg:$0x17];
	[sflag:s5] =	ssyncadd.s32 $0xFFFFC000  }
0x195: {  	[tilespmem:s16], [sflag:$0x6] =	stream.indirect.gather [spmem:s2], $0x80, s28, s7, $0xb8;
	[tilespmem:$0x18D28] =	vst v63  }
0x196: {  	_ =	swait.ge [sflag:s15], $0x4000  }
0x197: {  	[sflag:s15] =	ssyncset.done $0x0  }
0x198: {  	[sflag:s15] =	ssyncadd.s32 $0xFFFFC000  }
0x199: {  	[hbm4b:s26+s1] =	stream.linear.scatter [tilespmem:s3], [sflag:$0x7], $0x8000, $0x38;
	[tilespmem:$0x18D28] =	vst v63  }
0x19a: {  	_ =	swait.ge [sflag:s4], $0x8000  }
0x19b: {  	[sflag:s4] =	ssyncset.done $0x0  }
0x19c: {  	s19 =	rddreg [dreg:$0x18];
	[sflag:s4] =	ssyncadd.s32 $0xFFFF8000  }
0x19d: {  	[tilespmem:s3], [sflag:$0x1] =	stream.indirect.gather [spmem:s2], $0x80, s19, s7, $0xb8;
	[tilespmem:$0x18D28] =	vst v63  }
0x19e: {  	_ =	swait.ge [sflag:s12], $0x4000  }
0x19f: {  	[sflag:s12] =	ssyncset.done $0x0  }
0x1a0: {  	s20 =	rddreg [dreg:$0x19];
	[sflag:s12] =	ssyncadd.s32 $0xFFFFC000  }
0x1a1: {  	[tilespmem:s18], [sflag:$0x2] =	stream.indirect.gather [spmem:s2], $0x80, s20, s7, $0xb8;
	[tilespmem:$0x18D28] =	vst v63  }
0x1a2: {  	_ =	swait.ge [sflag:s11], $0x4000  }
0x1a3: {  	[sflag:s11] =	ssyncset.done $0x0  }
0x1a4: {  	s26 =	rddreg [dreg:$0x7];
	[sflag:s11] =	ssyncadd.s32 $0xFFFFC000  }
0x1a5: {  	[hbm4b:s26+s1] =	stream.linear.scatter [tilespmem:s8], [sflag:$0x8], $0x8000, $0x38;
	[tilespmem:$0x18D28] =	vst v63  }
0x1a6: {  	_ =	swait.ge [sflag:s9], $0x8000  }
0x1a7: {  	[sflag:s9] =	ssyncset.done $0x0  }
0x1a8: {  	s28 =	rddreg [dreg:$0x1a];
	[sflag:s9] =	ssyncadd.s32 $0xFFFF8000  }
0x1a9: {  	[tilespmem:s8], [sflag:$0x3] =	stream.indirect.gather [spmem:s2], $0x80, s28, s7, $0xb8;
	[tilespmem:$0x18D28] =	vst v63  }
0x1aa: {  	_ =	swait.ge [sflag:s14], $0x4000  }
0x1ab: {  	[sflag:s14] =	ssyncset.done $0x0  }
0x1ac: {  	s19 =	rddreg [dreg:$0x1b];
	[sflag:s14] =	ssyncadd.s32 $0xFFFFC000  }
0x1ad: {  	[tilespmem:s17], [sflag:$0x4] =	stream.indirect.gather [spmem:s2], $0x80, s19, s7, $0xb8;
	[tilespmem:$0x18D28] =	vst v63  }
0x1ae: {  	_ =	swait.ge [sflag:s13], $0x4000  }
0x1af: {  	[sflag:s13] =	ssyncset.done $0x0  }
0x1b0: {  	s20 =	rddreg [dreg:$0x8];
	[sflag:s13] =	ssyncadd.s32 $0xFFFFC000  }
0x1b1: {  	[hbm4b:s20+s1] =	stream.linear.scatter [tilespmem:s6], [sflag:$0x9], $0x8000, $0x38;
	[tilespmem:$0x18D28] =	vst v63  }
0x1b2: {  	_ =	swait.ge [sflag:s10], $0x8000  }
0x1b3: {  	[sflag:s10] =	ssyncset.done $0x0  }
0x1b4: {  	s26 =	rddreg [dreg:$0x1c];
	[sflag:s10] =	ssyncadd.s32 $0xFFFF8000  }
0x1b5: {  	[tilespmem:s6], [sflag:$0x5] =	stream.indirect.gather [spmem:s2], $0x80, s26, s7, $0xb8;
	[tilespmem:$0x18D28] =	vst v63  }
0x1b6: {  	_ =	swait.ge [sflag:s5], $0x4000  }
0x1b7: {  	[sflag:s5] =	ssyncset.done $0x0  }
0x1b8: {  	s28 =	rddreg [dreg:$0x1d];
	[sflag:s5] =	ssyncadd.s32 $0xFFFFC000  }
0x1b9: {  	[tilespmem:s16], [sflag:$0x6] =	stream.indirect.gather [spmem:s2], $0x80, s28, s7, $0xb8;
	[tilespmem:$0x18D28] =	vst v63  }
0x1ba: {  	_ =	swait.ge [sflag:s15], $0x4000  }
0x1bb: {  	[sflag:s15] =	ssyncset.done $0x0  }
0x1bc: {  	s19 =	rddreg [dreg:$0x9];
	[sflag:s15] =	ssyncadd.s32 $0xFFFFC000  }
0x1bd: {  	[hbm4b:s19+s1] =	stream.linear.scatter [tilespmem:s3], [sflag:$0x7], $0x8000, $0x38;
	[tilespmem:$0x18D28] =	vst v63  }
0x1be: {  	_ =	swait.ge [sflag:s4], $0x8000  }
0x1bf: {  	[sflag:s4] =	ssyncset.done $0x0  }
0x1c0: {  	s20 =	rddreg [dreg:$0x1e];
	[sflag:s4] =	ssyncadd.s32 $0xFFFF8000  }
0x1c1: {  	[tilespmem:s3], [sflag:$0x1] =	stream.indirect.gather [spmem:s2], $0x80, s20, s7, $0xb8;
	[tilespmem:$0x18D28] =	vst v63  }
0x1c2: {  	_ =	swait.ge [sflag:s12], $0x4000  }
0x1c3: {  	[sflag:s12] =	ssyncset.done $0x0  }
0x1c4: {  	s26 =	rddreg [dreg:$0x1f];
	[sflag:s12] =	ssyncadd.s32 $0xFFFFC000  }
0x1c5: {  	[tilespmem:s18], [sflag:$0x2] =	stream.indirect.gather [spmem:s2], $0x80, s26, s7, $0xb8;
	[tilespmem:$0x18D28] =	vst v63  }
0x1c6: {  	_ =	swait.ge [sflag:s11], $0x4000  }
0x1c7: {  	[sflag:s11] =	ssyncset.done $0x0  }
0x1c8: {  	s28 =	rddreg [dreg:$0xa];
	[sflag:s11] =	ssyncadd.s32 $0xFFFFC000  }
0x1c9: {  	[hbm4b:s28+s1] =	stream.linear.scatter [tilespmem:s8], [sflag:$0x8], $0x8000, $0x38;
	[tilespmem:$0x18D28] =	vst v63  }
0x1ca: {  	_ =	swait.ge [sflag:s9], $0x8000  }
0x1cb: {  	s19 =	sld [smem:$0x7FA]  }
0x1cc: {  	[sflag:s9] =	ssyncset.done $0x0  }
0x1cd: {  	[sflag:s9] =	ssyncadd.s32 $0xFFFF8000  }
0x1ce: {  	[tilespmem:s8], [sflag:$0x3] =	stream.indirect.gather [spmem:s2], $0x80, s19, s7, $0xb8;
	[tilespmem:$0x18D28] =	vst v63  }
0x1cf: {  	_ =	swait.ge [sflag:s14], $0x4000  }
0x1d0: {  	s20 =	sld [smem:$0x7FB]  }
0x1d1: {  	[sflag:s14] =	ssyncset.done $0x0  }
0x1d2: {  	[sflag:s14] =	ssyncadd.s32 $0xFFFFC000  }
0x1d3: {  	[tilespmem:s17], [sflag:$0x4] =	stream.indirect.gather [spmem:s2], $0x80, s20, s7, $0xb8;
	[tilespmem:$0x18D28] =	vst v63  }
0x1d4: {  	_ =	swait.ge [sflag:s13], $0x4000  }
0x1d5: {  	[sflag:s13] =	ssyncset.done $0x0  }
0x1d6: {  	s26 =	rddreg [dreg:$0xb];
	[sflag:s13] =	ssyncadd.s32 $0xFFFFC000  }
0x1d7: {  	[hbm4b:s26+s1] =	stream.linear.scatter [tilespmem:s6], [sflag:$0x9], $0x8000, $0x38;
	[tilespmem:$0x18D28] =	vst v63  }
0x1d8: {  	_ =	swait.ge [sflag:s10], $0x8000  }
0x1d9: {  	s28 =	sld [smem:$0x7FC]  }
0x1da: {  	[sflag:s10] =	ssyncset.done $0x0  }
0x1db: {  	[sflag:s10] =	ssyncadd.s32 $0xFFFF8000  }
0x1dc: {  	[tilespmem:s6], [sflag:$0x5] =	stream.indirect.gather [spmem:s2], $0x80, s28, s7, $0xb8;
	[tilespmem:$0x18D28] =	vst v63  }
0x1dd: {  	_ =	swait.ge [sflag:s5], $0x4000  }
0x1de: {  	s19 =	sld [smem:$0x7FD]  }
0x1df: {  	[sflag:s5] =	ssyncset.done $0x0  }
0x1e0: {  	[sflag:s5] =	ssyncadd.s32 $0xFFFFC000  }
0x1e1: {  	[tilespmem:s16], [sflag:$0x6] =	stream.indirect.gather [spmem:s2], $0x80, s19, s7, $0xb8;
	[tilespmem:$0x18D28] =	vst v63  }
0x1e2: {  	_ =	swait.ge [sflag:s15], $0x4000  }
0x1e3: {  	[sflag:s15] =	ssyncset.done $0x0  }
0x1e4: {  	s20 =	rddreg [dreg:$0xc];
	[sflag:s15] =	ssyncadd.s32 $0xFFFFC000  }
0x1e5: {  	[hbm4b:s20+s1] =	stream.linear.scatter [tilespmem:s3], [sflag:$0x7], $0x8000, $0x38;
	[tilespmem:$0x18D28] =	vst v63  }
0x1e6: {  	_ =	swait.ge [sflag:s4], $0x8000  }
0x1e7: {  	[sflag:s4] =	ssyncset.done $0x0  }
0x1e8: {  	[sflag:s4] =	ssyncadd.s32 $0xFFFF8000  }
0x1e9: {  	[tilespmem:s3], [sflag:$0x1] =	stream.indirect.gather [spmem:s2], $0x80, s25, s7, $0xb8;
	[tilespmem:$0x18D28] =	vst v63  }
0x1ea: {  	_ =	swait.ge [sflag:s12], $0x4000  }
0x1eb: {  	[sflag:s12] =	ssyncset.done $0x0  }
0x1ec: {  	[sflag:s12] =	ssyncadd.s32 $0xFFFFC000  }
0x1ed: {  	[tilespmem:s18], [sflag:$0x2] =	stream.indirect.gather [spmem:s2], $0x80, s24, s7, $0xb8;
	[tilespmem:$0x18D28] =	vst v63  }
0x1ee: {  	_ =	swait.ge [sflag:s11], $0x4000  }
0x1ef: {  	[sflag:s11] =	ssyncset.done $0x0  }
0x1f0: {  	s24 =	rddreg [dreg:$0xd];
	[sflag:s11] =	ssyncadd.s32 $0xFFFFC000  }
0x1f1: {  	[hbm4b:s24+s1] =	stream.linear.scatter [tilespmem:s8], [sflag:$0x8], $0x8000, $0x38;
	[tilespmem:$0x18D28] =	vst v63  }
0x1f2: {  	_ =	swait.ge [sflag:s9], $0x8000  }
0x1f3: {  	[sflag:s9] =	ssyncset.done $0x0  }
0x1f4: {  	[sflag:s9] =	ssyncadd.s32 $0xFFFF8000  }
0x1f5: {  	[tilespmem:s8], [sflag:$0x3] =	stream.indirect.gather [spmem:s2], $0x80, s23, s7, $0xb8;
	[tilespmem:$0x18D28] =	vst v63  }
0x1f6: {  	_ =	swait.ge [sflag:s14], $0x4000  }
0x1f7: {  	[sflag:s14] =	ssyncset.done $0x0  }
0x1f8: {  	[sflag:s14] =	ssyncadd.s32 $0xFFFFC000  }
0x1f9: {  	[tilespmem:s17], [sflag:$0x4] =	stream.indirect.gather [spmem:s2], $0x80, s22, s7, $0xb8;
	[tilespmem:$0x18D28] =	vst v63  }
0x1fa: {  	_ =	swait.ge [sflag:s13], $0x4000  }
0x1fb: {  	[sflag:s13] =	ssyncset.done $0x0  }
0x1fc: {  	s25 =	rddreg [dreg:$0xe];
	[sflag:s13] =	ssyncadd.s32 $0xFFFFC000  }
0x1fd: {  	[hbm4b:s25+s1] =	stream.linear.scatter [tilespmem:s6], [sflag:$0x9], $0x8000, $0x38;
	[tilespmem:$0x18D28] =	vst v63  }
0x1fe: {  	_ =	swait.ge [sflag:s10], $0x8000  }
0x1ff: {  	[sflag:s10] =	ssyncset.done $0x0  }
0x200: {  	[sflag:s10] =	ssyncadd.s32 $0xFFFF8000  }
0x201: {  	[tilespmem:s6], [sflag:$0x5] =	stream.indirect.gather [spmem:s2], $0x80, s21, s7, $0xb8;
	[tilespmem:$0x18D28] =	vst v63  }
0x202: {  	_ =	swait.ge [sflag:s5], $0x4000  }
0x203: {  	[sflag:s5] =	ssyncset.done $0x0  }
0x204: {  	[sflag:s5] =	ssyncadd.s32 $0xFFFFC000  }
0x205: {  	[tilespmem:s16], [sflag:$0x6] =	stream.indirect.gather [spmem:s2], $0x80, s31, s7, $0xb8;
	[tilespmem:$0x18D28] =	vst v63  }
0x206: {  	_ =	swait.ge [sflag:s15], $0x4000  }
0x207: {  	[sflag:s15] =	ssyncset.done $0x0  }
0x208: {  	s26 =	rddreg [dreg:$0xf];
	[sflag:s15] =	ssyncadd.s32 $0xFFFFC000  }
0x209: {  	[hbm4b:s26+s1] =	stream.linear.scatter [tilespmem:s3], [sflag:$0x7], $0x8000, $0x38;
	[tilespmem:$0x18D28] =	vst v63  }
0x20a: {  	_ =	swait.ge [sflag:s4], $0x8000  }
0x20b: {  	[sflag:s4] =	ssyncset.done $0x0  }
0x20c: {  	[sflag:s4] =	ssyncadd.s32 $0xFFFF8000  }
0x20d: {  	[tilespmem:s3], [sflag:$0x1] =	stream.indirect.gather [spmem:s2], $0x80, s30, s7, $0xb8;
	[tilespmem:$0x18D28] =	vst v63  }
0x20e: {  	_ =	swait.ge [sflag:s12], $0x4000  }
0x20f: {  	[sflag:s12] =	ssyncset.done $0x0  }
0x210: {  	[sflag:s12] =	ssyncadd.s32 $0xFFFFC000  }
0x211: {  	_ =	swait.ge [sflag:s11], $0x4000  }
0x212: {  	[sflag:s11] =	ssyncset.done $0x0  }
0x213: {  	s28 =	rddreg [dreg:$0x10];
	[sflag:s11] =	ssyncadd.s32 $0xFFFFC000  }
0x214: {  	[hbm4b:s28+s1] =	stream.linear.scatter [tilespmem:s8], [sflag:$0x8], $0x8000, $0x38;
	[tilespmem:$0x18D28] =	vst v63  }
0x215: {  	_ =	swait.ge [sflag:s14], $0x4000  }
0x216: {  	[sflag:s14] =	ssyncset.done $0x0  }
0x217: {  	[sflag:s14] =	ssyncadd.s32 $0xFFFFC000  }
0x218: {  	_ =	swait.ge [sflag:s13], $0x4000  }
0x219: {  	[sflag:s13] =	ssyncset.done $0x0  }
0x21a: {  	s30 =	rddreg [dreg:$0x11];
	[sflag:s13] =	ssyncadd.s32 $0xFFFFC000  }
0x21b: {  	[hbm4b:s30+s1] =	stream.linear.scatter [tilespmem:s6], [sflag:$0x9], $0x8000, $0x38;
	[tilespmem:$0x18D28] =	vst v63  }
0x21c: {  	_ =	swait.ge [sflag:s5], $0x4000  }
0x21d: {  	[sflag:s5] =	ssyncset.done $0x0  }
0x21e: {  	s31 =	rddreg [dreg:$0x12];
	[sflag:s5] =	ssyncadd.s32 $0xFFFFC000  }
0x21f: {  	[hbm4b:s31+s1] =	stream.linear.scatter [tilespmem:s3], [sflag:$0x7], $0x4000, $0x38;
	[tilespmem:$0x18D28] =	vst v63  }
0x220: {  	_ =	swait.ge [sflag:s9], $0x8000  }
0x221: {  	[sflag:s9] =	ssyncset.done $0x0  }
0x222: {  	[sflag:s9] =	ssyncadd.s32 $0xFFFF8000  }
0x223: {  	_ =	swait.ge [sflag:s10], $0x8000  }
0x224: {  	[sflag:s10] =	ssyncset.done $0x0  }
0x225: {  	[sflag:s10] =	ssyncadd.s32 $0xFFFF8000  }
0x226: {  	_ =	swait.ge [sflag:s4], $0x4000  }
0x227: {  	[sflag:s4] =	ssyncset.done $0x0  }
0x228: {  	[sflag:s4] =	ssyncadd.s32 $0xFFFFC000  }
0x229: {  	_ =	sfence.sel $0x180000  }
0x22a: {  	[bflag:$0x0] =	sbarrier.arrive $0xFFFF  }
0x22b: {  	_ =	strace $0x90000047  }
0x22c: {  	s0 =	sadd.s32 @!p0 $0x100000, s29;
	[bflag:$0x2] =	sbarrier.arrive $0xFFFF  }
0x22d: {  	[sflag:s0] =	ssyncadd.tile.s32 @!p0 $0x1;
	_ =	shalt  }
.LBB2_1:
.Ltmp3:
0x22e: {  	(pc) =	sbr.rel .LBB2_6-.Ltmp3, $2  }
0x22f: {  	_ =	sdelay $0x2  }
0x230: {  	s31 =	simm.s32 $0xB80;
	s30 =	simm.s32 $0xC00  }
.LBB2_3:
.Ltmp4:
0x231: {  	(pc) =	sbr.rel .LBB2_6-.Ltmp4, $2  }
0x232: {  	_ =	sdelay $0x2  }
0x233: {  	s31 =	simm.s32 $0xB80;
	s30 =	simm.s32 $0xC00;
	s29 =	rddreg [dreg:$0x4]  }
.Lfunc_end2:
_tile_overlayer_lowered:
.L_overlay_start_2:
0x234: {  	(tag) =	ssettag $0x2  }
0x235: {  	s0 =	rddreg [dreg:$0x0];
	s2 =	stileid.u32  }
0x236: {  	s1 =	rddreg [dreg:$0x1];
	p0 =	sne.s32 s2, $0x0  }
0x237: {  	s3 =	rddreg [dreg:$0x2];
	[bflag:$0x3] =	sbarrier.arrive $0xFFFF;
	s2 =	simm.s32 @!p0 $0x1C0B  }
0x238: {  	[timem:s3], [sflag:s2] =	dma.local @!p0 [hbm:s0], s1  }
0x239: {  	s0 =	simm.s32 @!p0 $0xB  }
0x23a: {  	_ =	swait.ge @!p0 [sflag:s0], s1  }
0x23b: {  	s1 =	ssub.s32 @!p0 $0x0, s1;
	[sflag:s0] =	ssyncset.done @!p0 $0x0  }
0x23c: {  	[sflag:s0] =	ssyncadd.s32 @!p0 s1  }
0x23d: {  	[bflag:$0x3] =	sbarrier.arrive $0xFFFF  }
0x23e: {  	_ =	shalt  }

</sc_bundles>
